<compile_context>
chip_gen: v7x
topology: tpu7x:2x2x1
jax: 0.10.2.dev20260603
libtpu: 0.0.44.dev20260713+nightly
codegen_flags: <defaults>
</compile_context>

<pallas_src>
import functools

import jax
import jax.numpy as jnp
from jax import lax
from jax.experimental import pallas as pl
from jax.experimental.pallas import tpu as pltpu
from jax.experimental.pallas import tpu_sc as plsc

_K = 64
_ROWS = 128
_COLS = 32768
_ROWS_PER_W = _ROWS // 32


def _to_key(v):
    s = lax.bitcast_convert_type(v, jnp.int32)
    return s ^ lax.shift_right_logical(lax.shift_right_arithmetic(s, 31), 1)


def _scan_level(hist_ref, k):
    iota = lax.iota(jnp.int32, 16)
    zeros = jnp.zeros(16, jnp.int32)
    ts, gs = [], []
    for i in range(16):
        t = hist_ref[pl.ds(i * 16, 16)]
        ts.append(t)
        gs.append(jnp.sum(t))
        hist_ref[pl.ds(i * 16, 16)] = zeros
    sg = [None] * 17
    sg[16] = jnp.int32(0)
    for i in range(15, -1, -1):
        sg[i] = sg[i + 1] + gs[i]
    G = jnp.int32(0)
    for i in range(16):
        G = jnp.where(sg[i] >= k, jnp.int32(i), G)
    sgn = jnp.int32(0)
    v = ts[0]
    for i in range(16):
        is_g = G == jnp.int32(i)
        sgn = jnp.where(is_g, sg[i + 1], sgn)
        v = jnp.where(is_g, ts[i], v)
    s = lax.rev(plsc.cumsum(lax.rev(v, (0,))), (0,))
    m = (s + sgn) >= k
    bl = jnp.max(jnp.where(m, iota, jnp.int32(-1)))
    hb = jnp.max(jnp.where(iota == bl, v, jnp.int32(0)))
    s_at = jnp.max(jnp.where(iota == bl, s, jnp.int32(0)))
    above = s_at + sgn - hb
    return G * 16 + bl, k - above


_mesh = plsc.VectorSubcoreMesh(core_axis_name="c", subcore_axis_name="s")


def _make_sc(rows):
  rows_per_w = rows // 32

  @functools.partial(
      pl.kernel,
      out_type=jax.ShapeDtypeStruct((rows, _COLS), jnp.float32),
      mesh=_mesh,
      scratch_types=[
          pltpu.VMEM((_COLS,), jnp.float32),
          pltpu.VMEM((_COLS,), jnp.int32),
          pltpu.VMEM((256,), jnp.int32),
      ],
      compiler_params=pltpu.CompilerParams(needs_layout_passes=False),
  )
  def _sc_ksparse(x_hbm, out_hbm, row_v, key_v, hist_ref):
    wid = lax.axis_index("s") * 2 + lax.axis_index("c")
    ones = jnp.ones(16, jnp.int32)
    zeros = jnp.zeros(16, jnp.int32)
    for i in range(16):
        hist_ref[pl.ds(i * 16, 16)] = zeros

    def row_body(jr, carry):
        r = wid * rows_per_w + jr
        pltpu.sync_copy(x_hbm.at[r], row_v)

        @plsc.parallel_loop(0, _COLS, 16, unroll=8)
        def p1(o):
            v = row_v[pl.ds(o, 16)]
            ik = _to_key(v)
            key_v[pl.ds(o, 16)] = ik
            b0 = lax.shift_right_arithmetic(ik, 24) + 128
            plsc.addupdate_scatter(hist_ref, [b0], ones)

        B0, k1 = _scan_level(hist_ref, jnp.int32(_K))

        @plsc.parallel_loop(0, _COLS, 16, unroll=8)
        def p2(o):
            ik = key_v[pl.ds(o, 16)]
            m = (lax.shift_right_arithmetic(ik, 24) + 128) == B0
            b = jnp.bitwise_and(lax.shift_right_arithmetic(ik, 16), 255)
            plsc.addupdate_scatter(hist_ref, [b], ones, mask=m)

        B1, k2 = _scan_level(hist_ref, k1)
        t16 = (B0 - 128) * 256 + B1

        @plsc.parallel_loop(0, _COLS, 16, unroll=8)
        def p3(o):
            ik = key_v[pl.ds(o, 16)]
            m = lax.shift_right_arithmetic(ik, 16) == t16
            b = jnp.bitwise_and(lax.shift_right_arithmetic(ik, 8), 255)
            plsc.addupdate_scatter(hist_ref, [b], ones, mask=m)

        B2, k3 = _scan_level(hist_ref, k2)
        t8 = t16 * 256 + B2

        @plsc.parallel_loop(0, _COLS, 16, unroll=8)
        def p4(o):
            ik = key_v[pl.ds(o, 16)]
            m = lax.shift_right_arithmetic(ik, 8) == t8
            b = jnp.bitwise_and(ik, 255)
            plsc.addupdate_scatter(hist_ref, [b], ones, mask=m)

        B3, _ = _scan_level(hist_ref, k3)
        thr = t8 * 256 + B3

        @plsc.parallel_loop(0, _COLS, 16, unroll=8)
        def p5(o):
            ik = key_v[pl.ds(o, 16)]
            v = row_v[pl.ds(o, 16)]
            row_v[pl.ds(o, 16)] = jnp.where(ik >= thr, v, jnp.float32(0.0))

        pltpu.sync_copy(row_v, out_hbm.at[r])
        return carry

    lax.fori_loop(0, rows_per_w, row_body, 0)

  return _sc_ksparse


_TC_ROWS = 32
_sc_main = _make_sc(_ROWS - _TC_ROWS)


def _tc_block(x_ref, o_ref):
    x = x_ref[...]
    s = lax.bitcast_convert_type(x, jnp.int32)
    min32 = jnp.int32(-2147483648)
    ikey = jnp.where(s < 0, jnp.bitwise_xor(jnp.invert(s), min32), s)
    prefix = jnp.full((x.shape[0], 1), -2147483648, jnp.int32)
    for b in range(31, -1, -1):
        import numpy as _np
        inc = jnp.int32(_np.uint32(1 << b).astype(_np.int32))
        cand = prefix + inc
        cnt = jnp.sum((ikey >= cand).astype(jnp.int32), axis=1, keepdims=True)
        prefix = jnp.where(cnt >= _K, cand, prefix)
    o_ref[...] = jnp.where(ikey >= prefix, x, jnp.float32(0.0))


def _tc_ksparse(x):
    n = x.shape[0]
    return pl.pallas_call(
        _tc_block,
        grid=(n // 8,),
        in_specs=[pl.BlockSpec((8, _COLS), lambda i: (i, 0))],
        out_specs=pl.BlockSpec((8, _COLS), lambda i: (i, 0)),
        out_shape=jax.ShapeDtypeStruct((n, _COLS), jnp.float32),
    )(x)


def kernel(inputs):
    out_tc = _tc_ksparse(inputs[:_TC_ROWS])
    out_sc = _sc_main(inputs[_TC_ROWS:])
    return jnp.concatenate([out_tc, out_sc], axis=0)

# --- scband reference (transcript-rebuilt; emitter-appended) ---
"""Pipeline reference for scband-ksparse-33346126086434 (READ-ONLY COPY).

The authoritative reference and input builder live on the scoring server;
editing this copy changes nothing except your own understanding.
"""

import jax, jax.numpy as jnp
import numpy as np

K = 64  # sparsity_levels[0]

def setup_inputs(seed: int = 0) -> dict:
    key = jax.random.key(seed)
    inputs = jax.random.normal(key, (128, 32768), dtype=jnp.float32)
    return {"inputs": inputs}

def reference(inputs):
    # KSparse: keep only values >= k-th largest per row, zero out the rest.
    # tf.sort(inputs, direction='DESCENDING')[..., k-1]
    sorted_desc = -jnp.sort(-inputs, axis=-1)
    kth_largest = sorted_desc[..., K - 1][..., None]
    mask = (inputs >= kth_largest).astype(jnp.float32)
    sparse_inputs = inputs * mask
    return sparse_inputs

if __name__ == "__main__":
    import jax
    _d = setup_inputs()
    print(jax.jit(kernel)(*tuple(_d.values())))

</pallas_src>

<mosaic_0001>
#map = affine_map<(d0, d1) -> (0, 0)>
module attributes {stable_mosaic.version = 14 : i64} {
  func.func @_sc_ksparse(%arg0: i32, %arg1: i32, %arg2: memref<96x32768xf32, #tpu.memory_space<hbm>>, %arg3: memref<96x32768xf32, #tpu.memory_space<hbm>>, %arg4: memref<32768xf32, #tpu.memory_space<vmem>>, %arg5: memref<32768xi32, #tpu.memory_space<vmem>>, %arg6: memref<256xi32, #tpu.memory_space<vmem>>) attributes {dimension_semantics = [#tpu.dimension_semantics<core_parallel>, #tpu.dimension_semantics<subcore_parallel>], iteration_bounds = array<i64: 2, 16>, scalar_prefetch = 0 : i64, scratch_operands = 3 : i64, tpu.core_type = #tpu.core_type<sc_vector_subcore>, window_params = [{transform_indices = #map}, {transform_indices = #map}]} {
    %mul3A = arith.constant 2 : i32
    %mul3A_0 = arith.muli %arg1, %mul3A : i32
    %add3A = arith.addi %mul3A_0, %arg0 : i32
    %broadcast_in_dim3A = arith.constant 1 : i32
    %broadcast_in_dim3A_1 = vector.broadcast %broadcast_in_dim3A : i32 to vector<16xi32>
    %broadcast_in_dim3A_2 = arith.constant 0 : i32
    %broadcast_in_dim3A_3 = vector.broadcast %broadcast_in_dim3A_2 : i32 to vector<16xi32>
    %swap3A = arith.constant 0 : index
    %swap3A_4 = tpu.vector_load %arg6[%swap3A] {strides = array<i32>} : memref<256xi32, #tpu.memory_space<vmem>>, vector<16xi32>,
    tpu.vector_store %arg6[%swap3A], %broadcast_in_dim3A_3 {strides = array<i32>} : memref<256xi32, #tpu.memory_space<vmem>>, vector<16xi32>,
    %swap3A_5 = arith.constant 16 : index
    %swap3A_6 = tpu.vector_load %arg6[%swap3A_5] {strides = array<i32>} : memref<256xi32, #tpu.memory_space<vmem>>, vector<16xi32>,
    tpu.vector_store %arg6[%swap3A_5], %broadcast_in_dim3A_3 {strides = array<i32>} : memref<256xi32, #tpu.memory_space<vmem>>, vector<16xi32>,
    %swap3A_7 = arith.constant 32 : index
    %swap3A_8 = tpu.vector_load %arg6[%swap3A_7] {strides = array<i32>} : memref<256xi32, #tpu.memory_space<vmem>>, vector<16xi32>,
    tpu.vector_store %arg6[%swap3A_7], %broadcast_in_dim3A_3 {strides = array<i32>} : memref<256xi32, #tpu.memory_space<vmem>>, vector<16xi32>,
    %swap3A_9 = arith.constant 48 : index
    %swap3A_10 = tpu.vector_load %arg6[%swap3A_9] {strides = array<i32>} : memref<256xi32, #tpu.memory_space<vmem>>, vector<16xi32>,
    tpu.vector_store %arg6[%swap3A_9], %broadcast_in_dim3A_3 {strides = array<i32>} : memref<256xi32, #tpu.memory_space<vmem>>, vector<16xi32>,
    %swap3A_11 = arith.constant 64 : index
    %swap3A_12 = tpu.vector_load %arg6[%swap3A_11] {strides = array<i32>} : memref<256xi32, #tpu.memory_space<vmem>>, vector<16xi32>,
    tpu.vector_store %arg6[%swap3A_11], %broadcast_in_dim3A_3 {strides = array<i32>} : memref<256xi32, #tpu.memory_space<vmem>>, vector<16xi32>,
    %swap3A_13 = arith.constant 80 : index
    %swap3A_14 = tpu.vector_load %arg6[%swap3A_13] {strides = array<i32>} : memref<256xi32, #tpu.memory_space<vmem>>, vector<16xi32>,
    tpu.vector_store %arg6[%swap3A_13], %broadcast_in_dim3A_3 {strides = array<i32>} : memref<256xi32, #tpu.memory_space<vmem>>, vector<16xi32>,
    %swap3A_15 = arith.constant 96 : index
    %swap3A_16 = tpu.vector_load %arg6[%swap3A_15] {strides = array<i32>} : memref<256xi32, #tpu.memory_space<vmem>>, vector<16xi32>,
    tpu.vector_store %arg6[%swap3A_15], %broadcast_in_dim3A_3 {strides = array<i32>} : memref<256xi32, #tpu.memory_space<vmem>>, vector<16xi32>,
    %swap3A_17 = arith.constant 112 : index
    %swap3A_18 = tpu.vector_load %arg6[%swap3A_17] {strides = array<i32>} : memref<256xi32, #tpu.memory_space<vmem>>, vector<16xi32>,
    tpu.vector_store %arg6[%swap3A_17], %broadcast_in_dim3A_3 {strides = array<i32>} : memref<256xi32, #tpu.memory_space<vmem>>, vector<16xi32>,
    %swap3A_19 = arith.constant 128 : index
    %swap3A_20 = tpu.vector_load %arg6[%swap3A_19] {strides = array<i32>} : memref<256xi32, #tpu.memory_space<vmem>>, vector<16xi32>,
    tpu.vector_store %arg6[%swap3A_19], %broadcast_in_dim3A_3 {strides = array<i32>} : memref<256xi32, #tpu.memory_space<vmem>>, vector<16xi32>,
    %swap3A_21 = arith.constant 144 : index
    %swap3A_22 = tpu.vector_load %arg6[%swap3A_21] {strides = array<i32>} : memref<256xi32, #tpu.memory_space<vmem>>, vector<16xi32>,
    tpu.vector_store %arg6[%swap3A_21], %broadcast_in_dim3A_3 {strides = array<i32>} : memref<256xi32, #tpu.memory_space<vmem>>, vector<16xi32>,
    %swap3A_23 = arith.constant 160 : index
    %swap3A_24 = tpu.vector_load %arg6[%swap3A_23] {strides = array<i32>} : memref<256xi32, #tpu.memory_space<vmem>>, vector<16xi32>,
    tpu.vector_store %arg6[%swap3A_23], %broadcast_in_dim3A_3 {strides = array<i32>} : memref<256xi32, #tpu.memory_space<vmem>>, vector<16xi32>,
    %swap3A_25 = arith.constant 176 : index
    %swap3A_26 = tpu.vector_load %arg6[%swap3A_25] {strides = array<i32>} : memref<256xi32, #tpu.memory_space<vmem>>, vector<16xi32>,
    tpu.vector_store %arg6[%swap3A_25], %broadcast_in_dim3A_3 {strides = array<i32>} : memref<256xi32, #tpu.memory_space<vmem>>, vector<16xi32>,
    %swap3A_27 = arith.constant 192 : index
    %swap3A_28 = tpu.vector_load %arg6[%swap3A_27] {strides = array<i32>} : memref<256xi32, #tpu.memory_space<vmem>>, vector<16xi32>,
    tpu.vector_store %arg6[%swap3A_27], %broadcast_in_dim3A_3 {strides = array<i32>} : memref<256xi32, #tpu.memory_space<vmem>>, vector<16xi32>,
    %swap3A_29 = arith.constant 208 : index
    %swap3A_30 = tpu.vector_load %arg6[%swap3A_29] {strides = array<i32>} : memref<256xi32, #tpu.memory_space<vmem>>, vector<16xi32>,
    tpu.vector_store %arg6[%swap3A_29], %broadcast_in_dim3A_3 {strides = array<i32>} : memref<256xi32, #tpu.memory_space<vmem>>, vector<16xi32>,
    %swap3A_31 = arith.constant 224 : index
    %swap3A_32 = tpu.vector_load %arg6[%swap3A_31] {strides = array<i32>} : memref<256xi32, #tpu.memory_space<vmem>>, vector<16xi32>,
    tpu.vector_store %arg6[%swap3A_31], %broadcast_in_dim3A_3 {strides = array<i32>} : memref<256xi32, #tpu.memory_space<vmem>>, vector<16xi32>,
    %swap3A_33 = arith.constant 240 : index
    %swap3A_34 = tpu.vector_load %arg6[%swap3A_33] {strides = array<i32>} : memref<256xi32, #tpu.memory_space<vmem>>, vector<16xi32>,
    tpu.vector_store %arg6[%swap3A_33], %broadcast_in_dim3A_3 {strides = array<i32>} : memref<256xi32, #tpu.memory_space<vmem>>, vector<16xi32>,
    %scan3A = arith.constant 0 : i32
    %scan3A_35 = arith.constant 0 : i32
    %scan3A_36 = arith.constant 3 : i32
    %scan3A_37 = arith.addi %scan3A_35, %scan3A_36 : i32
    %scan3A_38 = arith.constant 1 : i32
    scf.for %scan3A_40 = %scan3A_35 to %scan3A_37 step %scan3A_38  : i32 {
      %mul3A_41 = arith.constant 3 : i32
      %mul3A_42 = arith.muli %add3A, %mul3A_41 : i32
      %add3A_43 = arith.addi %mul3A_42, %scan3A_40 : i32
      "tpu.region"() ({
        %run_scoped3A = tpu.sem_alloc : memref<!tpu.dma_semaphore, #tpu.memory_space<semaphore_mem>>
        %dma_start3A = arith.constant 0 : i32
        %dma_start3A_1368 = tpu.memref_slice %arg2[%add3A_43, %dma_start3A] : memref<96x32768xf32, #tpu.memory_space<hbm>> -> memref<1x32768xf32, #tpu.memory_space<hbm>>
        %dma_start3A_1369 = tpu.memref_squeeze %dma_start3A_1368 : memref<1x32768xf32, #tpu.memory_space<hbm>> -> memref<32768xf32, #tpu.memory_space<hbm>>
        %dma_start3A_1370 = arith.constant 0 : i32
        %dma_start3A_1371 = tpu.memref_slice %arg2[%add3A_43, %dma_start3A_1370] : memref<96x32768xf32, #tpu.memory_space<hbm>> -> memref<1x32768xf32, #tpu.memory_space<hbm>>
        %dma_start3A_1372 = tpu.memref_squeeze %dma_start3A_1371 : memref<1x32768xf32, #tpu.memory_space<hbm>> -> memref<32768xf32, #tpu.memory_space<hbm>>
        tpu.enqueue_dma source(%dma_start3A_1372 : memref<32768xf32, #tpu.memory_space<hbm>>) target(%arg4 : memref<32768xf32, #tpu.memory_space<vmem>>) target_semaphore(%run_scoped3A : memref<!tpu.dma_semaphore, #tpu.memory_space<semaphore_mem>>)
        %dma_wait3A = arith.constant 0 : i32
        %dma_wait3A_1373 = tpu.memref_slice %arg2[%add3A_43, %dma_wait3A] : memref<96x32768xf32, #tpu.memory_space<hbm>> -> memref<1x32768xf32, #tpu.memory_space<hbm>>
        %dma_wait3A_1374 = tpu.memref_squeeze %dma_wait3A_1373 : memref<1x32768xf32, #tpu.memory_space<hbm>> -> memref<32768xf32, #tpu.memory_space<hbm>>
        %dma_wait3A_1375 = arith.constant 0 : i32
        %dma_wait3A_1376 = tpu.memref_slice %arg2[%add3A_43, %dma_wait3A_1375] : memref<96x32768xf32, #tpu.memory_space<hbm>> -> memref<1x32768xf32, #tpu.memory_space<hbm>>
        %dma_wait3A_1377 = tpu.memref_squeeze %dma_wait3A_1376 : memref<1x32768xf32, #tpu.memory_space<hbm>> -> memref<32768xf32, #tpu.memory_space<hbm>>
        tpu.wait_dma2 semaphore(%run_scoped3A : memref<!tpu.dma_semaphore, #tpu.memory_space<semaphore_mem>>) src(%dma_wait3A_1377 : memref<32768xf32, #tpu.memory_space<hbm>>) dst(%arg4 : memref<32768xf32, #tpu.memory_space<vmem>>)
        tpu.yield
      }) : () -> ()
      %parallel_loop3A = arith.constant 0 : i32
      %parallel_loop3A_44 = arith.constant 32768 : i32
      %parallel_loop3A_45 = arith.constant 16 : i32
      scf.for %parallel_loop3A_1368 = %parallel_loop3A to %parallel_loop3A_44 step %parallel_loop3A_45  : i32 {
        %parallel_loop3A_1369 = arith.index_cast %parallel_loop3A_1368 : i32 to index
        %parallel_loop3A_1370 = tpu.vector_load %arg4[%parallel_loop3A_1369] {strides = array<i32>} : memref<32768xf32, #tpu.memory_space<vmem>>, vector<16xf32>,
        %parallel_loop3A_1371 = tpu.bitcast %parallel_loop3A_1370 : vector<16xf32> -> vector<16xi32>
        %parallel_loop3A_1372 = arith.constant 31 : i32
        %parallel_loop3A_1373 = vector.broadcast %parallel_loop3A_1372 : i32 to vector<16xi32>
        %parallel_loop3A_1374 = arith.shrsi %parallel_loop3A_1371, %parallel_loop3A_1373 : vector<16xi32>
        %parallel_loop3A_1375 = arith.constant 1 : i32
        %parallel_loop3A_1376 = vector.broadcast %parallel_loop3A_1375 : i32 to vector<16xi32>
        %parallel_loop3A_1377 = arith.shrui %parallel_loop3A_1374, %parallel_loop3A_1376 : vector<16xi32>
        %parallel_loop3A_1378 = arith.xori %parallel_loop3A_1371, %parallel_loop3A_1377 : vector<16xi32>
        %parallel_loop3A_1379 = arith.index_cast %parallel_loop3A_1368 : i32 to index
        %parallel_loop3A_1380 = tpu.vector_load %arg5[%parallel_loop3A_1379] {strides = array<i32>} : memref<32768xi32, #tpu.memory_space<vmem>>, vector<16xi32>,
        tpu.vector_store %arg5[%parallel_loop3A_1379], %parallel_loop3A_1378 {strides = array<i32>} : memref<32768xi32, #tpu.memory_space<vmem>>, vector<16xi32>,
        %parallel_loop3A_1381 = arith.constant 24 : i32
        %parallel_loop3A_1382 = vector.broadcast %parallel_loop3A_1381 : i32 to vector<16xi32>
        %parallel_loop3A_1383 = arith.shrsi %parallel_loop3A_1378, %parallel_loop3A_1382 : vector<16xi32>
        %parallel_loop3A_1384 = arith.constant 128 : i32
        %parallel_loop3A_1385 = vector.broadcast %parallel_loop3A_1384 : i32 to vector<16xi32>
        %parallel_loop3A_1386 = arith.addi %parallel_loop3A_1383, %parallel_loop3A_1385 : vector<16xi32>
        tpu.vector_store_idx %arg6[%parallel_loop3A_1386], %broadcast_in_dim3A_1 {add = true} : memref<256xi32, #tpu.memory_space<vmem>>[vector<16xi32>], vector<16xi32>,
      } {sc.loop_unroll_factor = 8 : i64, sc.parallel_access}
      %iota3A = tpu.iota {dimensions = array<i32: 0>} : vector<16xi32>
      %broadcast_in_dim3A_46 = arith.constant 0 : i32
      %broadcast_in_dim3A_47 = vector.broadcast %broadcast_in_dim3A_46 : i32 to vector<16xi32>
      %get3A = arith.constant 0 : index
      %get3A_48 = tpu.vector_load %arg6[%get3A] {strides = array<i32>} : memref<256xi32, #tpu.memory_space<vmem>>, vector<16xi32>,
      %reduce_sum3A = arith.constant true
      %reduce_sum3A_49 = vector.broadcast %reduce_sum3A : i1 to vector<16xi1>
      %reduce_sum3A_50 = tpu.scan <sum>, %get3A_48 masked %reduce_sum3A_49 : vector<16xi32>, vector<16xi1> -> vector<16xi32>
      %reduce_sum3A_51 = vector.extract %reduce_sum3A_50[15] : i32 from vector<16xi32>
      %swap3A_52 = arith.constant 0 : index
      %swap3A_53 = tpu.vector_load %arg6[%swap3A_52] {strides = array<i32>} : memref<256xi32, #tpu.memory_space<vmem>>, vector<16xi32>,
      tpu.vector_store %arg6[%swap3A_52], %broadcast_in_dim3A_47 {strides = array<i32>} : memref<256xi32, #tpu.memory_space<vmem>>, vector<16xi32>,
      %get3A_54 = arith.constant 16 : index
      %get3A_55 = tpu.vector_load %arg6[%get3A_54] {strides = array<i32>} : memref<256xi32, #tpu.memory_space<vmem>>, vector<16xi32>,
      %reduce_sum3A_56 = arith.constant true
      %reduce_sum3A_57 = vector.broadcast %reduce_sum3A_56 : i1 to vector<16xi1>
      %reduce_sum3A_58 = tpu.scan <sum>, %get3A_55 masked %reduce_sum3A_57 : vector<16xi32>, vector<16xi1> -> vector<16xi32>
      %reduce_sum3A_59 = vector.extract %reduce_sum3A_58[15] : i32 from vector<16xi32>
      %swap3A_60 = arith.constant 16 : index
      %swap3A_61 = tpu.vector_load %arg6[%swap3A_60] {strides = array<i32>} : memref<256xi32, #tpu.memory_space<vmem>>, vector<16xi32>,
      tpu.vector_store %arg6[%swap3A_60], %broadcast_in_dim3A_47 {strides = array<i32>} : memref<256xi32, #tpu.memory_space<vmem>>, vector<16xi32>,
      %get3A_62 = arith.constant 32 : index
      %get3A_63 = tpu.vector_load %arg6[%get3A_62] {strides = array<i32>} : memref<256xi32, #tpu.memory_space<vmem>>, vector<16xi32>,
      %reduce_sum3A_64 = arith.constant true
      %reduce_sum3A_65 = vector.broadcast %reduce_sum3A_64 : i1 to vector<16xi1>
      %reduce_sum3A_66 = tpu.scan <sum>, %get3A_63 masked %reduce_sum3A_65 : vector<16xi32>, vector<16xi1> -> vector<16xi32>
      %reduce_sum3A_67 = vector.extract %reduce_sum3A_66[15] : i32 from vector<16xi32>
      %swap3A_68 = arith.constant 32 : index
      %swap3A_69 = tpu.vector_load %arg6[%swap3A_68] {strides = array<i32>} : memref<256xi32, #tpu.memory_space<vmem>>, vector<16xi32>,
      tpu.vector_store %arg6[%swap3A_68], %broadcast_in_dim3A_47 {strides = array<i32>} : memref<256xi32, #tpu.memory_space<vmem>>, vector<16xi32>,
      %get3A_70 = arith.constant 48 : index
      %get3A_71 = tpu.vector_load %arg6[%get3A_70] {strides = array<i32>} : memref<256xi32, #tpu.memory_space<vmem>>, vector<16xi32>,
      %reduce_sum3A_72 = arith.constant true
      %reduce_sum3A_73 = vector.broadcast %reduce_sum3A_72 : i1 to vector<16xi1>
      %reduce_sum3A_74 = tpu.scan <sum>, %get3A_71 masked %reduce_sum3A_73 : vector<16xi32>, vector<16xi1> -> vector<16xi32>
      %reduce_sum3A_75 = vector.extract %reduce_sum3A_74[15] : i32 from vector<16xi32>
      %swap3A_76 = arith.constant 48 : index
      %swap3A_77 = tpu.vector_load %arg6[%swap3A_76] {strides = array<i32>} : memref<256xi32, #tpu.memory_space<vmem>>, vector<16xi32>,
      tpu.vector_store %arg6[%swap3A_76], %broadcast_in_dim3A_47 {strides = array<i32>} : memref<256xi32, #tpu.memory_space<vmem>>, vector<16xi32>,
      %get3A_78 = arith.constant 64 : index
      %get3A_79 = tpu.vector_load %arg6[%get3A_78] {strides = array<i32>} : memref<256xi32, #tpu.memory_space<vmem>>, vector<16xi32>,
      %reduce_sum3A_80 = arith.constant true
      %reduce_sum3A_81 = vector.broadcast %reduce_sum3A_80 : i1 to vector<16xi1>
      %reduce_sum3A_82 = tpu.scan <sum>, %get3A_79 masked %reduce_sum3A_81 : vector<16xi32>, vector<16xi1> -> vector<16xi32>
      %reduce_sum3A_83 = vector.extract %reduce_sum3A_82[15] : i32 from vector<16xi32>
      %swap3A_84 = arith.constant 64 : index
      %swap3A_85 = tpu.vector_load %arg6[%swap3A_84] {strides = array<i32>} : memref<256xi32, #tpu.memory_space<vmem>>, vector<16xi32>,
      tpu.vector_store %arg6[%swap3A_84], %broadcast_in_dim3A_47 {strides = array<i32>} : memref<256xi32, #tpu.memory_space<vmem>>, vector<16xi32>,
      %get3A_86 = arith.constant 80 : index
      %get3A_87 = tpu.vector_load %arg6[%get3A_86] {strides = array<i32>} : memref<256xi32, #tpu.memory_space<vmem>>, vector<16xi32>,
      %reduce_sum3A_88 = arith.constant true
      %reduce_sum3A_89 = vector.broadcast %reduce_sum3A_88 : i1 to vector<16xi1>
      %reduce_sum3A_90 = tpu.scan <sum>, %get3A_87 masked %reduce_sum3A_89 : vector<16xi32>, vector<16xi1> -> vector<16xi32>
      %reduce_sum3A_91 = vector.extract %reduce_sum3A_90[15] : i32 from vector<16xi32>
      %swap3A_92 = arith.constant 80 : index
      %swap3A_93 = tpu.vector_load %arg6[%swap3A_92] {strides = array<i32>} : memref<256xi32, #tpu.memory_space<vmem>>, vector<16xi32>,
      tpu.vector_store %arg6[%swap3A_92], %broadcast_in_dim3A_47 {strides = array<i32>} : memref<256xi32, #tpu.memory_space<vmem>>, vector<16xi32>,
      %get3A_94 = arith.constant 96 : index
      %get3A_95 = tpu.vector_load %arg6[%get3A_94] {strides = array<i32>} : memref<256xi32, #tpu.memory_space<vmem>>, vector<16xi32>,
      %reduce_sum3A_96 = arith.constant true
      %reduce_sum3A_97 = vector.broadcast %reduce_sum3A_96 : i1 to vector<16xi1>
      %reduce_sum3A_98 = tpu.scan <sum>, %get3A_95 masked %reduce_sum3A_97 : vector<16xi32>, vector<16xi1> -> vector<16xi32>
      %reduce_sum3A_99 = vector.extract %reduce_sum3A_98[15] : i32 from vector<16xi32>
      %swap3A_100 = arith.constant 96 : index
      %swap3A_101 = tpu.vector_load %arg6[%swap3A_100] {strides = array<i32>} : memref<256xi32, #tpu.memory_space<vmem>>, vector<16xi32>,
      tpu.vector_store %arg6[%swap3A_100], %broadcast_in_dim3A_47 {strides = array<i32>} : memref<256xi32, #tpu.memory_space<vmem>>, vector<16xi32>,
      %get3A_102 = arith.constant 112 : index
      %get3A_103 = tpu.vector_load %arg6[%get3A_102] {strides = array<i32>} : memref<256xi32, #tpu.memory_space<vmem>>, vector<16xi32>,
      %reduce_sum3A_104 = arith.constant true
      %reduce_sum3A_105 = vector.broadcast %reduce_sum3A_104 : i1 to vector<16xi1>
      %reduce_sum3A_106 = tpu.scan <sum>, %get3A_103 masked %reduce_sum3A_105 : vector<16xi32>, vector<16xi1> -> vector<16xi32>
      %reduce_sum3A_107 = vector.extract %reduce_sum3A_106[15] : i32 from vector<16xi32>
      %swap3A_108 = arith.constant 112 : index
      %swap3A_109 = tpu.vector_load %arg6[%swap3A_108] {strides = array<i32>} : memref<256xi32, #tpu.memory_space<vmem>>, vector<16xi32>,
      tpu.vector_store %arg6[%swap3A_108], %broadcast_in_dim3A_47 {strides = array<i32>} : memref<256xi32, #tpu.memory_space<vmem>>, vector<16xi32>,
      %get3A_110 = arith.constant 128 : index
      %get3A_111 = tpu.vector_load %arg6[%get3A_110] {strides = array<i32>} : memref<256xi32, #tpu.memory_space<vmem>>, vector<16xi32>,
      %reduce_sum3A_112 = arith.constant true
      %reduce_sum3A_113 = vector.broadcast %reduce_sum3A_112 : i1 to vector<16xi1>
      %reduce_sum3A_114 = tpu.scan <sum>, %get3A_111 masked %reduce_sum3A_113 : vector<16xi32>, vector<16xi1> -> vector<16xi32>
      %reduce_sum3A_115 = vector.extract %reduce_sum3A_114[15] : i32 from vector<16xi32>
      %swap3A_116 = arith.constant 128 : index
      %swap3A_117 = tpu.vector_load %arg6[%swap3A_116] {strides = array<i32>} : memref<256xi32, #tpu.memory_space<vmem>>, vector<16xi32>,
      tpu.vector_store %arg6[%swap3A_116], %broadcast_in_dim3A_47 {strides = array<i32>} : memref<256xi32, #tpu.memory_space<vmem>>, vector<16xi32>,
      %get3A_118 = arith.constant 144 : index
      %get3A_119 = tpu.vector_load %arg6[%get3A_118] {strides = array<i32>} : memref<256xi32, #tpu.memory_space<vmem>>, vector<16xi32>,
      %reduce_sum3A_120 = arith.constant true
      %reduce_sum3A_121 = vector.broadcast %reduce_sum3A_120 : i1 to vector<16xi1>
      %reduce_sum3A_122 = tpu.scan <sum>, %get3A_119 masked %reduce_sum3A_121 : vector<16xi32>, vector<16xi1> -> vector<16xi32>
      %reduce_sum3A_123 = vector.extract %reduce_sum3A_122[15] : i32 from vector<16xi32>
      %swap3A_124 = arith.constant 144 : index
      %swap3A_125 = tpu.vector_load %arg6[%swap3A_124] {strides = array<i32>} : memref<256xi32, #tpu.memory_space<vmem>>, vector<16xi32>,
      tpu.vector_store %arg6[%swap3A_124], %broadcast_in_dim3A_47 {strides = array<i32>} : memref<256xi32, #tpu.memory_space<vmem>>, vector<16xi32>,
      %get3A_126 = arith.constant 160 : index
      %get3A_127 = tpu.vector_load %arg6[%get3A_126] {strides = array<i32>} : memref<256xi32, #tpu.memory_space<vmem>>, vector<16xi32>,
      %reduce_sum3A_128 = arith.constant true
      %reduce_sum3A_129 = vector.broadcast %reduce_sum3A_128 : i1 to vector<16xi1>
      %reduce_sum3A_130 = tpu.scan <sum>, %get3A_127 masked %reduce_sum3A_129 : vector<16xi32>, vector<16xi1> -> vector<16xi32>
      %reduce_sum3A_131 = vector.extract %reduce_sum3A_130[15] : i32 from vector<16xi32>
      %swap3A_132 = arith.constant 160 : index
      %swap3A_133 = tpu.vector_load %arg6[%swap3A_132] {strides = array<i32>} : memref<256xi32, #tpu.memory_space<vmem>>, vector<16xi32>,
      tpu.vector_store %arg6[%swap3A_132], %broadcast_in_dim3A_47 {strides = array<i32>} : memref<256xi32, #tpu.memory_space<vmem>>, vector<16xi32>,
      %get3A_134 = arith.constant 176 : index
      %get3A_135 = tpu.vector_load %arg6[%get3A_134] {strides = array<i32>} : memref<256xi32, #tpu.memory_space<vmem>>, vector<16xi32>,
      %reduce_sum3A_136 = arith.constant true
      %reduce_sum3A_137 = vector.broadcast %reduce_sum3A_136 : i1 to vector<16xi1>
      %reduce_sum3A_138 = tpu.scan <sum>, %get3A_135 masked %reduce_sum3A_137 : vector<16xi32>, vector<16xi1> -> vector<16xi32>
      %reduce_sum3A_139 = vector.extract %reduce_sum3A_138[15] : i32 from vector<16xi32>
      %swap3A_140 = arith.constant 176 : index
      %swap3A_141 = tpu.vector_load %arg6[%swap3A_140] {strides = array<i32>} : memref<256xi32, #tpu.memory_space<vmem>>, vector<16xi32>,
      tpu.vector_store %arg6[%swap3A_140], %broadcast_in_dim3A_47 {strides = array<i32>} : memref<256xi32, #tpu.memory_space<vmem>>, vector<16xi32>,
      %get3A_142 = arith.constant 192 : index
      %get3A_143 = tpu.vector_load %arg6[%get3A_142] {strides = array<i32>} : memref<256xi32, #tpu.memory_space<vmem>>, vector<16xi32>,
      %reduce_sum3A_144 = arith.constant true
      %reduce_sum3A_145 = vector.broadcast %reduce_sum3A_144 : i1 to vector<16xi1>
      %reduce_sum3A_146 = tpu.scan <sum>, %get3A_143 masked %reduce_sum3A_145 : vector<16xi32>, vector<16xi1> -> vector<16xi32>
      %reduce_sum3A_147 = vector.extract %reduce_sum3A_146[15] : i32 from vector<16xi32>
      %swap3A_148 = arith.constant 192 : index
      %swap3A_149 = tpu.vector_load %arg6[%swap3A_148] {strides = array<i32>} : memref<256xi32, #tpu.memory_space<vmem>>, vector<16xi32>,
      tpu.vector_store %arg6[%swap3A_148], %broadcast_in_dim3A_47 {strides = array<i32>} : memref<256xi32, #tpu.memory_space<vmem>>, vector<16xi32>,
      %get3A_150 = arith.constant 208 : index
      %get3A_151 = tpu.vector_load %arg6[%get3A_150] {strides = array<i32>} : memref<256xi32, #tpu.memory_space<vmem>>, vector<16xi32>,
      %reduce_sum3A_152 = arith.constant true
      %reduce_sum3A_153 = vector.broadcast %reduce_sum3A_152 : i1 to vector<16xi1>
      %reduce_sum3A_154 = tpu.scan <sum>, %get3A_151 masked %reduce_sum3A_153 : vector<16xi32>, vector<16xi1> -> vector<16xi32>
      %reduce_sum3A_155 = vector.extract %reduce_sum3A_154[15] : i32 from vector<16xi32>
      %swap3A_156 = arith.constant 208 : index
      %swap3A_157 = tpu.vector_load %arg6[%swap3A_156] {strides = array<i32>} : memref<256xi32, #tpu.memory_space<vmem>>, vector<16xi32>,
      tpu.vector_store %arg6[%swap3A_156], %broadcast_in_dim3A_47 {strides = array<i32>} : memref<256xi32, #tpu.memory_space<vmem>>, vector<16xi32>,
      %get3A_158 = arith.constant 224 : index
      %get3A_159 = tpu.vector_load %arg6[%get3A_158] {strides = array<i32>} : memref<256xi32, #tpu.memory_space<vmem>>, vector<16xi32>,
      %reduce_sum3A_160 = arith.constant true
      %reduce_sum3A_161 = vector.broadcast %reduce_sum3A_160 : i1 to vector<16xi1>
      %reduce_sum3A_162 = tpu.scan <sum>, %get3A_159 masked %reduce_sum3A_161 : vector<16xi32>, vector<16xi1> -> vector<16xi32>
      %reduce_sum3A_163 = vector.extract %reduce_sum3A_162[15] : i32 from vector<16xi32>
      %swap3A_164 = arith.constant 224 : index
      %swap3A_165 = tpu.vector_load %arg6[%swap3A_164] {strides = array<i32>} : memref<256xi32, #tpu.memory_space<vmem>>, vector<16xi32>,
      tpu.vector_store %arg6[%swap3A_164], %broadcast_in_dim3A_47 {strides = array<i32>} : memref<256xi32, #tpu.memory_space<vmem>>, vector<16xi32>,
      %get3A_166 = arith.constant 240 : index
      %get3A_167 = tpu.vector_load %arg6[%get3A_166] {strides = array<i32>} : memref<256xi32, #tpu.memory_space<vmem>>, vector<16xi32>,
      %reduce_sum3A_168 = arith.constant true
      %reduce_sum3A_169 = vector.broadcast %reduce_sum3A_168 : i1 to vector<16xi1>
      %reduce_sum3A_170 = tpu.scan <sum>, %get3A_167 masked %reduce_sum3A_169 : vector<16xi32>, vector<16xi1> -> vector<16xi32>
      %reduce_sum3A_171 = vector.extract %reduce_sum3A_170[15] : i32 from vector<16xi32>
      %swap3A_172 = arith.constant 240 : index
      %swap3A_173 = tpu.vector_load %arg6[%swap3A_172] {strides = array<i32>} : memref<256xi32, #tpu.memory_space<vmem>>, vector<16xi32>,
      tpu.vector_store %arg6[%swap3A_172], %broadcast_in_dim3A_47 {strides = array<i32>} : memref<256xi32, #tpu.memory_space<vmem>>, vector<16xi32>,
      %add3A_174 = arith.constant 0 : i32
      %add3A_175 = arith.addi %add3A_174, %reduce_sum3A_171 : i32
      %add3A_176 = arith.addi %add3A_175, %reduce_sum3A_163 : i32
      %add3A_177 = arith.addi %add3A_176, %reduce_sum3A_155 : i32
      %add3A_178 = arith.addi %add3A_177, %reduce_sum3A_147 : i32
      %add3A_179 = arith.addi %add3A_178, %reduce_sum3A_139 : i32
      %add3A_180 = arith.addi %add3A_179, %reduce_sum3A_131 : i32
      %add3A_181 = arith.addi %add3A_180, %reduce_sum3A_123 : i32
      %add3A_182 = arith.addi %add3A_181, %reduce_sum3A_115 : i32
      %add3A_183 = arith.addi %add3A_182, %reduce_sum3A_107 : i32
      %add3A_184 = arith.addi %add3A_183, %reduce_sum3A_99 : i32
      %add3A_185 = arith.addi %add3A_184, %reduce_sum3A_91 : i32
      %add3A_186 = arith.addi %add3A_185, %reduce_sum3A_83 : i32
      %add3A_187 = arith.addi %add3A_186, %reduce_sum3A_75 : i32
      %add3A_188 = arith.addi %add3A_187, %reduce_sum3A_67 : i32
      %add3A_189 = arith.addi %add3A_188, %reduce_sum3A_59 : i32
      %add3A_190 = arith.addi %add3A_189, %reduce_sum3A_51 : i32
      %ge3A = arith.constant 64 : i32
      %ge3A_191 = arith.cmpi sge, %add3A_190, %ge3A : i32
      %jit3A = arith.constant 0 : i32
      %jit3A_192 = arith.constant 0 : i32
      %select_n3A = arith.select %ge3A_191, %jit3A, %jit3A_192 : i32
      %ge3A_193 = arith.constant 64 : i32
      %ge3A_194 = arith.cmpi sge, %add3A_189, %ge3A_193 : i32
      %jit3A_195 = arith.constant 1 : i32
      %select_n3A_196 = arith.select %ge3A_194, %jit3A_195, %select_n3A : i32
      %ge3A_197 = arith.constant 64 : i32
      %ge3A_198 = arith.cmpi sge, %add3A_188, %ge3A_197 : i32
      %jit3A_199 = arith.constant 2 : i32
      %select_n3A_200 = arith.select %ge3A_198, %jit3A_199, %select_n3A_196 : i32
      %ge3A_201 = arith.constant 64 : i32
      %ge3A_202 = arith.cmpi sge, %add3A_187, %ge3A_201 : i32
      %jit3A_203 = arith.constant 3 : i32
      %select_n3A_204 = arith.select %ge3A_202, %jit3A_203, %select_n3A_200 : i32
      %ge3A_205 = arith.constant 64 : i32
      %ge3A_206 = arith.cmpi sge, %add3A_186, %ge3A_205 : i32
      %jit3A_207 = arith.constant 4 : i32
      %select_n3A_208 = arith.select %ge3A_206, %jit3A_207, %select_n3A_204 : i32
      %ge3A_209 = arith.constant 64 : i32
      %ge3A_210 = arith.cmpi sge, %add3A_185, %ge3A_209 : i32
      %jit3A_211 = arith.constant 5 : i32
      %select_n3A_212 = arith.select %ge3A_210, %jit3A_211, %select_n3A_208 : i32
      %ge3A_213 = arith.constant 64 : i32
      %ge3A_214 = arith.cmpi sge, %add3A_184, %ge3A_213 : i32
      %jit3A_215 = arith.constant 6 : i32
      %select_n3A_216 = arith.select %ge3A_214, %jit3A_215, %select_n3A_212 : i32
      %ge3A_217 = arith.constant 64 : i32
      %ge3A_218 = arith.cmpi sge, %add3A_183, %ge3A_217 : i32
      %jit3A_219 = arith.constant 7 : i32
      %select_n3A_220 = arith.select %ge3A_218, %jit3A_219, %select_n3A_216 : i32
      %ge3A_221 = arith.constant 64 : i32
      %ge3A_222 = arith.cmpi sge, %add3A_182, %ge3A_221 : i32
      %jit3A_223 = arith.constant 8 : i32
      %select_n3A_224 = arith.select %ge3A_222, %jit3A_223, %select_n3A_220 : i32
      %ge3A_225 = arith.constant 64 : i32
      %ge3A_226 = arith.cmpi sge, %add3A_181, %ge3A_225 : i32
      %jit3A_227 = arith.constant 9 : i32
      %select_n3A_228 = arith.select %ge3A_226, %jit3A_227, %select_n3A_224 : i32
      %ge3A_229 = arith.constant 64 : i32
      %ge3A_230 = arith.cmpi sge, %add3A_180, %ge3A_229 : i32
      %jit3A_231 = arith.constant 10 : i32
      %select_n3A_232 = arith.select %ge3A_230, %jit3A_231, %select_n3A_228 : i32
      %ge3A_233 = arith.constant 64 : i32
      %ge3A_234 = arith.cmpi sge, %add3A_179, %ge3A_233 : i32
      %jit3A_235 = arith.constant 11 : i32
      %select_n3A_236 = arith.select %ge3A_234, %jit3A_235, %select_n3A_232 : i32
      %ge3A_237 = arith.constant 64 : i32
      %ge3A_238 = arith.cmpi sge, %add3A_178, %ge3A_237 : i32
      %jit3A_239 = arith.constant 12 : i32
      %select_n3A_240 = arith.select %ge3A_238, %jit3A_239, %select_n3A_236 : i32
      %ge3A_241 = arith.constant 64 : i32
      %ge3A_242 = arith.cmpi sge, %add3A_177, %ge3A_241 : i32
      %jit3A_243 = arith.constant 13 : i32
      %select_n3A_244 = arith.select %ge3A_242, %jit3A_243, %select_n3A_240 : i32
      %ge3A_245 = arith.constant 64 : i32
      %ge3A_246 = arith.cmpi sge, %add3A_176, %ge3A_245 : i32
      %jit3A_247 = arith.constant 14 : i32
      %select_n3A_248 = arith.select %ge3A_246, %jit3A_247, %select_n3A_244 : i32
      %ge3A_249 = arith.constant 64 : i32
      %ge3A_250 = arith.cmpi sge, %add3A_175, %ge3A_249 : i32
      %jit3A_251 = arith.constant 15 : i32
      %select_n3A_252 = arith.select %ge3A_250, %jit3A_251, %select_n3A_248 : i32
      %eq3A = arith.constant 0 : i32
      %eq3A_253 = arith.cmpi eq, %select_n3A_252, %eq3A : i32
      %jit3A_254 = arith.constant 0 : i32
      %select_n3A_255 = arith.select %eq3A_253, %add3A_189, %jit3A_254 : i32
      %select_n3A_256 = arith.select %eq3A_253, %get3A_48, %get3A_48 : vector<16xi32>
      %eq3A_257 = arith.constant 1 : i32
      %eq3A_258 = arith.cmpi eq, %select_n3A_252, %eq3A_257 : i32
      %select_n3A_259 = arith.select %eq3A_258, %add3A_188, %select_n3A_255 : i32
      %select_n3A_260 = arith.select %eq3A_258, %get3A_55, %select_n3A_256 : vector<16xi32>
      %eq3A_261 = arith.constant 2 : i32
      %eq3A_262 = arith.cmpi eq, %select_n3A_252, %eq3A_261 : i32
      %select_n3A_263 = arith.select %eq3A_262, %add3A_187, %select_n3A_259 : i32
      %select_n3A_264 = arith.select %eq3A_262, %get3A_63, %select_n3A_260 : vector<16xi32>
      %eq3A_265 = arith.constant 3 : i32
      %eq3A_266 = arith.cmpi eq, %select_n3A_252, %eq3A_265 : i32
      %select_n3A_267 = arith.select %eq3A_266, %add3A_186, %select_n3A_263 : i32
      %select_n3A_268 = arith.select %eq3A_266, %get3A_71, %select_n3A_264 : vector<16xi32>
      %eq3A_269 = arith.constant 4 : i32
      %eq3A_270 = arith.cmpi eq, %select_n3A_252, %eq3A_269 : i32
      %select_n3A_271 = arith.select %eq3A_270, %add3A_185, %select_n3A_267 : i32
      %select_n3A_272 = arith.select %eq3A_270, %get3A_79, %select_n3A_268 : vector<16xi32>
      %eq3A_273 = arith.constant 5 : i32
      %eq3A_274 = arith.cmpi eq, %select_n3A_252, %eq3A_273 : i32
      %select_n3A_275 = arith.select %eq3A_274, %add3A_184, %select_n3A_271 : i32
      %select_n3A_276 = arith.select %eq3A_274, %get3A_87, %select_n3A_272 : vector<16xi32>
      %eq3A_277 = arith.constant 6 : i32
      %eq3A_278 = arith.cmpi eq, %select_n3A_252, %eq3A_277 : i32
      %select_n3A_279 = arith.select %eq3A_278, %add3A_183, %select_n3A_275 : i32
      %select_n3A_280 = arith.select %eq3A_278, %get3A_95, %select_n3A_276 : vector<16xi32>
      %eq3A_281 = arith.constant 7 : i32
      %eq3A_282 = arith.cmpi eq, %select_n3A_252, %eq3A_281 : i32
      %select_n3A_283 = arith.select %eq3A_282, %add3A_182, %select_n3A_279 : i32
      %select_n3A_284 = arith.select %eq3A_282, %get3A_103, %select_n3A_280 : vector<16xi32>
      %eq3A_285 = arith.constant 8 : i32
      %eq3A_286 = arith.cmpi eq, %select_n3A_252, %eq3A_285 : i32
      %select_n3A_287 = arith.select %eq3A_286, %add3A_181, %select_n3A_283 : i32
      %select_n3A_288 = arith.select %eq3A_286, %get3A_111, %select_n3A_284 : vector<16xi32>
      %eq3A_289 = arith.constant 9 : i32
      %eq3A_290 = arith.cmpi eq, %select_n3A_252, %eq3A_289 : i32
      %select_n3A_291 = arith.select %eq3A_290, %add3A_180, %select_n3A_287 : i32
      %select_n3A_292 = arith.select %eq3A_290, %get3A_119, %select_n3A_288 : vector<16xi32>
      %eq3A_293 = arith.constant 10 : i32
      %eq3A_294 = arith.cmpi eq, %select_n3A_252, %eq3A_293 : i32
      %select_n3A_295 = arith.select %eq3A_294, %add3A_179, %select_n3A_291 : i32
      %select_n3A_296 = arith.select %eq3A_294, %get3A_127, %select_n3A_292 : vector<16xi32>
      %eq3A_297 = arith.constant 11 : i32
      %eq3A_298 = arith.cmpi eq, %select_n3A_252, %eq3A_297 : i32
      %select_n3A_299 = arith.select %eq3A_298, %add3A_178, %select_n3A_295 : i32
      %select_n3A_300 = arith.select %eq3A_298, %get3A_135, %select_n3A_296 : vector<16xi32>
      %eq3A_301 = arith.constant 12 : i32
      %eq3A_302 = arith.cmpi eq, %select_n3A_252, %eq3A_301 : i32
      %select_n3A_303 = arith.select %eq3A_302, %add3A_177, %select_n3A_299 : i32
      %select_n3A_304 = arith.select %eq3A_302, %get3A_143, %select_n3A_300 : vector<16xi32>
      %eq3A_305 = arith.constant 13 : i32
      %eq3A_306 = arith.cmpi eq, %select_n3A_252, %eq3A_305 : i32
      %select_n3A_307 = arith.select %eq3A_306, %add3A_176, %select_n3A_303 : i32
      %select_n3A_308 = arith.select %eq3A_306, %get3A_151, %select_n3A_304 : vector<16xi32>
      %eq3A_309 = arith.constant 14 : i32
      %eq3A_310 = arith.cmpi eq, %select_n3A_252, %eq3A_309 : i32
      %select_n3A_311 = arith.select %eq3A_310, %add3A_175, %select_n3A_307 : i32
      %select_n3A_312 = arith.select %eq3A_310, %get3A_159, %select_n3A_308 : vector<16xi32>
      %eq3A_313 = arith.constant 15 : i32
      %eq3A_314 = arith.cmpi eq, %select_n3A_252, %eq3A_313 : i32
      %jit3A_315 = arith.constant 0 : i32
      %select_n3A_316 = arith.select %eq3A_314, %jit3A_315, %select_n3A_311 : i32
      %select_n3A_317 = arith.select %eq3A_314, %get3A_167, %select_n3A_312 : vector<16xi32>
      %rev3A = arith.constant 15 : i32
      %rev3A_318 = vector.broadcast %rev3A : i32 to vector<16xi32>
      %rev3A_319 = tpu.iota {dimensions = array<i32: 0>} : vector<16xi32>
      %rev3A_320 = arith.subi %rev3A_318, %rev3A_319 : vector<16xi32>
      %rev3A_321 = tpu.dynamic_gather %select_n3A_317[%rev3A_320] in [0] : vector<16xi32>, vector<16xi32> -> vector<16xi32>
      %broadcast_in_dim3A_322 = arith.constant true
      %broadcast_in_dim3A_323 = vector.broadcast %broadcast_in_dim3A_322 : i1 to vector<16xi1>
      %masked_cumsum3A = tpu.scan <sum>, %rev3A_321 masked %broadcast_in_dim3A_323 : vector<16xi32>, vector<16xi1> -> vector<16xi32>
      %rev3A_324 = arith.constant 15 : i32
      %rev3A_325 = vector.broadcast %rev3A_324 : i32 to vector<16xi32>
      %rev3A_326 = tpu.iota {dimensions = array<i32: 0>} : vector<16xi32>
      %rev3A_327 = arith.subi %rev3A_325, %rev3A_326 : vector<16xi32>
      %rev3A_328 = tpu.dynamic_gather %masked_cumsum3A[%rev3A_327] in [0] : vector<16xi32>, vector<16xi32> -> vector<16xi32>
      %add3A_329 = vector.broadcast %select_n3A_316 : i32 to vector<16xi32>
      %add3A_330 = arith.addi %rev3A_328, %add3A_329 : vector<16xi32>
      %ge3A_331 = arith.constant 64 : i32
      %ge3A_332 = vector.broadcast %ge3A_331 : i32 to vector<16xi32>
      %ge3A_333 = arith.cmpi sge, %add3A_330, %ge3A_332 : vector<16xi32>
      %jit3A_334 = arith.constant -1 : i32
      %broadcast_in_dim3A_335 = vector.broadcast %jit3A_334 : i32 to vector<16xi32>
      %select_n3A_336 = arith.select %ge3A_333, %iota3A, %broadcast_in_dim3A_335 : vector<16xi1>, vector<16xi32>
      %reduce_max3A = arith.constant true
      %reduce_max3A_337 = vector.broadcast %reduce_max3A : i1 to vector<16xi1>
      %reduce_max3A_338 = arith.constant -2147483648 : i32
      %reduce_max3A_339 = vector.broadcast %reduce_max3A_338 : i32 to vector<16xi32>
      %reduce_max3A_340 = arith.xori %select_n3A_336, %reduce_max3A_339 : vector<16xi32>
      %reduce_max3A_341 = tpu.scan <max>, %reduce_max3A_340 masked %reduce_max3A_337 : vector<16xi32>, vector<16xi1> -> vector<16xi32>
      %reduce_max3A_342 = arith.xori %reduce_max3A_341, %reduce_max3A_339 : vector<16xi32>
      %reduce_max3A_343 = vector.extract %reduce_max3A_342[15] : i32 from vector<16xi32>
      %eq3A_344 = vector.broadcast %reduce_max3A_343 : i32 to vector<16xi32>
      %eq3A_345 = arith.cmpi eq, %iota3A, %eq3A_344 : vector<16xi32>
      %jit3A_346 = arith.constant 0 : i32
      %broadcast_in_dim3A_347 = vector.broadcast %jit3A_346 : i32 to vector<16xi32>
      %select_n3A_348 = arith.select %eq3A_345, %select_n3A_317, %broadcast_in_dim3A_347 : vector<16xi1>, vector<16xi32>
      %reduce_max3A_349 = arith.constant true
      %reduce_max3A_350 = vector.broadcast %reduce_max3A_349 : i1 to vector<16xi1>
      %reduce_max3A_351 = arith.constant -2147483648 : i32
      %reduce_max3A_352 = vector.broadcast %reduce_max3A_351 : i32 to vector<16xi32>
      %reduce_max3A_353 = arith.xori %select_n3A_348, %reduce_max3A_352 : vector<16xi32>
      %reduce_max3A_354 = tpu.scan <max>, %reduce_max3A_353 masked %reduce_max3A_350 : vector<16xi32>, vector<16xi1> -> vector<16xi32>
      %reduce_max3A_355 = arith.xori %reduce_max3A_354, %reduce_max3A_352 : vector<16xi32>
      %reduce_max3A_356 = vector.extract %reduce_max3A_355[15] : i32 from vector<16xi32>
      %eq3A_357 = vector.broadcast %reduce_max3A_343 : i32 to vector<16xi32>
      %eq3A_358 = arith.cmpi eq, %iota3A, %eq3A_357 : vector<16xi32>
      %jit3A_359 = arith.constant 0 : i32
      %broadcast_in_dim3A_360 = vector.broadcast %jit3A_359 : i32 to vector<16xi32>
      %select_n3A_361 = arith.select %eq3A_358, %rev3A_328, %broadcast_in_dim3A_360 : vector<16xi1>, vector<16xi32>
      %reduce_max3A_362 = arith.constant true
      %reduce_max3A_363 = vector.broadcast %reduce_max3A_362 : i1 to vector<16xi1>
      %reduce_max3A_364 = arith.constant -2147483648 : i32
      %reduce_max3A_365 = vector.broadcast %reduce_max3A_364 : i32 to vector<16xi32>
      %reduce_max3A_366 = arith.xori %select_n3A_361, %reduce_max3A_365 : vector<16xi32>
      %reduce_max3A_367 = tpu.scan <max>, %reduce_max3A_366 masked %reduce_max3A_363 : vector<16xi32>, vector<16xi1> -> vector<16xi32>
      %reduce_max3A_368 = arith.xori %reduce_max3A_367, %reduce_max3A_365 : vector<16xi32>
      %reduce_max3A_369 = vector.extract %reduce_max3A_368[15] : i32 from vector<16xi32>
      %add3A_370 = arith.addi %reduce_max3A_369, %select_n3A_316 : i32
      %sub3A = arith.subi %add3A_370, %reduce_max3A_356 : i32
      %mul3A_371 = arith.constant 16 : i32
      %mul3A_372 = arith.muli %select_n3A_252, %mul3A_371 : i32
      %add3A_373 = arith.addi %mul3A_372, %reduce_max3A_343 : i32
      %sub3A_374 = arith.constant 64 : i32
      %sub3A_375 = arith.subi %sub3A_374, %sub3A : i32
      %parallel_loop3A_376 = arith.constant 0 : i32
      %parallel_loop3A_377 = arith.constant 32768 : i32
      %parallel_loop3A_378 = arith.constant 16 : i32
      scf.for %parallel_loop3A_1368 = %parallel_loop3A_376 to %parallel_loop3A_377 step %parallel_loop3A_378  : i32 {
        %parallel_loop3A_1369 = arith.index_cast %parallel_loop3A_1368 : i32 to index
        %parallel_loop3A_1370 = tpu.vector_load %arg5[%parallel_loop3A_1369] {strides = array<i32>} : memref<32768xi32, #tpu.memory_space<vmem>>, vector<16xi32>,
        %parallel_loop3A_1371 = arith.constant 24 : i32
        %parallel_loop3A_1372 = vector.broadcast %parallel_loop3A_1371 : i32 to vector<16xi32>
        %parallel_loop3A_1373 = arith.shrsi %parallel_loop3A_1370, %parallel_loop3A_1372 : vector<16xi32>
        %parallel_loop3A_1374 = arith.constant 128 : i32
        %parallel_loop3A_1375 = vector.broadcast %parallel_loop3A_1374 : i32 to vector<16xi32>
        %parallel_loop3A_1376 = arith.addi %parallel_loop3A_1373, %parallel_loop3A_1375 : vector<16xi32>
        %parallel_loop3A_1377 = vector.broadcast %add3A_373 : i32 to vector<16xi32>
        %parallel_loop3A_1378 = arith.cmpi eq, %parallel_loop3A_1376, %parallel_loop3A_1377 : vector<16xi32>
        %parallel_loop3A_1379 = arith.constant 16 : i32
        %parallel_loop3A_1380 = vector.broadcast %parallel_loop3A_1379 : i32 to vector<16xi32>
        %parallel_loop3A_1381 = arith.shrsi %parallel_loop3A_1370, %parallel_loop3A_1380 : vector<16xi32>
        %parallel_loop3A_1382 = arith.constant 255 : i32
        %parallel_loop3A_1383 = vector.broadcast %parallel_loop3A_1382 : i32 to vector<16xi32>
        %parallel_loop3A_1384 = arith.andi %parallel_loop3A_1381, %parallel_loop3A_1383 : vector<16xi32>
        tpu.vector_store_idx %arg6[%parallel_loop3A_1384], %broadcast_in_dim3A_1 masked %parallel_loop3A_1378 {add = true} : memref<256xi32, #tpu.memory_space<vmem>>[vector<16xi32>], vector<16xi32>, vector<16xi1>
      } {sc.loop_unroll_factor = 8 : i64, sc.parallel_access}
      %iota3A_379 = tpu.iota {dimensions = array<i32: 0>} : vector<16xi32>
      %broadcast_in_dim3A_380 = arith.constant 0 : i32
      %broadcast_in_dim3A_381 = vector.broadcast %broadcast_in_dim3A_380 : i32 to vector<16xi32>
      %get3A_382 = arith.constant 0 : index
      %get3A_383 = tpu.vector_load %arg6[%get3A_382] {strides = array<i32>} : memref<256xi32, #tpu.memory_space<vmem>>, vector<16xi32>,
      %reduce_sum3A_384 = arith.constant true
      %reduce_sum3A_385 = vector.broadcast %reduce_sum3A_384 : i1 to vector<16xi1>
      %reduce_sum3A_386 = tpu.scan <sum>, %get3A_383 masked %reduce_sum3A_385 : vector<16xi32>, vector<16xi1> -> vector<16xi32>
      %reduce_sum3A_387 = vector.extract %reduce_sum3A_386[15] : i32 from vector<16xi32>
      %swap3A_388 = arith.constant 0 : index
      %swap3A_389 = tpu.vector_load %arg6[%swap3A_388] {strides = array<i32>} : memref<256xi32, #tpu.memory_space<vmem>>, vector<16xi32>,
      tpu.vector_store %arg6[%swap3A_388], %broadcast_in_dim3A_381 {strides = array<i32>} : memref<256xi32, #tpu.memory_space<vmem>>, vector<16xi32>,
      %get3A_390 = arith.constant 16 : index
      %get3A_391 = tpu.vector_load %arg6[%get3A_390] {strides = array<i32>} : memref<256xi32, #tpu.memory_space<vmem>>, vector<16xi32>,
      %reduce_sum3A_392 = arith.constant true
      %reduce_sum3A_393 = vector.broadcast %reduce_sum3A_392 : i1 to vector<16xi1>
      %reduce_sum3A_394 = tpu.scan <sum>, %get3A_391 masked %reduce_sum3A_393 : vector<16xi32>, vector<16xi1> -> vector<16xi32>
      %reduce_sum3A_395 = vector.extract %reduce_sum3A_394[15] : i32 from vector<16xi32>
      %swap3A_396 = arith.constant 16 : index
      %swap3A_397 = tpu.vector_load %arg6[%swap3A_396] {strides = array<i32>} : memref<256xi32, #tpu.memory_space<vmem>>, vector<16xi32>,
      tpu.vector_store %arg6[%swap3A_396], %broadcast_in_dim3A_381 {strides = array<i32>} : memref<256xi32, #tpu.memory_space<vmem>>, vector<16xi32>,
      %get3A_398 = arith.constant 32 : index
      %get3A_399 = tpu.vector_load %arg6[%get3A_398] {strides = array<i32>} : memref<256xi32, #tpu.memory_space<vmem>>, vector<16xi32>,
      %reduce_sum3A_400 = arith.constant true
      %reduce_sum3A_401 = vector.broadcast %reduce_sum3A_400 : i1 to vector<16xi1>
      %reduce_sum3A_402 = tpu.scan <sum>, %get3A_399 masked %reduce_sum3A_401 : vector<16xi32>, vector<16xi1> -> vector<16xi32>
      %reduce_sum3A_403 = vector.extract %reduce_sum3A_402[15] : i32 from vector<16xi32>
      %swap3A_404 = arith.constant 32 : index
      %swap3A_405 = tpu.vector_load %arg6[%swap3A_404] {strides = array<i32>} : memref<256xi32, #tpu.memory_space<vmem>>, vector<16xi32>,
      tpu.vector_store %arg6[%swap3A_404], %broadcast_in_dim3A_381 {strides = array<i32>} : memref<256xi32, #tpu.memory_space<vmem>>, vector<16xi32>,
      %get3A_406 = arith.constant 48 : index
      %get3A_407 = tpu.vector_load %arg6[%get3A_406] {strides = array<i32>} : memref<256xi32, #tpu.memory_space<vmem>>, vector<16xi32>,
      %reduce_sum3A_408 = arith.constant true
      %reduce_sum3A_409 = vector.broadcast %reduce_sum3A_408 : i1 to vector<16xi1>
      %reduce_sum3A_410 = tpu.scan <sum>, %get3A_407 masked %reduce_sum3A_409 : vector<16xi32>, vector<16xi1> -> vector<16xi32>
      %reduce_sum3A_411 = vector.extract %reduce_sum3A_410[15] : i32 from vector<16xi32>
      %swap3A_412 = arith.constant 48 : index
      %swap3A_413 = tpu.vector_load %arg6[%swap3A_412] {strides = array<i32>} : memref<256xi32, #tpu.memory_space<vmem>>, vector<16xi32>,
      tpu.vector_store %arg6[%swap3A_412], %broadcast_in_dim3A_381 {strides = array<i32>} : memref<256xi32, #tpu.memory_space<vmem>>, vector<16xi32>,
      %get3A_414 = arith.constant 64 : index
      %get3A_415 = tpu.vector_load %arg6[%get3A_414] {strides = array<i32>} : memref<256xi32, #tpu.memory_space<vmem>>, vector<16xi32>,
      %reduce_sum3A_416 = arith.constant true
      %reduce_sum3A_417 = vector.broadcast %reduce_sum3A_416 : i1 to vector<16xi1>
      %reduce_sum3A_418 = tpu.scan <sum>, %get3A_415 masked %reduce_sum3A_417 : vector<16xi32>, vector<16xi1> -> vector<16xi32>
      %reduce_sum3A_419 = vector.extract %reduce_sum3A_418[15] : i32 from vector<16xi32>
      %swap3A_420 = arith.constant 64 : index
      %swap3A_421 = tpu.vector_load %arg6[%swap3A_420] {strides = array<i32>} : memref<256xi32, #tpu.memory_space<vmem>>, vector<16xi32>,
      tpu.vector_store %arg6[%swap3A_420], %broadcast_in_dim3A_381 {strides = array<i32>} : memref<256xi32, #tpu.memory_space<vmem>>, vector<16xi32>,
      %get3A_422 = arith.constant 80 : index
      %get3A_423 = tpu.vector_load %arg6[%get3A_422] {strides = array<i32>} : memref<256xi32, #tpu.memory_space<vmem>>, vector<16xi32>,
      %reduce_sum3A_424 = arith.constant true
      %reduce_sum3A_425 = vector.broadcast %reduce_sum3A_424 : i1 to vector<16xi1>
      %reduce_sum3A_426 = tpu.scan <sum>, %get3A_423 masked %reduce_sum3A_425 : vector<16xi32>, vector<16xi1> -> vector<16xi32>
      %reduce_sum3A_427 = vector.extract %reduce_sum3A_426[15] : i32 from vector<16xi32>
      %swap3A_428 = arith.constant 80 : index
      %swap3A_429 = tpu.vector_load %arg6[%swap3A_428] {strides = array<i32>} : memref<256xi32, #tpu.memory_space<vmem>>, vector<16xi32>,
      tpu.vector_store %arg6[%swap3A_428], %broadcast_in_dim3A_381 {strides = array<i32>} : memref<256xi32, #tpu.memory_space<vmem>>, vector<16xi32>,
      %get3A_430 = arith.constant 96 : index
      %get3A_431 = tpu.vector_load %arg6[%get3A_430] {strides = array<i32>} : memref<256xi32, #tpu.memory_space<vmem>>, vector<16xi32>,
      %reduce_sum3A_432 = arith.constant true
      %reduce_sum3A_433 = vector.broadcast %reduce_sum3A_432 : i1 to vector<16xi1>
      %reduce_sum3A_434 = tpu.scan <sum>, %get3A_431 masked %reduce_sum3A_433 : vector<16xi32>, vector<16xi1> -> vector<16xi32>
      %reduce_sum3A_435 = vector.extract %reduce_sum3A_434[15] : i32 from vector<16xi32>
      %swap3A_436 = arith.constant 96 : index
      %swap3A_437 = tpu.vector_load %arg6[%swap3A_436] {strides = array<i32>} : memref<256xi32, #tpu.memory_space<vmem>>, vector<16xi32>,
      tpu.vector_store %arg6[%swap3A_436], %broadcast_in_dim3A_381 {strides = array<i32>} : memref<256xi32, #tpu.memory_space<vmem>>, vector<16xi32>,
      %get3A_438 = arith.constant 112 : index
      %get3A_439 = tpu.vector_load %arg6[%get3A_438] {strides = array<i32>} : memref<256xi32, #tpu.memory_space<vmem>>, vector<16xi32>,
      %reduce_sum3A_440 = arith.constant true
      %reduce_sum3A_441 = vector.broadcast %reduce_sum3A_440 : i1 to vector<16xi1>
      %reduce_sum3A_442 = tpu.scan <sum>, %get3A_439 masked %reduce_sum3A_441 : vector<16xi32>, vector<16xi1> -> vector<16xi32>
      %reduce_sum3A_443 = vector.extract %reduce_sum3A_442[15] : i32 from vector<16xi32>
      %swap3A_444 = arith.constant 112 : index
      %swap3A_445 = tpu.vector_load %arg6[%swap3A_444] {strides = array<i32>} : memref<256xi32, #tpu.memory_space<vmem>>, vector<16xi32>,
      tpu.vector_store %arg6[%swap3A_444], %broadcast_in_dim3A_381 {strides = array<i32>} : memref<256xi32, #tpu.memory_space<vmem>>, vector<16xi32>,
      %get3A_446 = arith.constant 128 : index
      %get3A_447 = tpu.vector_load %arg6[%get3A_446] {strides = array<i32>} : memref<256xi32, #tpu.memory_space<vmem>>, vector<16xi32>,
      %reduce_sum3A_448 = arith.constant true
      %reduce_sum3A_449 = vector.broadcast %reduce_sum3A_448 : i1 to vector<16xi1>
      %reduce_sum3A_450 = tpu.scan <sum>, %get3A_447 masked %reduce_sum3A_449 : vector<16xi32>, vector<16xi1> -> vector<16xi32>
      %reduce_sum3A_451 = vector.extract %reduce_sum3A_450[15] : i32 from vector<16xi32>
      %swap3A_452 = arith.constant 128 : index
      %swap3A_453 = tpu.vector_load %arg6[%swap3A_452] {strides = array<i32>} : memref<256xi32, #tpu.memory_space<vmem>>, vector<16xi32>,
      tpu.vector_store %arg6[%swap3A_452], %broadcast_in_dim3A_381 {strides = array<i32>} : memref<256xi32, #tpu.memory_space<vmem>>, vector<16xi32>,
      %get3A_454 = arith.constant 144 : index
      %get3A_455 = tpu.vector_load %arg6[%get3A_454] {strides = array<i32>} : memref<256xi32, #tpu.memory_space<vmem>>, vector<16xi32>,
      %reduce_sum3A_456 = arith.constant true
      %reduce_sum3A_457 = vector.broadcast %reduce_sum3A_456 : i1 to vector<16xi1>
      %reduce_sum3A_458 = tpu.scan <sum>, %get3A_455 masked %reduce_sum3A_457 : vector<16xi32>, vector<16xi1> -> vector<16xi32>
      %reduce_sum3A_459 = vector.extract %reduce_sum3A_458[15] : i32 from vector<16xi32>
      %swap3A_460 = arith.constant 144 : index
      %swap3A_461 = tpu.vector_load %arg6[%swap3A_460] {strides = array<i32>} : memref<256xi32, #tpu.memory_space<vmem>>, vector<16xi32>,
      tpu.vector_store %arg6[%swap3A_460], %broadcast_in_dim3A_381 {strides = array<i32>} : memref<256xi32, #tpu.memory_space<vmem>>, vector<16xi32>,
      %get3A_462 = arith.constant 160 : index
      %get3A_463 = tpu.vector_load %arg6[%get3A_462] {strides = array<i32>} : memref<256xi32, #tpu.memory_space<vmem>>, vector<16xi32>,
      %reduce_sum3A_464 = arith.constant true
      %reduce_sum3A_465 = vector.broadcast %reduce_sum3A_464 : i1 to vector<16xi1>
      %reduce_sum3A_466 = tpu.scan <sum>, %get3A_463 masked %reduce_sum3A_465 : vector<16xi32>, vector<16xi1> -> vector<16xi32>
      %reduce_sum3A_467 = vector.extract %reduce_sum3A_466[15] : i32 from vector<16xi32>
      %swap3A_468 = arith.constant 160 : index
      %swap3A_469 = tpu.vector_load %arg6[%swap3A_468] {strides = array<i32>} : memref<256xi32, #tpu.memory_space<vmem>>, vector<16xi32>,
      tpu.vector_store %arg6[%swap3A_468], %broadcast_in_dim3A_381 {strides = array<i32>} : memref<256xi32, #tpu.memory_space<vmem>>, vector<16xi32>,
      %get3A_470 = arith.constant 176 : index
      %get3A_471 = tpu.vector_load %arg6[%get3A_470] {strides = array<i32>} : memref<256xi32, #tpu.memory_space<vmem>>, vector<16xi32>,
      %reduce_sum3A_472 = arith.constant true
      %reduce_sum3A_473 = vector.broadcast %reduce_sum3A_472 : i1 to vector<16xi1>
      %reduce_sum3A_474 = tpu.scan <sum>, %get3A_471 masked %reduce_sum3A_473 : vector<16xi32>, vector<16xi1> -> vector<16xi32>
      %reduce_sum3A_475 = vector.extract %reduce_sum3A_474[15] : i32 from vector<16xi32>
      %swap3A_476 = arith.constant 176 : index
      %swap3A_477 = tpu.vector_load %arg6[%swap3A_476] {strides = array<i32>} : memref<256xi32, #tpu.memory_space<vmem>>, vector<16xi32>,
      tpu.vector_store %arg6[%swap3A_476], %broadcast_in_dim3A_381 {strides = array<i32>} : memref<256xi32, #tpu.memory_space<vmem>>, vector<16xi32>,
      %get3A_478 = arith.constant 192 : index
      %get3A_479 = tpu.vector_load %arg6[%get3A_478] {strides = array<i32>} : memref<256xi32, #tpu.memory_space<vmem>>, vector<16xi32>,
      %reduce_sum3A_480 = arith.constant true
      %reduce_sum3A_481 = vector.broadcast %reduce_sum3A_480 : i1 to vector<16xi1>
      %reduce_sum3A_482 = tpu.scan <sum>, %get3A_479 masked %reduce_sum3A_481 : vector<16xi32>, vector<16xi1> -> vector<16xi32>
      %reduce_sum3A_483 = vector.extract %reduce_sum3A_482[15] : i32 from vector<16xi32>
      %swap3A_484 = arith.constant 192 : index
      %swap3A_485 = tpu.vector_load %arg6[%swap3A_484] {strides = array<i32>} : memref<256xi32, #tpu.memory_space<vmem>>, vector<16xi32>,
      tpu.vector_store %arg6[%swap3A_484], %broadcast_in_dim3A_381 {strides = array<i32>} : memref<256xi32, #tpu.memory_space<vmem>>, vector<16xi32>,
      %get3A_486 = arith.constant 208 : index
      %get3A_487 = tpu.vector_load %arg6[%get3A_486] {strides = array<i32>} : memref<256xi32, #tpu.memory_space<vmem>>, vector<16xi32>,
      %reduce_sum3A_488 = arith.constant true
      %reduce_sum3A_489 = vector.broadcast %reduce_sum3A_488 : i1 to vector<16xi1>
      %reduce_sum3A_490 = tpu.scan <sum>, %get3A_487 masked %reduce_sum3A_489 : vector<16xi32>, vector<16xi1> -> vector<16xi32>
      %reduce_sum3A_491 = vector.extract %reduce_sum3A_490[15] : i32 from vector<16xi32>
      %swap3A_492 = arith.constant 208 : index
      %swap3A_493 = tpu.vector_load %arg6[%swap3A_492] {strides = array<i32>} : memref<256xi32, #tpu.memory_space<vmem>>, vector<16xi32>,
      tpu.vector_store %arg6[%swap3A_492], %broadcast_in_dim3A_381 {strides = array<i32>} : memref<256xi32, #tpu.memory_space<vmem>>, vector<16xi32>,
      %get3A_494 = arith.constant 224 : index
      %get3A_495 = tpu.vector_load %arg6[%get3A_494] {strides = array<i32>} : memref<256xi32, #tpu.memory_space<vmem>>, vector<16xi32>,
      %reduce_sum3A_496 = arith.constant true
      %reduce_sum3A_497 = vector.broadcast %reduce_sum3A_496 : i1 to vector<16xi1>
      %reduce_sum3A_498 = tpu.scan <sum>, %get3A_495 masked %reduce_sum3A_497 : vector<16xi32>, vector<16xi1> -> vector<16xi32>
      %reduce_sum3A_499 = vector.extract %reduce_sum3A_498[15] : i32 from vector<16xi32>
      %swap3A_500 = arith.constant 224 : index
      %swap3A_501 = tpu.vector_load %arg6[%swap3A_500] {strides = array<i32>} : memref<256xi32, #tpu.memory_space<vmem>>, vector<16xi32>,
      tpu.vector_store %arg6[%swap3A_500], %broadcast_in_dim3A_381 {strides = array<i32>} : memref<256xi32, #tpu.memory_space<vmem>>, vector<16xi32>,
      %get3A_502 = arith.constant 240 : index
      %get3A_503 = tpu.vector_load %arg6[%get3A_502] {strides = array<i32>} : memref<256xi32, #tpu.memory_space<vmem>>, vector<16xi32>,
      %reduce_sum3A_504 = arith.constant true
      %reduce_sum3A_505 = vector.broadcast %reduce_sum3A_504 : i1 to vector<16xi1>
      %reduce_sum3A_506 = tpu.scan <sum>, %get3A_503 masked %reduce_sum3A_505 : vector<16xi32>, vector<16xi1> -> vector<16xi32>
      %reduce_sum3A_507 = vector.extract %reduce_sum3A_506[15] : i32 from vector<16xi32>
      %swap3A_508 = arith.constant 240 : index
      %swap3A_509 = tpu.vector_load %arg6[%swap3A_508] {strides = array<i32>} : memref<256xi32, #tpu.memory_space<vmem>>, vector<16xi32>,
      tpu.vector_store %arg6[%swap3A_508], %broadcast_in_dim3A_381 {strides = array<i32>} : memref<256xi32, #tpu.memory_space<vmem>>, vector<16xi32>,
      %add3A_510 = arith.constant 0 : i32
      %add3A_511 = arith.addi %add3A_510, %reduce_sum3A_507 : i32
      %add3A_512 = arith.addi %add3A_511, %reduce_sum3A_499 : i32
      %add3A_513 = arith.addi %add3A_512, %reduce_sum3A_491 : i32
      %add3A_514 = arith.addi %add3A_513, %reduce_sum3A_483 : i32
      %add3A_515 = arith.addi %add3A_514, %reduce_sum3A_475 : i32
      %add3A_516 = arith.addi %add3A_515, %reduce_sum3A_467 : i32
      %add3A_517 = arith.addi %add3A_516, %reduce_sum3A_459 : i32
      %add3A_518 = arith.addi %add3A_517, %reduce_sum3A_451 : i32
      %add3A_519 = arith.addi %add3A_518, %reduce_sum3A_443 : i32
      %add3A_520 = arith.addi %add3A_519, %reduce_sum3A_435 : i32
      %add3A_521 = arith.addi %add3A_520, %reduce_sum3A_427 : i32
      %add3A_522 = arith.addi %add3A_521, %reduce_sum3A_419 : i32
      %add3A_523 = arith.addi %add3A_522, %reduce_sum3A_411 : i32
      %add3A_524 = arith.addi %add3A_523, %reduce_sum3A_403 : i32
      %add3A_525 = arith.addi %add3A_524, %reduce_sum3A_395 : i32
      %add3A_526 = arith.addi %add3A_525, %reduce_sum3A_387 : i32
      %ge3A_527 = arith.cmpi sge, %add3A_526, %sub3A_375 : i32
      %jit3A_528 = arith.constant 0 : i32
      %jit3A_529 = arith.constant 0 : i32
      %select_n3A_530 = arith.select %ge3A_527, %jit3A_528, %jit3A_529 : i32
      %ge3A_531 = arith.cmpi sge, %add3A_525, %sub3A_375 : i32
      %jit3A_532 = arith.constant 1 : i32
      %select_n3A_533 = arith.select %ge3A_531, %jit3A_532, %select_n3A_530 : i32
      %ge3A_534 = arith.cmpi sge, %add3A_524, %sub3A_375 : i32
      %jit3A_535 = arith.constant 2 : i32
      %select_n3A_536 = arith.select %ge3A_534, %jit3A_535, %select_n3A_533 : i32
      %ge3A_537 = arith.cmpi sge, %add3A_523, %sub3A_375 : i32
      %jit3A_538 = arith.constant 3 : i32
      %select_n3A_539 = arith.select %ge3A_537, %jit3A_538, %select_n3A_536 : i32
      %ge3A_540 = arith.cmpi sge, %add3A_522, %sub3A_375 : i32
      %jit3A_541 = arith.constant 4 : i32
      %select_n3A_542 = arith.select %ge3A_540, %jit3A_541, %select_n3A_539 : i32
      %ge3A_543 = arith.cmpi sge, %add3A_521, %sub3A_375 : i32
      %jit3A_544 = arith.constant 5 : i32
      %select_n3A_545 = arith.select %ge3A_543, %jit3A_544, %select_n3A_542 : i32
      %ge3A_546 = arith.cmpi sge, %add3A_520, %sub3A_375 : i32
      %jit3A_547 = arith.constant 6 : i32
      %select_n3A_548 = arith.select %ge3A_546, %jit3A_547, %select_n3A_545 : i32
      %ge3A_549 = arith.cmpi sge, %add3A_519, %sub3A_375 : i32
      %jit3A_550 = arith.constant 7 : i32
      %select_n3A_551 = arith.select %ge3A_549, %jit3A_550, %select_n3A_548 : i32
      %ge3A_552 = arith.cmpi sge, %add3A_518, %sub3A_375 : i32
      %jit3A_553 = arith.constant 8 : i32
      %select_n3A_554 = arith.select %ge3A_552, %jit3A_553, %select_n3A_551 : i32
      %ge3A_555 = arith.cmpi sge, %add3A_517, %sub3A_375 : i32
      %jit3A_556 = arith.constant 9 : i32
      %select_n3A_557 = arith.select %ge3A_555, %jit3A_556, %select_n3A_554 : i32
      %ge3A_558 = arith.cmpi sge, %add3A_516, %sub3A_375 : i32
      %jit3A_559 = arith.constant 10 : i32
      %select_n3A_560 = arith.select %ge3A_558, %jit3A_559, %select_n3A_557 : i32
      %ge3A_561 = arith.cmpi sge, %add3A_515, %sub3A_375 : i32
      %jit3A_562 = arith.constant 11 : i32
      %select_n3A_563 = arith.select %ge3A_561, %jit3A_562, %select_n3A_560 : i32
      %ge3A_564 = arith.cmpi sge, %add3A_514, %sub3A_375 : i32
      %jit3A_565 = arith.constant 12 : i32
      %select_n3A_566 = arith.select %ge3A_564, %jit3A_565, %select_n3A_563 : i32
      %ge3A_567 = arith.cmpi sge, %add3A_513, %sub3A_375 : i32
      %jit3A_568 = arith.constant 13 : i32
      %select_n3A_569 = arith.select %ge3A_567, %jit3A_568, %select_n3A_566 : i32
      %ge3A_570 = arith.cmpi sge, %add3A_512, %sub3A_375 : i32
      %jit3A_571 = arith.constant 14 : i32
      %select_n3A_572 = arith.select %ge3A_570, %jit3A_571, %select_n3A_569 : i32
      %ge3A_573 = arith.cmpi sge, %add3A_511, %sub3A_375 : i32
      %jit3A_574 = arith.constant 15 : i32
      %select_n3A_575 = arith.select %ge3A_573, %jit3A_574, %select_n3A_572 : i32
      %eq3A_576 = arith.constant 0 : i32
      %eq3A_577 = arith.cmpi eq, %select_n3A_575, %eq3A_576 : i32
      %jit3A_578 = arith.constant 0 : i32
      %select_n3A_579 = arith.select %eq3A_577, %add3A_525, %jit3A_578 : i32
      %select_n3A_580 = arith.select %eq3A_577, %get3A_383, %get3A_383 : vector<16xi32>
      %eq3A_581 = arith.constant 1 : i32
      %eq3A_582 = arith.cmpi eq, %select_n3A_575, %eq3A_581 : i32
      %select_n3A_583 = arith.select %eq3A_582, %add3A_524, %select_n3A_579 : i32
      %select_n3A_584 = arith.select %eq3A_582, %get3A_391, %select_n3A_580 : vector<16xi32>
      %eq3A_585 = arith.constant 2 : i32
      %eq3A_586 = arith.cmpi eq, %select_n3A_575, %eq3A_585 : i32
      %select_n3A_587 = arith.select %eq3A_586, %add3A_523, %select_n3A_583 : i32
      %select_n3A_588 = arith.select %eq3A_586, %get3A_399, %select_n3A_584 : vector<16xi32>
      %eq3A_589 = arith.constant 3 : i32
      %eq3A_590 = arith.cmpi eq, %select_n3A_575, %eq3A_589 : i32
      %select_n3A_591 = arith.select %eq3A_590, %add3A_522, %select_n3A_587 : i32
      %select_n3A_592 = arith.select %eq3A_590, %get3A_407, %select_n3A_588 : vector<16xi32>
      %eq3A_593 = arith.constant 4 : i32
      %eq3A_594 = arith.cmpi eq, %select_n3A_575, %eq3A_593 : i32
      %select_n3A_595 = arith.select %eq3A_594, %add3A_521, %select_n3A_591 : i32
      %select_n3A_596 = arith.select %eq3A_594, %get3A_415, %select_n3A_592 : vector<16xi32>
      %eq3A_597 = arith.constant 5 : i32
      %eq3A_598 = arith.cmpi eq, %select_n3A_575, %eq3A_597 : i32
      %select_n3A_599 = arith.select %eq3A_598, %add3A_520, %select_n3A_595 : i32
      %select_n3A_600 = arith.select %eq3A_598, %get3A_423, %select_n3A_596 : vector<16xi32>
      %eq3A_601 = arith.constant 6 : i32
      %eq3A_602 = arith.cmpi eq, %select_n3A_575, %eq3A_601 : i32
      %select_n3A_603 = arith.select %eq3A_602, %add3A_519, %select_n3A_599 : i32
      %select_n3A_604 = arith.select %eq3A_602, %get3A_431, %select_n3A_600 : vector<16xi32>
      %eq3A_605 = arith.constant 7 : i32
      %eq3A_606 = arith.cmpi eq, %select_n3A_575, %eq3A_605 : i32
      %select_n3A_607 = arith.select %eq3A_606, %add3A_518, %select_n3A_603 : i32
      %select_n3A_608 = arith.select %eq3A_606, %get3A_439, %select_n3A_604 : vector<16xi32>
      %eq3A_609 = arith.constant 8 : i32
      %eq3A_610 = arith.cmpi eq, %select_n3A_575, %eq3A_609 : i32
      %select_n3A_611 = arith.select %eq3A_610, %add3A_517, %select_n3A_607 : i32
      %select_n3A_612 = arith.select %eq3A_610, %get3A_447, %select_n3A_608 : vector<16xi32>
      %eq3A_613 = arith.constant 9 : i32
      %eq3A_614 = arith.cmpi eq, %select_n3A_575, %eq3A_613 : i32
      %select_n3A_615 = arith.select %eq3A_614, %add3A_516, %select_n3A_611 : i32
      %select_n3A_616 = arith.select %eq3A_614, %get3A_455, %select_n3A_612 : vector<16xi32>
      %eq3A_617 = arith.constant 10 : i32
      %eq3A_618 = arith.cmpi eq, %select_n3A_575, %eq3A_617 : i32
      %select_n3A_619 = arith.select %eq3A_618, %add3A_515, %select_n3A_615 : i32
      %select_n3A_620 = arith.select %eq3A_618, %get3A_463, %select_n3A_616 : vector<16xi32>
      %eq3A_621 = arith.constant 11 : i32
      %eq3A_622 = arith.cmpi eq, %select_n3A_575, %eq3A_621 : i32
      %select_n3A_623 = arith.select %eq3A_622, %add3A_514, %select_n3A_619 : i32
      %select_n3A_624 = arith.select %eq3A_622, %get3A_471, %select_n3A_620 : vector<16xi32>
      %eq3A_625 = arith.constant 12 : i32
      %eq3A_626 = arith.cmpi eq, %select_n3A_575, %eq3A_625 : i32
      %select_n3A_627 = arith.select %eq3A_626, %add3A_513, %select_n3A_623 : i32
      %select_n3A_628 = arith.select %eq3A_626, %get3A_479, %select_n3A_624 : vector<16xi32>
      %eq3A_629 = arith.constant 13 : i32
      %eq3A_630 = arith.cmpi eq, %select_n3A_575, %eq3A_629 : i32
      %select_n3A_631 = arith.select %eq3A_630, %add3A_512, %select_n3A_627 : i32
      %select_n3A_632 = arith.select %eq3A_630, %get3A_487, %select_n3A_628 : vector<16xi32>
      %eq3A_633 = arith.constant 14 : i32
      %eq3A_634 = arith.cmpi eq, %select_n3A_575, %eq3A_633 : i32
      %select_n3A_635 = arith.select %eq3A_634, %add3A_511, %select_n3A_631 : i32
      %select_n3A_636 = arith.select %eq3A_634, %get3A_495, %select_n3A_632 : vector<16xi32>
      %eq3A_637 = arith.constant 15 : i32
      %eq3A_638 = arith.cmpi eq, %select_n3A_575, %eq3A_637 : i32
      %jit3A_639 = arith.constant 0 : i32
      %select_n3A_640 = arith.select %eq3A_638, %jit3A_639, %select_n3A_635 : i32
      %select_n3A_641 = arith.select %eq3A_638, %get3A_503, %select_n3A_636 : vector<16xi32>
      %rev3A_642 = arith.constant 15 : i32
      %rev3A_643 = vector.broadcast %rev3A_642 : i32 to vector<16xi32>
      %rev3A_644 = tpu.iota {dimensions = array<i32: 0>} : vector<16xi32>
      %rev3A_645 = arith.subi %rev3A_643, %rev3A_644 : vector<16xi32>
      %rev3A_646 = tpu.dynamic_gather %select_n3A_641[%rev3A_645] in [0] : vector<16xi32>, vector<16xi32> -> vector<16xi32>
      %broadcast_in_dim3A_647 = arith.constant true
      %broadcast_in_dim3A_648 = vector.broadcast %broadcast_in_dim3A_647 : i1 to vector<16xi1>
      %masked_cumsum3A_649 = tpu.scan <sum>, %rev3A_646 masked %broadcast_in_dim3A_648 : vector<16xi32>, vector<16xi1> -> vector<16xi32>
      %rev3A_650 = arith.constant 15 : i32
      %rev3A_651 = vector.broadcast %rev3A_650 : i32 to vector<16xi32>
      %rev3A_652 = tpu.iota {dimensions = array<i32: 0>} : vector<16xi32>
      %rev3A_653 = arith.subi %rev3A_651, %rev3A_652 : vector<16xi32>
      %rev3A_654 = tpu.dynamic_gather %masked_cumsum3A_649[%rev3A_653] in [0] : vector<16xi32>, vector<16xi32> -> vector<16xi32>
      %add3A_655 = vector.broadcast %select_n3A_640 : i32 to vector<16xi32>
      %add3A_656 = arith.addi %rev3A_654, %add3A_655 : vector<16xi32>
      %ge3A_657 = vector.broadcast %sub3A_375 : i32 to vector<16xi32>
      %ge3A_658 = arith.cmpi sge, %add3A_656, %ge3A_657 : vector<16xi32>
      %jit3A_659 = arith.constant -1 : i32
      %broadcast_in_dim3A_660 = vector.broadcast %jit3A_659 : i32 to vector<16xi32>
      %select_n3A_661 = arith.select %ge3A_658, %iota3A_379, %broadcast_in_dim3A_660 : vector<16xi1>, vector<16xi32>
      %reduce_max3A_662 = arith.constant true
      %reduce_max3A_663 = vector.broadcast %reduce_max3A_662 : i1 to vector<16xi1>
      %reduce_max3A_664 = arith.constant -2147483648 : i32
      %reduce_max3A_665 = vector.broadcast %reduce_max3A_664 : i32 to vector<16xi32>
      %reduce_max3A_666 = arith.xori %select_n3A_661, %reduce_max3A_665 : vector<16xi32>
      %reduce_max3A_667 = tpu.scan <max>, %reduce_max3A_666 masked %reduce_max3A_663 : vector<16xi32>, vector<16xi1> -> vector<16xi32>
      %reduce_max3A_668 = arith.xori %reduce_max3A_667, %reduce_max3A_665 : vector<16xi32>
      %reduce_max3A_669 = vector.extract %reduce_max3A_668[15] : i32 from vector<16xi32>
      %eq3A_670 = vector.broadcast %reduce_max3A_669 : i32 to vector<16xi32>
      %eq3A_671 = arith.cmpi eq, %iota3A_379, %eq3A_670 : vector<16xi32>
      %jit3A_672 = arith.constant 0 : i32
      %broadcast_in_dim3A_673 = vector.broadcast %jit3A_672 : i32 to vector<16xi32>
      %select_n3A_674 = arith.select %eq3A_671, %select_n3A_641, %broadcast_in_dim3A_673 : vector<16xi1>, vector<16xi32>
      %reduce_max3A_675 = arith.constant true
      %reduce_max3A_676 = vector.broadcast %reduce_max3A_675 : i1 to vector<16xi1>
      %reduce_max3A_677 = arith.constant -2147483648 : i32
      %reduce_max3A_678 = vector.broadcast %reduce_max3A_677 : i32 to vector<16xi32>
      %reduce_max3A_679 = arith.xori %select_n3A_674, %reduce_max3A_678 : vector<16xi32>
      %reduce_max3A_680 = tpu.scan <max>, %reduce_max3A_679 masked %reduce_max3A_676 : vector<16xi32>, vector<16xi1> -> vector<16xi32>
      %reduce_max3A_681 = arith.xori %reduce_max3A_680, %reduce_max3A_678 : vector<16xi32>
      %reduce_max3A_682 = vector.extract %reduce_max3A_681[15] : i32 from vector<16xi32>
      %eq3A_683 = vector.broadcast %reduce_max3A_669 : i32 to vector<16xi32>
      %eq3A_684 = arith.cmpi eq, %iota3A_379, %eq3A_683 : vector<16xi32>
      %jit3A_685 = arith.constant 0 : i32
      %broadcast_in_dim3A_686 = vector.broadcast %jit3A_685 : i32 to vector<16xi32>
      %select_n3A_687 = arith.select %eq3A_684, %rev3A_654, %broadcast_in_dim3A_686 : vector<16xi1>, vector<16xi32>
      %reduce_max3A_688 = arith.constant true
      %reduce_max3A_689 = vector.broadcast %reduce_max3A_688 : i1 to vector<16xi1>
      %reduce_max3A_690 = arith.constant -2147483648 : i32
      %reduce_max3A_691 = vector.broadcast %reduce_max3A_690 : i32 to vector<16xi32>
      %reduce_max3A_692 = arith.xori %select_n3A_687, %reduce_max3A_691 : vector<16xi32>
      %reduce_max3A_693 = tpu.scan <max>, %reduce_max3A_692 masked %reduce_max3A_689 : vector<16xi32>, vector<16xi1> -> vector<16xi32>
      %reduce_max3A_694 = arith.xori %reduce_max3A_693, %reduce_max3A_691 : vector<16xi32>
      %reduce_max3A_695 = vector.extract %reduce_max3A_694[15] : i32 from vector<16xi32>
      %add3A_696 = arith.addi %reduce_max3A_695, %select_n3A_640 : i32
      %sub3A_697 = arith.subi %add3A_696, %reduce_max3A_682 : i32
      %mul3A_698 = arith.constant 16 : i32
      %mul3A_699 = arith.muli %select_n3A_575, %mul3A_698 : i32
      %add3A_700 = arith.addi %mul3A_699, %reduce_max3A_669 : i32
      %sub3A_701 = arith.subi %sub3A_375, %sub3A_697 : i32
      %sub3A_702 = arith.constant 128 : i32
      %sub3A_703 = arith.subi %add3A_373, %sub3A_702 : i32
      %mul3A_704 = arith.constant 256 : i32
      %mul3A_705 = arith.muli %sub3A_703, %mul3A_704 : i32
      %add3A_706 = arith.addi %mul3A_705, %add3A_700 : i32
      %parallel_loop3A_707 = arith.constant 0 : i32
      %parallel_loop3A_708 = arith.constant 32768 : i32
      %parallel_loop3A_709 = arith.constant 16 : i32
      scf.for %parallel_loop3A_1368 = %parallel_loop3A_707 to %parallel_loop3A_708 step %parallel_loop3A_709  : i32 {
        %parallel_loop3A_1369 = arith.index_cast %parallel_loop3A_1368 : i32 to index
        %parallel_loop3A_1370 = tpu.vector_load %arg5[%parallel_loop3A_1369] {strides = array<i32>} : memref<32768xi32, #tpu.memory_space<vmem>>, vector<16xi32>,
        %parallel_loop3A_1371 = arith.constant 16 : i32
        %parallel_loop3A_1372 = vector.broadcast %parallel_loop3A_1371 : i32 to vector<16xi32>
        %parallel_loop3A_1373 = arith.shrsi %parallel_loop3A_1370, %parallel_loop3A_1372 : vector<16xi32>
        %parallel_loop3A_1374 = vector.broadcast %add3A_706 : i32 to vector<16xi32>
        %parallel_loop3A_1375 = arith.cmpi eq, %parallel_loop3A_1373, %parallel_loop3A_1374 : vector<16xi32>
        %parallel_loop3A_1376 = arith.constant 8 : i32
        %parallel_loop3A_1377 = vector.broadcast %parallel_loop3A_1376 : i32 to vector<16xi32>
        %parallel_loop3A_1378 = arith.shrsi %parallel_loop3A_1370, %parallel_loop3A_1377 : vector<16xi32>
        %parallel_loop3A_1379 = arith.constant 255 : i32
        %parallel_loop3A_1380 = vector.broadcast %parallel_loop3A_1379 : i32 to vector<16xi32>
        %parallel_loop3A_1381 = arith.andi %parallel_loop3A_1378, %parallel_loop3A_1380 : vector<16xi32>
        tpu.vector_store_idx %arg6[%parallel_loop3A_1381], %broadcast_in_dim3A_1 masked %parallel_loop3A_1375 {add = true} : memref<256xi32, #tpu.memory_space<vmem>>[vector<16xi32>], vector<16xi32>, vector<16xi1>
      } {sc.loop_unroll_factor = 8 : i64, sc.parallel_access}
      %iota3A_710 = tpu.iota {dimensions = array<i32: 0>} : vector<16xi32>
      %broadcast_in_dim3A_711 = arith.constant 0 : i32
      %broadcast_in_dim3A_712 = vector.broadcast %broadcast_in_dim3A_711 : i32 to vector<16xi32>
      %get3A_713 = arith.constant 0 : index
      %get3A_714 = tpu.vector_load %arg6[%get3A_713] {strides = array<i32>} : memref<256xi32, #tpu.memory_space<vmem>>, vector<16xi32>,
      %reduce_sum3A_715 = arith.constant true
      %reduce_sum3A_716 = vector.broadcast %reduce_sum3A_715 : i1 to vector<16xi1>
      %reduce_sum3A_717 = tpu.scan <sum>, %get3A_714 masked %reduce_sum3A_716 : vector<16xi32>, vector<16xi1> -> vector<16xi32>
      %reduce_sum3A_718 = vector.extract %reduce_sum3A_717[15] : i32 from vector<16xi32>
      %swap3A_719 = arith.constant 0 : index
      %swap3A_720 = tpu.vector_load %arg6[%swap3A_719] {strides = array<i32>} : memref<256xi32, #tpu.memory_space<vmem>>, vector<16xi32>,
      tpu.vector_store %arg6[%swap3A_719], %broadcast_in_dim3A_712 {strides = array<i32>} : memref<256xi32, #tpu.memory_space<vmem>>, vector<16xi32>,
      %get3A_721 = arith.constant 16 : index
      %get3A_722 = tpu.vector_load %arg6[%get3A_721] {strides = array<i32>} : memref<256xi32, #tpu.memory_space<vmem>>, vector<16xi32>,
      %reduce_sum3A_723 = arith.constant true
      %reduce_sum3A_724 = vector.broadcast %reduce_sum3A_723 : i1 to vector<16xi1>
      %reduce_sum3A_725 = tpu.scan <sum>, %get3A_722 masked %reduce_sum3A_724 : vector<16xi32>, vector<16xi1> -> vector<16xi32>
      %reduce_sum3A_726 = vector.extract %reduce_sum3A_725[15] : i32 from vector<16xi32>
      %swap3A_727 = arith.constant 16 : index
      %swap3A_728 = tpu.vector_load %arg6[%swap3A_727] {strides = array<i32>} : memref<256xi32, #tpu.memory_space<vmem>>, vector<16xi32>,
      tpu.vector_store %arg6[%swap3A_727], %broadcast_in_dim3A_712 {strides = array<i32>} : memref<256xi32, #tpu.memory_space<vmem>>, vector<16xi32>,
      %get3A_729 = arith.constant 32 : index
      %get3A_730 = tpu.vector_load %arg6[%get3A_729] {strides = array<i32>} : memref<256xi32, #tpu.memory_space<vmem>>, vector<16xi32>,
      %reduce_sum3A_731 = arith.constant true
      %reduce_sum3A_732 = vector.broadcast %reduce_sum3A_731 : i1 to vector<16xi1>
      %reduce_sum3A_733 = tpu.scan <sum>, %get3A_730 masked %reduce_sum3A_732 : vector<16xi32>, vector<16xi1> -> vector<16xi32>
      %reduce_sum3A_734 = vector.extract %reduce_sum3A_733[15] : i32 from vector<16xi32>
      %swap3A_735 = arith.constant 32 : index
      %swap3A_736 = tpu.vector_load %arg6[%swap3A_735] {strides = array<i32>} : memref<256xi32, #tpu.memory_space<vmem>>, vector<16xi32>,
      tpu.vector_store %arg6[%swap3A_735], %broadcast_in_dim3A_712 {strides = array<i32>} : memref<256xi32, #tpu.memory_space<vmem>>, vector<16xi32>,
      %get3A_737 = arith.constant 48 : index
      %get3A_738 = tpu.vector_load %arg6[%get3A_737] {strides = array<i32>} : memref<256xi32, #tpu.memory_space<vmem>>, vector<16xi32>,
      %reduce_sum3A_739 = arith.constant true
      %reduce_sum3A_740 = vector.broadcast %reduce_sum3A_739 : i1 to vector<16xi1>
      %reduce_sum3A_741 = tpu.scan <sum>, %get3A_738 masked %reduce_sum3A_740 : vector<16xi32>, vector<16xi1> -> vector<16xi32>
      %reduce_sum3A_742 = vector.extract %reduce_sum3A_741[15] : i32 from vector<16xi32>
      %swap3A_743 = arith.constant 48 : index
      %swap3A_744 = tpu.vector_load %arg6[%swap3A_743] {strides = array<i32>} : memref<256xi32, #tpu.memory_space<vmem>>, vector<16xi32>,
      tpu.vector_store %arg6[%swap3A_743], %broadcast_in_dim3A_712 {strides = array<i32>} : memref<256xi32, #tpu.memory_space<vmem>>, vector<16xi32>,
      %get3A_745 = arith.constant 64 : index
      %get3A_746 = tpu.vector_load %arg6[%get3A_745] {strides = array<i32>} : memref<256xi32, #tpu.memory_space<vmem>>, vector<16xi32>,
      %reduce_sum3A_747 = arith.constant true
      %reduce_sum3A_748 = vector.broadcast %reduce_sum3A_747 : i1 to vector<16xi1>
      %reduce_sum3A_749 = tpu.scan <sum>, %get3A_746 masked %reduce_sum3A_748 : vector<16xi32>, vector<16xi1> -> vector<16xi32>
      %reduce_sum3A_750 = vector.extract %reduce_sum3A_749[15] : i32 from vector<16xi32>
      %swap3A_751 = arith.constant 64 : index
      %swap3A_752 = tpu.vector_load %arg6[%swap3A_751] {strides = array<i32>} : memref<256xi32, #tpu.memory_space<vmem>>, vector<16xi32>,
      tpu.vector_store %arg6[%swap3A_751], %broadcast_in_dim3A_712 {strides = array<i32>} : memref<256xi32, #tpu.memory_space<vmem>>, vector<16xi32>,
      %get3A_753 = arith.constant 80 : index
      %get3A_754 = tpu.vector_load %arg6[%get3A_753] {strides = array<i32>} : memref<256xi32, #tpu.memory_space<vmem>>, vector<16xi32>,
      %reduce_sum3A_755 = arith.constant true
      %reduce_sum3A_756 = vector.broadcast %reduce_sum3A_755 : i1 to vector<16xi1>
      %reduce_sum3A_757 = tpu.scan <sum>, %get3A_754 masked %reduce_sum3A_756 : vector<16xi32>, vector<16xi1> -> vector<16xi32>
      %reduce_sum3A_758 = vector.extract %reduce_sum3A_757[15] : i32 from vector<16xi32>
      %swap3A_759 = arith.constant 80 : index
      %swap3A_760 = tpu.vector_load %arg6[%swap3A_759] {strides = array<i32>} : memref<256xi32, #tpu.memory_space<vmem>>, vector<16xi32>,
      tpu.vector_store %arg6[%swap3A_759], %broadcast_in_dim3A_712 {strides = array<i32>} : memref<256xi32, #tpu.memory_space<vmem>>, vector<16xi32>,
      %get3A_761 = arith.constant 96 : index
      %get3A_762 = tpu.vector_load %arg6[%get3A_761] {strides = array<i32>} : memref<256xi32, #tpu.memory_space<vmem>>, vector<16xi32>,
      %reduce_sum3A_763 = arith.constant true
      %reduce_sum3A_764 = vector.broadcast %reduce_sum3A_763 : i1 to vector<16xi1>
      %reduce_sum3A_765 = tpu.scan <sum>, %get3A_762 masked %reduce_sum3A_764 : vector<16xi32>, vector<16xi1> -> vector<16xi32>
      %reduce_sum3A_766 = vector.extract %reduce_sum3A_765[15] : i32 from vector<16xi32>
      %swap3A_767 = arith.constant 96 : index
      %swap3A_768 = tpu.vector_load %arg6[%swap3A_767] {strides = array<i32>} : memref<256xi32, #tpu.memory_space<vmem>>, vector<16xi32>,
      tpu.vector_store %arg6[%swap3A_767], %broadcast_in_dim3A_712 {strides = array<i32>} : memref<256xi32, #tpu.memory_space<vmem>>, vector<16xi32>,
      %get3A_769 = arith.constant 112 : index
      %get3A_770 = tpu.vector_load %arg6[%get3A_769] {strides = array<i32>} : memref<256xi32, #tpu.memory_space<vmem>>, vector<16xi32>,
      %reduce_sum3A_771 = arith.constant true
      %reduce_sum3A_772 = vector.broadcast %reduce_sum3A_771 : i1 to vector<16xi1>
      %reduce_sum3A_773 = tpu.scan <sum>, %get3A_770 masked %reduce_sum3A_772 : vector<16xi32>, vector<16xi1> -> vector<16xi32>
      %reduce_sum3A_774 = vector.extract %reduce_sum3A_773[15] : i32 from vector<16xi32>
      %swap3A_775 = arith.constant 112 : index
      %swap3A_776 = tpu.vector_load %arg6[%swap3A_775] {strides = array<i32>} : memref<256xi32, #tpu.memory_space<vmem>>, vector<16xi32>,
      tpu.vector_store %arg6[%swap3A_775], %broadcast_in_dim3A_712 {strides = array<i32>} : memref<256xi32, #tpu.memory_space<vmem>>, vector<16xi32>,
      %get3A_777 = arith.constant 128 : index
      %get3A_778 = tpu.vector_load %arg6[%get3A_777] {strides = array<i32>} : memref<256xi32, #tpu.memory_space<vmem>>, vector<16xi32>,
      %reduce_sum3A_779 = arith.constant true
      %reduce_sum3A_780 = vector.broadcast %reduce_sum3A_779 : i1 to vector<16xi1>
      %reduce_sum3A_781 = tpu.scan <sum>, %get3A_778 masked %reduce_sum3A_780 : vector<16xi32>, vector<16xi1> -> vector<16xi32>
      %reduce_sum3A_782 = vector.extract %reduce_sum3A_781[15] : i32 from vector<16xi32>
      %swap3A_783 = arith.constant 128 : index
      %swap3A_784 = tpu.vector_load %arg6[%swap3A_783] {strides = array<i32>} : memref<256xi32, #tpu.memory_space<vmem>>, vector<16xi32>,
      tpu.vector_store %arg6[%swap3A_783], %broadcast_in_dim3A_712 {strides = array<i32>} : memref<256xi32, #tpu.memory_space<vmem>>, vector<16xi32>,
      %get3A_785 = arith.constant 144 : index
      %get3A_786 = tpu.vector_load %arg6[%get3A_785] {strides = array<i32>} : memref<256xi32, #tpu.memory_space<vmem>>, vector<16xi32>,
      %reduce_sum3A_787 = arith.constant true
      %reduce_sum3A_788 = vector.broadcast %reduce_sum3A_787 : i1 to vector<16xi1>
      %reduce_sum3A_789 = tpu.scan <sum>, %get3A_786 masked %reduce_sum3A_788 : vector<16xi32>, vector<16xi1> -> vector<16xi32>
      %reduce_sum3A_790 = vector.extract %reduce_sum3A_789[15] : i32 from vector<16xi32>
      %swap3A_791 = arith.constant 144 : index
      %swap3A_792 = tpu.vector_load %arg6[%swap3A_791] {strides = array<i32>} : memref<256xi32, #tpu.memory_space<vmem>>, vector<16xi32>,
      tpu.vector_store %arg6[%swap3A_791], %broadcast_in_dim3A_712 {strides = array<i32>} : memref<256xi32, #tpu.memory_space<vmem>>, vector<16xi32>,
      %get3A_793 = arith.constant 160 : index
      %get3A_794 = tpu.vector_load %arg6[%get3A_793] {strides = array<i32>} : memref<256xi32, #tpu.memory_space<vmem>>, vector<16xi32>,
      %reduce_sum3A_795 = arith.constant true
      %reduce_sum3A_796 = vector.broadcast %reduce_sum3A_795 : i1 to vector<16xi1>
      %reduce_sum3A_797 = tpu.scan <sum>, %get3A_794 masked %reduce_sum3A_796 : vector<16xi32>, vector<16xi1> -> vector<16xi32>
      %reduce_sum3A_798 = vector.extract %reduce_sum3A_797[15] : i32 from vector<16xi32>
      %swap3A_799 = arith.constant 160 : index
      %swap3A_800 = tpu.vector_load %arg6[%swap3A_799] {strides = array<i32>} : memref<256xi32, #tpu.memory_space<vmem>>, vector<16xi32>,
      tpu.vector_store %arg6[%swap3A_799], %broadcast_in_dim3A_712 {strides = array<i32>} : memref<256xi32, #tpu.memory_space<vmem>>, vector<16xi32>,
      %get3A_801 = arith.constant 176 : index
      %get3A_802 = tpu.vector_load %arg6[%get3A_801] {strides = array<i32>} : memref<256xi32, #tpu.memory_space<vmem>>, vector<16xi32>,
      %reduce_sum3A_803 = arith.constant true
      %reduce_sum3A_804 = vector.broadcast %reduce_sum3A_803 : i1 to vector<16xi1>
      %reduce_sum3A_805 = tpu.scan <sum>, %get3A_802 masked %reduce_sum3A_804 : vector<16xi32>, vector<16xi1> -> vector<16xi32>
      %reduce_sum3A_806 = vector.extract %reduce_sum3A_805[15] : i32 from vector<16xi32>
      %swap3A_807 = arith.constant 176 : index
      %swap3A_808 = tpu.vector_load %arg6[%swap3A_807] {strides = array<i32>} : memref<256xi32, #tpu.memory_space<vmem>>, vector<16xi32>,
      tpu.vector_store %arg6[%swap3A_807], %broadcast_in_dim3A_712 {strides = array<i32>} : memref<256xi32, #tpu.memory_space<vmem>>, vector<16xi32>,
      %get3A_809 = arith.constant 192 : index
      %get3A_810 = tpu.vector_load %arg6[%get3A_809] {strides = array<i32>} : memref<256xi32, #tpu.memory_space<vmem>>, vector<16xi32>,
      %reduce_sum3A_811 = arith.constant true
      %reduce_sum3A_812 = vector.broadcast %reduce_sum3A_811 : i1 to vector<16xi1>
      %reduce_sum3A_813 = tpu.scan <sum>, %get3A_810 masked %reduce_sum3A_812 : vector<16xi32>, vector<16xi1> -> vector<16xi32>
      %reduce_sum3A_814 = vector.extract %reduce_sum3A_813[15] : i32 from vector<16xi32>
      %swap3A_815 = arith.constant 192 : index
      %swap3A_816 = tpu.vector_load %arg6[%swap3A_815] {strides = array<i32>} : memref<256xi32, #tpu.memory_space<vmem>>, vector<16xi32>,
      tpu.vector_store %arg6[%swap3A_815], %broadcast_in_dim3A_712 {strides = array<i32>} : memref<256xi32, #tpu.memory_space<vmem>>, vector<16xi32>,
      %get3A_817 = arith.constant 208 : index
      %get3A_818 = tpu.vector_load %arg6[%get3A_817] {strides = array<i32>} : memref<256xi32, #tpu.memory_space<vmem>>, vector<16xi32>,
      %reduce_sum3A_819 = arith.constant true
      %reduce_sum3A_820 = vector.broadcast %reduce_sum3A_819 : i1 to vector<16xi1>
      %reduce_sum3A_821 = tpu.scan <sum>, %get3A_818 masked %reduce_sum3A_820 : vector<16xi32>, vector<16xi1> -> vector<16xi32>
      %reduce_sum3A_822 = vector.extract %reduce_sum3A_821[15] : i32 from vector<16xi32>
      %swap3A_823 = arith.constant 208 : index
      %swap3A_824 = tpu.vector_load %arg6[%swap3A_823] {strides = array<i32>} : memref<256xi32, #tpu.memory_space<vmem>>, vector<16xi32>,
      tpu.vector_store %arg6[%swap3A_823], %broadcast_in_dim3A_712 {strides = array<i32>} : memref<256xi32, #tpu.memory_space<vmem>>, vector<16xi32>,
      %get3A_825 = arith.constant 224 : index
      %get3A_826 = tpu.vector_load %arg6[%get3A_825] {strides = array<i32>} : memref<256xi32, #tpu.memory_space<vmem>>, vector<16xi32>,
      %reduce_sum3A_827 = arith.constant true
      %reduce_sum3A_828 = vector.broadcast %reduce_sum3A_827 : i1 to vector<16xi1>
      %reduce_sum3A_829 = tpu.scan <sum>, %get3A_826 masked %reduce_sum3A_828 : vector<16xi32>, vector<16xi1> -> vector<16xi32>
      %reduce_sum3A_830 = vector.extract %reduce_sum3A_829[15] : i32 from vector<16xi32>
      %swap3A_831 = arith.constant 224 : index
      %swap3A_832 = tpu.vector_load %arg6[%swap3A_831] {strides = array<i32>} : memref<256xi32, #tpu.memory_space<vmem>>, vector<16xi32>,
      tpu.vector_store %arg6[%swap3A_831], %broadcast_in_dim3A_712 {strides = array<i32>} : memref<256xi32, #tpu.memory_space<vmem>>, vector<16xi32>,
      %get3A_833 = arith.constant 240 : index
      %get3A_834 = tpu.vector_load %arg6[%get3A_833] {strides = array<i32>} : memref<256xi32, #tpu.memory_space<vmem>>, vector<16xi32>,
      %reduce_sum3A_835 = arith.constant true
      %reduce_sum3A_836 = vector.broadcast %reduce_sum3A_835 : i1 to vector<16xi1>
      %reduce_sum3A_837 = tpu.scan <sum>, %get3A_834 masked %reduce_sum3A_836 : vector<16xi32>, vector<16xi1> -> vector<16xi32>
      %reduce_sum3A_838 = vector.extract %reduce_sum3A_837[15] : i32 from vector<16xi32>
      %swap3A_839 = arith.constant 240 : index
      %swap3A_840 = tpu.vector_load %arg6[%swap3A_839] {strides = array<i32>} : memref<256xi32, #tpu.memory_space<vmem>>, vector<16xi32>,
      tpu.vector_store %arg6[%swap3A_839], %broadcast_in_dim3A_712 {strides = array<i32>} : memref<256xi32, #tpu.memory_space<vmem>>, vector<16xi32>,
      %add3A_841 = arith.constant 0 : i32
      %add3A_842 = arith.addi %add3A_841, %reduce_sum3A_838 : i32
      %add3A_843 = arith.addi %add3A_842, %reduce_sum3A_830 : i32
      %add3A_844 = arith.addi %add3A_843, %reduce_sum3A_822 : i32
      %add3A_845 = arith.addi %add3A_844, %reduce_sum3A_814 : i32
      %add3A_846 = arith.addi %add3A_845, %reduce_sum3A_806 : i32
      %add3A_847 = arith.addi %add3A_846, %reduce_sum3A_798 : i32
      %add3A_848 = arith.addi %add3A_847, %reduce_sum3A_790 : i32
      %add3A_849 = arith.addi %add3A_848, %reduce_sum3A_782 : i32
      %add3A_850 = arith.addi %add3A_849, %reduce_sum3A_774 : i32
      %add3A_851 = arith.addi %add3A_850, %reduce_sum3A_766 : i32
      %add3A_852 = arith.addi %add3A_851, %reduce_sum3A_758 : i32
      %add3A_853 = arith.addi %add3A_852, %reduce_sum3A_750 : i32
      %add3A_854 = arith.addi %add3A_853, %reduce_sum3A_742 : i32
      %add3A_855 = arith.addi %add3A_854, %reduce_sum3A_734 : i32
      %add3A_856 = arith.addi %add3A_855, %reduce_sum3A_726 : i32
      %add3A_857 = arith.addi %add3A_856, %reduce_sum3A_718 : i32
      %ge3A_858 = arith.cmpi sge, %add3A_857, %sub3A_701 : i32
      %jit3A_859 = arith.constant 0 : i32
      %jit3A_860 = arith.constant 0 : i32
      %select_n3A_861 = arith.select %ge3A_858, %jit3A_859, %jit3A_860 : i32
      %ge3A_862 = arith.cmpi sge, %add3A_856, %sub3A_701 : i32
      %jit3A_863 = arith.constant 1 : i32
      %select_n3A_864 = arith.select %ge3A_862, %jit3A_863, %select_n3A_861 : i32
      %ge3A_865 = arith.cmpi sge, %add3A_855, %sub3A_701 : i32
      %jit3A_866 = arith.constant 2 : i32
      %select_n3A_867 = arith.select %ge3A_865, %jit3A_866, %select_n3A_864 : i32
      %ge3A_868 = arith.cmpi sge, %add3A_854, %sub3A_701 : i32
      %jit3A_869 = arith.constant 3 : i32
      %select_n3A_870 = arith.select %ge3A_868, %jit3A_869, %select_n3A_867 : i32
      %ge3A_871 = arith.cmpi sge, %add3A_853, %sub3A_701 : i32
      %jit3A_872 = arith.constant 4 : i32
      %select_n3A_873 = arith.select %ge3A_871, %jit3A_872, %select_n3A_870 : i32
      %ge3A_874 = arith.cmpi sge, %add3A_852, %sub3A_701 : i32
      %jit3A_875 = arith.constant 5 : i32
      %select_n3A_876 = arith.select %ge3A_874, %jit3A_875, %select_n3A_873 : i32
      %ge3A_877 = arith.cmpi sge, %add3A_851, %sub3A_701 : i32
      %jit3A_878 = arith.constant 6 : i32
      %select_n3A_879 = arith.select %ge3A_877, %jit3A_878, %select_n3A_876 : i32
      %ge3A_880 = arith.cmpi sge, %add3A_850, %sub3A_701 : i32
      %jit3A_881 = arith.constant 7 : i32
      %select_n3A_882 = arith.select %ge3A_880, %jit3A_881, %select_n3A_879 : i32
      %ge3A_883 = arith.cmpi sge, %add3A_849, %sub3A_701 : i32
      %jit3A_884 = arith.constant 8 : i32
      %select_n3A_885 = arith.select %ge3A_883, %jit3A_884, %select_n3A_882 : i32
      %ge3A_886 = arith.cmpi sge, %add3A_848, %sub3A_701 : i32
      %jit3A_887 = arith.constant 9 : i32
      %select_n3A_888 = arith.select %ge3A_886, %jit3A_887, %select_n3A_885 : i32
      %ge3A_889 = arith.cmpi sge, %add3A_847, %sub3A_701 : i32
      %jit3A_890 = arith.constant 10 : i32
      %select_n3A_891 = arith.select %ge3A_889, %jit3A_890, %select_n3A_888 : i32
      %ge3A_892 = arith.cmpi sge, %add3A_846, %sub3A_701 : i32
      %jit3A_893 = arith.constant 11 : i32
      %select_n3A_894 = arith.select %ge3A_892, %jit3A_893, %select_n3A_891 : i32
      %ge3A_895 = arith.cmpi sge, %add3A_845, %sub3A_701 : i32
      %jit3A_896 = arith.constant 12 : i32
      %select_n3A_897 = arith.select %ge3A_895, %jit3A_896, %select_n3A_894 : i32
      %ge3A_898 = arith.cmpi sge, %add3A_844, %sub3A_701 : i32
      %jit3A_899 = arith.constant 13 : i32
      %select_n3A_900 = arith.select %ge3A_898, %jit3A_899, %select_n3A_897 : i32
      %ge3A_901 = arith.cmpi sge, %add3A_843, %sub3A_701 : i32
      %jit3A_902 = arith.constant 14 : i32
      %select_n3A_903 = arith.select %ge3A_901, %jit3A_902, %select_n3A_900 : i32
      %ge3A_904 = arith.cmpi sge, %add3A_842, %sub3A_701 : i32
      %jit3A_905 = arith.constant 15 : i32
      %select_n3A_906 = arith.select %ge3A_904, %jit3A_905, %select_n3A_903 : i32
      %eq3A_907 = arith.constant 0 : i32
      %eq3A_908 = arith.cmpi eq, %select_n3A_906, %eq3A_907 : i32
      %jit3A_909 = arith.constant 0 : i32
      %select_n3A_910 = arith.select %eq3A_908, %add3A_856, %jit3A_909 : i32
      %select_n3A_911 = arith.select %eq3A_908, %get3A_714, %get3A_714 : vector<16xi32>
      %eq3A_912 = arith.constant 1 : i32
      %eq3A_913 = arith.cmpi eq, %select_n3A_906, %eq3A_912 : i32
      %select_n3A_914 = arith.select %eq3A_913, %add3A_855, %select_n3A_910 : i32
      %select_n3A_915 = arith.select %eq3A_913, %get3A_722, %select_n3A_911 : vector<16xi32>
      %eq3A_916 = arith.constant 2 : i32
      %eq3A_917 = arith.cmpi eq, %select_n3A_906, %eq3A_916 : i32
      %select_n3A_918 = arith.select %eq3A_917, %add3A_854, %select_n3A_914 : i32
      %select_n3A_919 = arith.select %eq3A_917, %get3A_730, %select_n3A_915 : vector<16xi32>
      %eq3A_920 = arith.constant 3 : i32
      %eq3A_921 = arith.cmpi eq, %select_n3A_906, %eq3A_920 : i32
      %select_n3A_922 = arith.select %eq3A_921, %add3A_853, %select_n3A_918 : i32
      %select_n3A_923 = arith.select %eq3A_921, %get3A_738, %select_n3A_919 : vector<16xi32>
      %eq3A_924 = arith.constant 4 : i32
      %eq3A_925 = arith.cmpi eq, %select_n3A_906, %eq3A_924 : i32
      %select_n3A_926 = arith.select %eq3A_925, %add3A_852, %select_n3A_922 : i32
      %select_n3A_927 = arith.select %eq3A_925, %get3A_746, %select_n3A_923 : vector<16xi32>
      %eq3A_928 = arith.constant 5 : i32
      %eq3A_929 = arith.cmpi eq, %select_n3A_906, %eq3A_928 : i32
      %select_n3A_930 = arith.select %eq3A_929, %add3A_851, %select_n3A_926 : i32
      %select_n3A_931 = arith.select %eq3A_929, %get3A_754, %select_n3A_927 : vector<16xi32>
      %eq3A_932 = arith.constant 6 : i32
      %eq3A_933 = arith.cmpi eq, %select_n3A_906, %eq3A_932 : i32
      %select_n3A_934 = arith.select %eq3A_933, %add3A_850, %select_n3A_930 : i32
      %select_n3A_935 = arith.select %eq3A_933, %get3A_762, %select_n3A_931 : vector<16xi32>
      %eq3A_936 = arith.constant 7 : i32
      %eq3A_937 = arith.cmpi eq, %select_n3A_906, %eq3A_936 : i32
      %select_n3A_938 = arith.select %eq3A_937, %add3A_849, %select_n3A_934 : i32
      %select_n3A_939 = arith.select %eq3A_937, %get3A_770, %select_n3A_935 : vector<16xi32>
      %eq3A_940 = arith.constant 8 : i32
      %eq3A_941 = arith.cmpi eq, %select_n3A_906, %eq3A_940 : i32
      %select_n3A_942 = arith.select %eq3A_941, %add3A_848, %select_n3A_938 : i32
      %select_n3A_943 = arith.select %eq3A_941, %get3A_778, %select_n3A_939 : vector<16xi32>
      %eq3A_944 = arith.constant 9 : i32
      %eq3A_945 = arith.cmpi eq, %select_n3A_906, %eq3A_944 : i32
      %select_n3A_946 = arith.select %eq3A_945, %add3A_847, %select_n3A_942 : i32
      %select_n3A_947 = arith.select %eq3A_945, %get3A_786, %select_n3A_943 : vector<16xi32>
      %eq3A_948 = arith.constant 10 : i32
      %eq3A_949 = arith.cmpi eq, %select_n3A_906, %eq3A_948 : i32
      %select_n3A_950 = arith.select %eq3A_949, %add3A_846, %select_n3A_946 : i32
      %select_n3A_951 = arith.select %eq3A_949, %get3A_794, %select_n3A_947 : vector<16xi32>
      %eq3A_952 = arith.constant 11 : i32
      %eq3A_953 = arith.cmpi eq, %select_n3A_906, %eq3A_952 : i32
      %select_n3A_954 = arith.select %eq3A_953, %add3A_845, %select_n3A_950 : i32
      %select_n3A_955 = arith.select %eq3A_953, %get3A_802, %select_n3A_951 : vector<16xi32>
      %eq3A_956 = arith.constant 12 : i32
      %eq3A_957 = arith.cmpi eq, %select_n3A_906, %eq3A_956 : i32
      %select_n3A_958 = arith.select %eq3A_957, %add3A_844, %select_n3A_954 : i32
      %select_n3A_959 = arith.select %eq3A_957, %get3A_810, %select_n3A_955 : vector<16xi32>
      %eq3A_960 = arith.constant 13 : i32
      %eq3A_961 = arith.cmpi eq, %select_n3A_906, %eq3A_960 : i32
      %select_n3A_962 = arith.select %eq3A_961, %add3A_843, %select_n3A_958 : i32
      %select_n3A_963 = arith.select %eq3A_961, %get3A_818, %select_n3A_959 : vector<16xi32>
      %eq3A_964 = arith.constant 14 : i32
      %eq3A_965 = arith.cmpi eq, %select_n3A_906, %eq3A_964 : i32
      %select_n3A_966 = arith.select %eq3A_965, %add3A_842, %select_n3A_962 : i32
      %select_n3A_967 = arith.select %eq3A_965, %get3A_826, %select_n3A_963 : vector<16xi32>
      %eq3A_968 = arith.constant 15 : i32
      %eq3A_969 = arith.cmpi eq, %select_n3A_906, %eq3A_968 : i32
      %jit3A_970 = arith.constant 0 : i32
      %select_n3A_971 = arith.select %eq3A_969, %jit3A_970, %select_n3A_966 : i32
      %select_n3A_972 = arith.select %eq3A_969, %get3A_834, %select_n3A_967 : vector<16xi32>
      %rev3A_973 = arith.constant 15 : i32
      %rev3A_974 = vector.broadcast %rev3A_973 : i32 to vector<16xi32>
      %rev3A_975 = tpu.iota {dimensions = array<i32: 0>} : vector<16xi32>
      %rev3A_976 = arith.subi %rev3A_974, %rev3A_975 : vector<16xi32>
      %rev3A_977 = tpu.dynamic_gather %select_n3A_972[%rev3A_976] in [0] : vector<16xi32>, vector<16xi32> -> vector<16xi32>
      %broadcast_in_dim3A_978 = arith.constant true
      %broadcast_in_dim3A_979 = vector.broadcast %broadcast_in_dim3A_978 : i1 to vector<16xi1>
      %masked_cumsum3A_980 = tpu.scan <sum>, %rev3A_977 masked %broadcast_in_dim3A_979 : vector<16xi32>, vector<16xi1> -> vector<16xi32>
      %rev3A_981 = arith.constant 15 : i32
      %rev3A_982 = vector.broadcast %rev3A_981 : i32 to vector<16xi32>
      %rev3A_983 = tpu.iota {dimensions = array<i32: 0>} : vector<16xi32>
      %rev3A_984 = arith.subi %rev3A_982, %rev3A_983 : vector<16xi32>
      %rev3A_985 = tpu.dynamic_gather %masked_cumsum3A_980[%rev3A_984] in [0] : vector<16xi32>, vector<16xi32> -> vector<16xi32>
      %add3A_986 = vector.broadcast %select_n3A_971 : i32 to vector<16xi32>
      %add3A_987 = arith.addi %rev3A_985, %add3A_986 : vector<16xi32>
      %ge3A_988 = vector.broadcast %sub3A_701 : i32 to vector<16xi32>
      %ge3A_989 = arith.cmpi sge, %add3A_987, %ge3A_988 : vector<16xi32>
      %jit3A_990 = arith.constant -1 : i32
      %broadcast_in_dim3A_991 = vector.broadcast %jit3A_990 : i32 to vector<16xi32>
      %select_n3A_992 = arith.select %ge3A_989, %iota3A_710, %broadcast_in_dim3A_991 : vector<16xi1>, vector<16xi32>
      %reduce_max3A_993 = arith.constant true
      %reduce_max3A_994 = vector.broadcast %reduce_max3A_993 : i1 to vector<16xi1>
      %reduce_max3A_995 = arith.constant -2147483648 : i32
      %reduce_max3A_996 = vector.broadcast %reduce_max3A_995 : i32 to vector<16xi32>
      %reduce_max3A_997 = arith.xori %select_n3A_992, %reduce_max3A_996 : vector<16xi32>
      %reduce_max3A_998 = tpu.scan <max>, %reduce_max3A_997 masked %reduce_max3A_994 : vector<16xi32>, vector<16xi1> -> vector<16xi32>
      %reduce_max3A_999 = arith.xori %reduce_max3A_998, %reduce_max3A_996 : vector<16xi32>
      %reduce_max3A_1000 = vector.extract %reduce_max3A_999[15] : i32 from vector<16xi32>
      %eq3A_1001 = vector.broadcast %reduce_max3A_1000 : i32 to vector<16xi32>
      %eq3A_1002 = arith.cmpi eq, %iota3A_710, %eq3A_1001 : vector<16xi32>
      %jit3A_1003 = arith.constant 0 : i32
      %broadcast_in_dim3A_1004 = vector.broadcast %jit3A_1003 : i32 to vector<16xi32>
      %select_n3A_1005 = arith.select %eq3A_1002, %select_n3A_972, %broadcast_in_dim3A_1004 : vector<16xi1>, vector<16xi32>
      %reduce_max3A_1006 = arith.constant true
      %reduce_max3A_1007 = vector.broadcast %reduce_max3A_1006 : i1 to vector<16xi1>
      %reduce_max3A_1008 = arith.constant -2147483648 : i32
      %reduce_max3A_1009 = vector.broadcast %reduce_max3A_1008 : i32 to vector<16xi32>
      %reduce_max3A_1010 = arith.xori %select_n3A_1005, %reduce_max3A_1009 : vector<16xi32>
      %reduce_max3A_1011 = tpu.scan <max>, %reduce_max3A_1010 masked %reduce_max3A_1007 : vector<16xi32>, vector<16xi1> -> vector<16xi32>
      %reduce_max3A_1012 = arith.xori %reduce_max3A_1011, %reduce_max3A_1009 : vector<16xi32>
      %reduce_max3A_1013 = vector.extract %reduce_max3A_1012[15] : i32 from vector<16xi32>
      %eq3A_1014 = vector.broadcast %reduce_max3A_1000 : i32 to vector<16xi32>
      %eq3A_1015 = arith.cmpi eq, %iota3A_710, %eq3A_1014 : vector<16xi32>
      %jit3A_1016 = arith.constant 0 : i32
      %broadcast_in_dim3A_1017 = vector.broadcast %jit3A_1016 : i32 to vector<16xi32>
      %select_n3A_1018 = arith.select %eq3A_1015, %rev3A_985, %broadcast_in_dim3A_1017 : vector<16xi1>, vector<16xi32>
      %reduce_max3A_1019 = arith.constant true
      %reduce_max3A_1020 = vector.broadcast %reduce_max3A_1019 : i1 to vector<16xi1>
      %reduce_max3A_1021 = arith.constant -2147483648 : i32
      %reduce_max3A_1022 = vector.broadcast %reduce_max3A_1021 : i32 to vector<16xi32>
      %reduce_max3A_1023 = arith.xori %select_n3A_1018, %reduce_max3A_1022 : vector<16xi32>
      %reduce_max3A_1024 = tpu.scan <max>, %reduce_max3A_1023 masked %reduce_max3A_1020 : vector<16xi32>, vector<16xi1> -> vector<16xi32>
      %reduce_max3A_1025 = arith.xori %reduce_max3A_1024, %reduce_max3A_1022 : vector<16xi32>
      %reduce_max3A_1026 = vector.extract %reduce_max3A_1025[15] : i32 from vector<16xi32>
      %add3A_1027 = arith.addi %reduce_max3A_1026, %select_n3A_971 : i32
      %sub3A_1028 = arith.subi %add3A_1027, %reduce_max3A_1013 : i32
      %mul3A_1029 = arith.constant 16 : i32
      %mul3A_1030 = arith.muli %select_n3A_906, %mul3A_1029 : i32
      %add3A_1031 = arith.addi %mul3A_1030, %reduce_max3A_1000 : i32
      %sub3A_1032 = arith.subi %sub3A_701, %sub3A_1028 : i32
      %mul3A_1033 = arith.constant 256 : i32
      %mul3A_1034 = arith.muli %add3A_706, %mul3A_1033 : i32
      %add3A_1035 = arith.addi %mul3A_1034, %add3A_1031 : i32
      %parallel_loop3A_1036 = arith.constant 0 : i32
      %parallel_loop3A_1037 = arith.constant 32768 : i32
      %parallel_loop3A_1038 = arith.constant 16 : i32
      scf.for %parallel_loop3A_1368 = %parallel_loop3A_1036 to %parallel_loop3A_1037 step %parallel_loop3A_1038  : i32 {
        %parallel_loop3A_1369 = arith.index_cast %parallel_loop3A_1368 : i32 to index
        %parallel_loop3A_1370 = tpu.vector_load %arg5[%parallel_loop3A_1369] {strides = array<i32>} : memref<32768xi32, #tpu.memory_space<vmem>>, vector<16xi32>,
        %parallel_loop3A_1371 = arith.constant 8 : i32
        %parallel_loop3A_1372 = vector.broadcast %parallel_loop3A_1371 : i32 to vector<16xi32>
        %parallel_loop3A_1373 = arith.shrsi %parallel_loop3A_1370, %parallel_loop3A_1372 : vector<16xi32>
        %parallel_loop3A_1374 = vector.broadcast %add3A_1035 : i32 to vector<16xi32>
        %parallel_loop3A_1375 = arith.cmpi eq, %parallel_loop3A_1373, %parallel_loop3A_1374 : vector<16xi32>
        %parallel_loop3A_1376 = arith.constant 255 : i32
        %parallel_loop3A_1377 = vector.broadcast %parallel_loop3A_1376 : i32 to vector<16xi32>
        %parallel_loop3A_1378 = arith.andi %parallel_loop3A_1370, %parallel_loop3A_1377 : vector<16xi32>
        tpu.vector_store_idx %arg6[%parallel_loop3A_1378], %broadcast_in_dim3A_1 masked %parallel_loop3A_1375 {add = true} : memref<256xi32, #tpu.memory_space<vmem>>[vector<16xi32>], vector<16xi32>, vector<16xi1>
      } {sc.loop_unroll_factor = 8 : i64, sc.parallel_access}
      %iota3A_1039 = tpu.iota {dimensions = array<i32: 0>} : vector<16xi32>
      %broadcast_in_dim3A_1040 = arith.constant 0 : i32
      %broadcast_in_dim3A_1041 = vector.broadcast %broadcast_in_dim3A_1040 : i32 to vector<16xi32>
      %get3A_1042 = arith.constant 0 : index
      %get3A_1043 = tpu.vector_load %arg6[%get3A_1042] {strides = array<i32>} : memref<256xi32, #tpu.memory_space<vmem>>, vector<16xi32>,
      %reduce_sum3A_1044 = arith.constant true
      %reduce_sum3A_1045 = vector.broadcast %reduce_sum3A_1044 : i1 to vector<16xi1>
      %reduce_sum3A_1046 = tpu.scan <sum>, %get3A_1043 masked %reduce_sum3A_1045 : vector<16xi32>, vector<16xi1> -> vector<16xi32>
      %reduce_sum3A_1047 = vector.extract %reduce_sum3A_1046[15] : i32 from vector<16xi32>
      %swap3A_1048 = arith.constant 0 : index
      %swap3A_1049 = tpu.vector_load %arg6[%swap3A_1048] {strides = array<i32>} : memref<256xi32, #tpu.memory_space<vmem>>, vector<16xi32>,
      tpu.vector_store %arg6[%swap3A_1048], %broadcast_in_dim3A_1041 {strides = array<i32>} : memref<256xi32, #tpu.memory_space<vmem>>, vector<16xi32>,
      %get3A_1050 = arith.constant 16 : index
      %get3A_1051 = tpu.vector_load %arg6[%get3A_1050] {strides = array<i32>} : memref<256xi32, #tpu.memory_space<vmem>>, vector<16xi32>,
      %reduce_sum3A_1052 = arith.constant true
      %reduce_sum3A_1053 = vector.broadcast %reduce_sum3A_1052 : i1 to vector<16xi1>
      %reduce_sum3A_1054 = tpu.scan <sum>, %get3A_1051 masked %reduce_sum3A_1053 : vector<16xi32>, vector<16xi1> -> vector<16xi32>
      %reduce_sum3A_1055 = vector.extract %reduce_sum3A_1054[15] : i32 from vector<16xi32>
      %swap3A_1056 = arith.constant 16 : index
      %swap3A_1057 = tpu.vector_load %arg6[%swap3A_1056] {strides = array<i32>} : memref<256xi32, #tpu.memory_space<vmem>>, vector<16xi32>,
      tpu.vector_store %arg6[%swap3A_1056], %broadcast_in_dim3A_1041 {strides = array<i32>} : memref<256xi32, #tpu.memory_space<vmem>>, vector<16xi32>,
      %get3A_1058 = arith.constant 32 : index
      %get3A_1059 = tpu.vector_load %arg6[%get3A_1058] {strides = array<i32>} : memref<256xi32, #tpu.memory_space<vmem>>, vector<16xi32>,
      %reduce_sum3A_1060 = arith.constant true
      %reduce_sum3A_1061 = vector.broadcast %reduce_sum3A_1060 : i1 to vector<16xi1>
      %reduce_sum3A_1062 = tpu.scan <sum>, %get3A_1059 masked %reduce_sum3A_1061 : vector<16xi32>, vector<16xi1> -> vector<16xi32>
      %reduce_sum3A_1063 = vector.extract %reduce_sum3A_1062[15] : i32 from vector<16xi32>
      %swap3A_1064 = arith.constant 32 : index
      %swap3A_1065 = tpu.vector_load %arg6[%swap3A_1064] {strides = array<i32>} : memref<256xi32, #tpu.memory_space<vmem>>, vector<16xi32>,
      tpu.vector_store %arg6[%swap3A_1064], %broadcast_in_dim3A_1041 {strides = array<i32>} : memref<256xi32, #tpu.memory_space<vmem>>, vector<16xi32>,
      %get3A_1066 = arith.constant 48 : index
      %get3A_1067 = tpu.vector_load %arg6[%get3A_1066] {strides = array<i32>} : memref<256xi32, #tpu.memory_space<vmem>>, vector<16xi32>,
      %reduce_sum3A_1068 = arith.constant true
      %reduce_sum3A_1069 = vector.broadcast %reduce_sum3A_1068 : i1 to vector<16xi1>
      %reduce_sum3A_1070 = tpu.scan <sum>, %get3A_1067 masked %reduce_sum3A_1069 : vector<16xi32>, vector<16xi1> -> vector<16xi32>
      %reduce_sum3A_1071 = vector.extract %reduce_sum3A_1070[15] : i32 from vector<16xi32>
      %swap3A_1072 = arith.constant 48 : index
      %swap3A_1073 = tpu.vector_load %arg6[%swap3A_1072] {strides = array<i32>} : memref<256xi32, #tpu.memory_space<vmem>>, vector<16xi32>,
      tpu.vector_store %arg6[%swap3A_1072], %broadcast_in_dim3A_1041 {strides = array<i32>} : memref<256xi32, #tpu.memory_space<vmem>>, vector<16xi32>,
      %get3A_1074 = arith.constant 64 : index
      %get3A_1075 = tpu.vector_load %arg6[%get3A_1074] {strides = array<i32>} : memref<256xi32, #tpu.memory_space<vmem>>, vector<16xi32>,
      %reduce_sum3A_1076 = arith.constant true
      %reduce_sum3A_1077 = vector.broadcast %reduce_sum3A_1076 : i1 to vector<16xi1>
      %reduce_sum3A_1078 = tpu.scan <sum>, %get3A_1075 masked %reduce_sum3A_1077 : vector<16xi32>, vector<16xi1> -> vector<16xi32>
      %reduce_sum3A_1079 = vector.extract %reduce_sum3A_1078[15] : i32 from vector<16xi32>
      %swap3A_1080 = arith.constant 64 : index
      %swap3A_1081 = tpu.vector_load %arg6[%swap3A_1080] {strides = array<i32>} : memref<256xi32, #tpu.memory_space<vmem>>, vector<16xi32>,
      tpu.vector_store %arg6[%swap3A_1080], %broadcast_in_dim3A_1041 {strides = array<i32>} : memref<256xi32, #tpu.memory_space<vmem>>, vector<16xi32>,
      %get3A_1082 = arith.constant 80 : index
      %get3A_1083 = tpu.vector_load %arg6[%get3A_1082] {strides = array<i32>} : memref<256xi32, #tpu.memory_space<vmem>>, vector<16xi32>,
      %reduce_sum3A_1084 = arith.constant true
      %reduce_sum3A_1085 = vector.broadcast %reduce_sum3A_1084 : i1 to vector<16xi1>
      %reduce_sum3A_1086 = tpu.scan <sum>, %get3A_1083 masked %reduce_sum3A_1085 : vector<16xi32>, vector<16xi1> -> vector<16xi32>
      %reduce_sum3A_1087 = vector.extract %reduce_sum3A_1086[15] : i32 from vector<16xi32>
      %swap3A_1088 = arith.constant 80 : index
      %swap3A_1089 = tpu.vector_load %arg6[%swap3A_1088] {strides = array<i32>} : memref<256xi32, #tpu.memory_space<vmem>>, vector<16xi32>,
      tpu.vector_store %arg6[%swap3A_1088], %broadcast_in_dim3A_1041 {strides = array<i32>} : memref<256xi32, #tpu.memory_space<vmem>>, vector<16xi32>,
      %get3A_1090 = arith.constant 96 : index
      %get3A_1091 = tpu.vector_load %arg6[%get3A_1090] {strides = array<i32>} : memref<256xi32, #tpu.memory_space<vmem>>, vector<16xi32>,
      %reduce_sum3A_1092 = arith.constant true
      %reduce_sum3A_1093 = vector.broadcast %reduce_sum3A_1092 : i1 to vector<16xi1>
      %reduce_sum3A_1094 = tpu.scan <sum>, %get3A_1091 masked %reduce_sum3A_1093 : vector<16xi32>, vector<16xi1> -> vector<16xi32>
      %reduce_sum3A_1095 = vector.extract %reduce_sum3A_1094[15] : i32 from vector<16xi32>
      %swap3A_1096 = arith.constant 96 : index
      %swap3A_1097 = tpu.vector_load %arg6[%swap3A_1096] {strides = array<i32>} : memref<256xi32, #tpu.memory_space<vmem>>, vector<16xi32>,
      tpu.vector_store %arg6[%swap3A_1096], %broadcast_in_dim3A_1041 {strides = array<i32>} : memref<256xi32, #tpu.memory_space<vmem>>, vector<16xi32>,
      %get3A_1098 = arith.constant 112 : index
      %get3A_1099 = tpu.vector_load %arg6[%get3A_1098] {strides = array<i32>} : memref<256xi32, #tpu.memory_space<vmem>>, vector<16xi32>,
      %reduce_sum3A_1100 = arith.constant true
      %reduce_sum3A_1101 = vector.broadcast %reduce_sum3A_1100 : i1 to vector<16xi1>
      %reduce_sum3A_1102 = tpu.scan <sum>, %get3A_1099 masked %reduce_sum3A_1101 : vector<16xi32>, vector<16xi1> -> vector<16xi32>
      %reduce_sum3A_1103 = vector.extract %reduce_sum3A_1102[15] : i32 from vector<16xi32>
      %swap3A_1104 = arith.constant 112 : index
      %swap3A_1105 = tpu.vector_load %arg6[%swap3A_1104] {strides = array<i32>} : memref<256xi32, #tpu.memory_space<vmem>>, vector<16xi32>,
      tpu.vector_store %arg6[%swap3A_1104], %broadcast_in_dim3A_1041 {strides = array<i32>} : memref<256xi32, #tpu.memory_space<vmem>>, vector<16xi32>,
      %get3A_1106 = arith.constant 128 : index
      %get3A_1107 = tpu.vector_load %arg6[%get3A_1106] {strides = array<i32>} : memref<256xi32, #tpu.memory_space<vmem>>, vector<16xi32>,
      %reduce_sum3A_1108 = arith.constant true
      %reduce_sum3A_1109 = vector.broadcast %reduce_sum3A_1108 : i1 to vector<16xi1>
      %reduce_sum3A_1110 = tpu.scan <sum>, %get3A_1107 masked %reduce_sum3A_1109 : vector<16xi32>, vector<16xi1> -> vector<16xi32>
      %reduce_sum3A_1111 = vector.extract %reduce_sum3A_1110[15] : i32 from vector<16xi32>
      %swap3A_1112 = arith.constant 128 : index
      %swap3A_1113 = tpu.vector_load %arg6[%swap3A_1112] {strides = array<i32>} : memref<256xi32, #tpu.memory_space<vmem>>, vector<16xi32>,
      tpu.vector_store %arg6[%swap3A_1112], %broadcast_in_dim3A_1041 {strides = array<i32>} : memref<256xi32, #tpu.memory_space<vmem>>, vector<16xi32>,
      %get3A_1114 = arith.constant 144 : index
      %get3A_1115 = tpu.vector_load %arg6[%get3A_1114] {strides = array<i32>} : memref<256xi32, #tpu.memory_space<vmem>>, vector<16xi32>,
      %reduce_sum3A_1116 = arith.constant true
      %reduce_sum3A_1117 = vector.broadcast %reduce_sum3A_1116 : i1 to vector<16xi1>
      %reduce_sum3A_1118 = tpu.scan <sum>, %get3A_1115 masked %reduce_sum3A_1117 : vector<16xi32>, vector<16xi1> -> vector<16xi32>
      %reduce_sum3A_1119 = vector.extract %reduce_sum3A_1118[15] : i32 from vector<16xi32>
      %swap3A_1120 = arith.constant 144 : index
      %swap3A_1121 = tpu.vector_load %arg6[%swap3A_1120] {strides = array<i32>} : memref<256xi32, #tpu.memory_space<vmem>>, vector<16xi32>,
      tpu.vector_store %arg6[%swap3A_1120], %broadcast_in_dim3A_1041 {strides = array<i32>} : memref<256xi32, #tpu.memory_space<vmem>>, vector<16xi32>,
      %get3A_1122 = arith.constant 160 : index
      %get3A_1123 = tpu.vector_load %arg6[%get3A_1122] {strides = array<i32>} : memref<256xi32, #tpu.memory_space<vmem>>, vector<16xi32>,
      %reduce_sum3A_1124 = arith.constant true
      %reduce_sum3A_1125 = vector.broadcast %reduce_sum3A_1124 : i1 to vector<16xi1>
      %reduce_sum3A_1126 = tpu.scan <sum>, %get3A_1123 masked %reduce_sum3A_1125 : vector<16xi32>, vector<16xi1> -> vector<16xi32>
      %reduce_sum3A_1127 = vector.extract %reduce_sum3A_1126[15] : i32 from vector<16xi32>
      %swap3A_1128 = arith.constant 160 : index
      %swap3A_1129 = tpu.vector_load %arg6[%swap3A_1128] {strides = array<i32>} : memref<256xi32, #tpu.memory_space<vmem>>, vector<16xi32>,
      tpu.vector_store %arg6[%swap3A_1128], %broadcast_in_dim3A_1041 {strides = array<i32>} : memref<256xi32, #tpu.memory_space<vmem>>, vector<16xi32>,
      %get3A_1130 = arith.constant 176 : index
      %get3A_1131 = tpu.vector_load %arg6[%get3A_1130] {strides = array<i32>} : memref<256xi32, #tpu.memory_space<vmem>>, vector<16xi32>,
      %reduce_sum3A_1132 = arith.constant true
      %reduce_sum3A_1133 = vector.broadcast %reduce_sum3A_1132 : i1 to vector<16xi1>
      %reduce_sum3A_1134 = tpu.scan <sum>, %get3A_1131 masked %reduce_sum3A_1133 : vector<16xi32>, vector<16xi1> -> vector<16xi32>
      %reduce_sum3A_1135 = vector.extract %reduce_sum3A_1134[15] : i32 from vector<16xi32>
      %swap3A_1136 = arith.constant 176 : index
      %swap3A_1137 = tpu.vector_load %arg6[%swap3A_1136] {strides = array<i32>} : memref<256xi32, #tpu.memory_space<vmem>>, vector<16xi32>,
      tpu.vector_store %arg6[%swap3A_1136], %broadcast_in_dim3A_1041 {strides = array<i32>} : memref<256xi32, #tpu.memory_space<vmem>>, vector<16xi32>,
      %get3A_1138 = arith.constant 192 : index
      %get3A_1139 = tpu.vector_load %arg6[%get3A_1138] {strides = array<i32>} : memref<256xi32, #tpu.memory_space<vmem>>, vector<16xi32>,
      %reduce_sum3A_1140 = arith.constant true
      %reduce_sum3A_1141 = vector.broadcast %reduce_sum3A_1140 : i1 to vector<16xi1>
      %reduce_sum3A_1142 = tpu.scan <sum>, %get3A_1139 masked %reduce_sum3A_1141 : vector<16xi32>, vector<16xi1> -> vector<16xi32>
      %reduce_sum3A_1143 = vector.extract %reduce_sum3A_1142[15] : i32 from vector<16xi32>
      %swap3A_1144 = arith.constant 192 : index
      %swap3A_1145 = tpu.vector_load %arg6[%swap3A_1144] {strides = array<i32>} : memref<256xi32, #tpu.memory_space<vmem>>, vector<16xi32>,
      tpu.vector_store %arg6[%swap3A_1144], %broadcast_in_dim3A_1041 {strides = array<i32>} : memref<256xi32, #tpu.memory_space<vmem>>, vector<16xi32>,
      %get3A_1146 = arith.constant 208 : index
      %get3A_1147 = tpu.vector_load %arg6[%get3A_1146] {strides = array<i32>} : memref<256xi32, #tpu.memory_space<vmem>>, vector<16xi32>,
      %reduce_sum3A_1148 = arith.constant true
      %reduce_sum3A_1149 = vector.broadcast %reduce_sum3A_1148 : i1 to vector<16xi1>
      %reduce_sum3A_1150 = tpu.scan <sum>, %get3A_1147 masked %reduce_sum3A_1149 : vector<16xi32>, vector<16xi1> -> vector<16xi32>
      %reduce_sum3A_1151 = vector.extract %reduce_sum3A_1150[15] : i32 from vector<16xi32>
      %swap3A_1152 = arith.constant 208 : index
      %swap3A_1153 = tpu.vector_load %arg6[%swap3A_1152] {strides = array<i32>} : memref<256xi32, #tpu.memory_space<vmem>>, vector<16xi32>,
      tpu.vector_store %arg6[%swap3A_1152], %broadcast_in_dim3A_1041 {strides = array<i32>} : memref<256xi32, #tpu.memory_space<vmem>>, vector<16xi32>,
      %get3A_1154 = arith.constant 224 : index
      %get3A_1155 = tpu.vector_load %arg6[%get3A_1154] {strides = array<i32>} : memref<256xi32, #tpu.memory_space<vmem>>, vector<16xi32>,
      %reduce_sum3A_1156 = arith.constant true
      %reduce_sum3A_1157 = vector.broadcast %reduce_sum3A_1156 : i1 to vector<16xi1>
      %reduce_sum3A_1158 = tpu.scan <sum>, %get3A_1155 masked %reduce_sum3A_1157 : vector<16xi32>, vector<16xi1> -> vector<16xi32>
      %reduce_sum3A_1159 = vector.extract %reduce_sum3A_1158[15] : i32 from vector<16xi32>
      %swap3A_1160 = arith.constant 224 : index
      %swap3A_1161 = tpu.vector_load %arg6[%swap3A_1160] {strides = array<i32>} : memref<256xi32, #tpu.memory_space<vmem>>, vector<16xi32>,
      tpu.vector_store %arg6[%swap3A_1160], %broadcast_in_dim3A_1041 {strides = array<i32>} : memref<256xi32, #tpu.memory_space<vmem>>, vector<16xi32>,
      %get3A_1162 = arith.constant 240 : index
      %get3A_1163 = tpu.vector_load %arg6[%get3A_1162] {strides = array<i32>} : memref<256xi32, #tpu.memory_space<vmem>>, vector<16xi32>,
      %reduce_sum3A_1164 = arith.constant true
      %reduce_sum3A_1165 = vector.broadcast %reduce_sum3A_1164 : i1 to vector<16xi1>
      %reduce_sum3A_1166 = tpu.scan <sum>, %get3A_1163 masked %reduce_sum3A_1165 : vector<16xi32>, vector<16xi1> -> vector<16xi32>
      %reduce_sum3A_1167 = vector.extract %reduce_sum3A_1166[15] : i32 from vector<16xi32>
      %swap3A_1168 = arith.constant 240 : index
      %swap3A_1169 = tpu.vector_load %arg6[%swap3A_1168] {strides = array<i32>} : memref<256xi32, #tpu.memory_space<vmem>>, vector<16xi32>,
      tpu.vector_store %arg6[%swap3A_1168], %broadcast_in_dim3A_1041 {strides = array<i32>} : memref<256xi32, #tpu.memory_space<vmem>>, vector<16xi32>,
      %add3A_1170 = arith.constant 0 : i32
      %add3A_1171 = arith.addi %add3A_1170, %reduce_sum3A_1167 : i32
      %add3A_1172 = arith.addi %add3A_1171, %reduce_sum3A_1159 : i32
      %add3A_1173 = arith.addi %add3A_1172, %reduce_sum3A_1151 : i32
      %add3A_1174 = arith.addi %add3A_1173, %reduce_sum3A_1143 : i32
      %add3A_1175 = arith.addi %add3A_1174, %reduce_sum3A_1135 : i32
      %add3A_1176 = arith.addi %add3A_1175, %reduce_sum3A_1127 : i32
      %add3A_1177 = arith.addi %add3A_1176, %reduce_sum3A_1119 : i32
      %add3A_1178 = arith.addi %add3A_1177, %reduce_sum3A_1111 : i32
      %add3A_1179 = arith.addi %add3A_1178, %reduce_sum3A_1103 : i32
      %add3A_1180 = arith.addi %add3A_1179, %reduce_sum3A_1095 : i32
      %add3A_1181 = arith.addi %add3A_1180, %reduce_sum3A_1087 : i32
      %add3A_1182 = arith.addi %add3A_1181, %reduce_sum3A_1079 : i32
      %add3A_1183 = arith.addi %add3A_1182, %reduce_sum3A_1071 : i32
      %add3A_1184 = arith.addi %add3A_1183, %reduce_sum3A_1063 : i32
      %add3A_1185 = arith.addi %add3A_1184, %reduce_sum3A_1055 : i32
      %add3A_1186 = arith.addi %add3A_1185, %reduce_sum3A_1047 : i32
      %ge3A_1187 = arith.cmpi sge, %add3A_1186, %sub3A_1032 : i32
      %jit3A_1188 = arith.constant 0 : i32
      %jit3A_1189 = arith.constant 0 : i32
      %select_n3A_1190 = arith.select %ge3A_1187, %jit3A_1188, %jit3A_1189 : i32
      %ge3A_1191 = arith.cmpi sge, %add3A_1185, %sub3A_1032 : i32
      %jit3A_1192 = arith.constant 1 : i32
      %select_n3A_1193 = arith.select %ge3A_1191, %jit3A_1192, %select_n3A_1190 : i32
      %ge3A_1194 = arith.cmpi sge, %add3A_1184, %sub3A_1032 : i32
      %jit3A_1195 = arith.constant 2 : i32
      %select_n3A_1196 = arith.select %ge3A_1194, %jit3A_1195, %select_n3A_1193 : i32
      %ge3A_1197 = arith.cmpi sge, %add3A_1183, %sub3A_1032 : i32
      %jit3A_1198 = arith.constant 3 : i32
      %select_n3A_1199 = arith.select %ge3A_1197, %jit3A_1198, %select_n3A_1196 : i32
      %ge3A_1200 = arith.cmpi sge, %add3A_1182, %sub3A_1032 : i32
      %jit3A_1201 = arith.constant 4 : i32
      %select_n3A_1202 = arith.select %ge3A_1200, %jit3A_1201, %select_n3A_1199 : i32
      %ge3A_1203 = arith.cmpi sge, %add3A_1181, %sub3A_1032 : i32
      %jit3A_1204 = arith.constant 5 : i32
      %select_n3A_1205 = arith.select %ge3A_1203, %jit3A_1204, %select_n3A_1202 : i32
      %ge3A_1206 = arith.cmpi sge, %add3A_1180, %sub3A_1032 : i32
      %jit3A_1207 = arith.constant 6 : i32
      %select_n3A_1208 = arith.select %ge3A_1206, %jit3A_1207, %select_n3A_1205 : i32
      %ge3A_1209 = arith.cmpi sge, %add3A_1179, %sub3A_1032 : i32
      %jit3A_1210 = arith.constant 7 : i32
      %select_n3A_1211 = arith.select %ge3A_1209, %jit3A_1210, %select_n3A_1208 : i32
      %ge3A_1212 = arith.cmpi sge, %add3A_1178, %sub3A_1032 : i32
      %jit3A_1213 = arith.constant 8 : i32
      %select_n3A_1214 = arith.select %ge3A_1212, %jit3A_1213, %select_n3A_1211 : i32
      %ge3A_1215 = arith.cmpi sge, %add3A_1177, %sub3A_1032 : i32
      %jit3A_1216 = arith.constant 9 : i32
      %select_n3A_1217 = arith.select %ge3A_1215, %jit3A_1216, %select_n3A_1214 : i32
      %ge3A_1218 = arith.cmpi sge, %add3A_1176, %sub3A_1032 : i32
      %jit3A_1219 = arith.constant 10 : i32
      %select_n3A_1220 = arith.select %ge3A_1218, %jit3A_1219, %select_n3A_1217 : i32
      %ge3A_1221 = arith.cmpi sge, %add3A_1175, %sub3A_1032 : i32
      %jit3A_1222 = arith.constant 11 : i32
      %select_n3A_1223 = arith.select %ge3A_1221, %jit3A_1222, %select_n3A_1220 : i32
      %ge3A_1224 = arith.cmpi sge, %add3A_1174, %sub3A_1032 : i32
      %jit3A_1225 = arith.constant 12 : i32
      %select_n3A_1226 = arith.select %ge3A_1224, %jit3A_1225, %select_n3A_1223 : i32
      %ge3A_1227 = arith.cmpi sge, %add3A_1173, %sub3A_1032 : i32
      %jit3A_1228 = arith.constant 13 : i32
      %select_n3A_1229 = arith.select %ge3A_1227, %jit3A_1228, %select_n3A_1226 : i32
      %ge3A_1230 = arith.cmpi sge, %add3A_1172, %sub3A_1032 : i32
      %jit3A_1231 = arith.constant 14 : i32
      %select_n3A_1232 = arith.select %ge3A_1230, %jit3A_1231, %select_n3A_1229 : i32
      %ge3A_1233 = arith.cmpi sge, %add3A_1171, %sub3A_1032 : i32
      %jit3A_1234 = arith.constant 15 : i32
      %select_n3A_1235 = arith.select %ge3A_1233, %jit3A_1234, %select_n3A_1232 : i32
      %eq3A_1236 = arith.constant 0 : i32
      %eq3A_1237 = arith.cmpi eq, %select_n3A_1235, %eq3A_1236 : i32
      %jit3A_1238 = arith.constant 0 : i32
      %select_n3A_1239 = arith.select %eq3A_1237, %add3A_1185, %jit3A_1238 : i32
      %select_n3A_1240 = arith.select %eq3A_1237, %get3A_1043, %get3A_1043 : vector<16xi32>
      %eq3A_1241 = arith.constant 1 : i32
      %eq3A_1242 = arith.cmpi eq, %select_n3A_1235, %eq3A_1241 : i32
      %select_n3A_1243 = arith.select %eq3A_1242, %add3A_1184, %select_n3A_1239 : i32
      %select_n3A_1244 = arith.select %eq3A_1242, %get3A_1051, %select_n3A_1240 : vector<16xi32>
      %eq3A_1245 = arith.constant 2 : i32
      %eq3A_1246 = arith.cmpi eq, %select_n3A_1235, %eq3A_1245 : i32
      %select_n3A_1247 = arith.select %eq3A_1246, %add3A_1183, %select_n3A_1243 : i32
      %select_n3A_1248 = arith.select %eq3A_1246, %get3A_1059, %select_n3A_1244 : vector<16xi32>
      %eq3A_1249 = arith.constant 3 : i32
      %eq3A_1250 = arith.cmpi eq, %select_n3A_1235, %eq3A_1249 : i32
      %select_n3A_1251 = arith.select %eq3A_1250, %add3A_1182, %select_n3A_1247 : i32
      %select_n3A_1252 = arith.select %eq3A_1250, %get3A_1067, %select_n3A_1248 : vector<16xi32>
      %eq3A_1253 = arith.constant 4 : i32
      %eq3A_1254 = arith.cmpi eq, %select_n3A_1235, %eq3A_1253 : i32
      %select_n3A_1255 = arith.select %eq3A_1254, %add3A_1181, %select_n3A_1251 : i32
      %select_n3A_1256 = arith.select %eq3A_1254, %get3A_1075, %select_n3A_1252 : vector<16xi32>
      %eq3A_1257 = arith.constant 5 : i32
      %eq3A_1258 = arith.cmpi eq, %select_n3A_1235, %eq3A_1257 : i32
      %select_n3A_1259 = arith.select %eq3A_1258, %add3A_1180, %select_n3A_1255 : i32
      %select_n3A_1260 = arith.select %eq3A_1258, %get3A_1083, %select_n3A_1256 : vector<16xi32>
      %eq3A_1261 = arith.constant 6 : i32
      %eq3A_1262 = arith.cmpi eq, %select_n3A_1235, %eq3A_1261 : i32
      %select_n3A_1263 = arith.select %eq3A_1262, %add3A_1179, %select_n3A_1259 : i32
      %select_n3A_1264 = arith.select %eq3A_1262, %get3A_1091, %select_n3A_1260 : vector<16xi32>
      %eq3A_1265 = arith.constant 7 : i32
      %eq3A_1266 = arith.cmpi eq, %select_n3A_1235, %eq3A_1265 : i32
      %select_n3A_1267 = arith.select %eq3A_1266, %add3A_1178, %select_n3A_1263 : i32
      %select_n3A_1268 = arith.select %eq3A_1266, %get3A_1099, %select_n3A_1264 : vector<16xi32>
      %eq3A_1269 = arith.constant 8 : i32
      %eq3A_1270 = arith.cmpi eq, %select_n3A_1235, %eq3A_1269 : i32
      %select_n3A_1271 = arith.select %eq3A_1270, %add3A_1177, %select_n3A_1267 : i32
      %select_n3A_1272 = arith.select %eq3A_1270, %get3A_1107, %select_n3A_1268 : vector<16xi32>
      %eq3A_1273 = arith.constant 9 : i32
      %eq3A_1274 = arith.cmpi eq, %select_n3A_1235, %eq3A_1273 : i32
      %select_n3A_1275 = arith.select %eq3A_1274, %add3A_1176, %select_n3A_1271 : i32
      %select_n3A_1276 = arith.select %eq3A_1274, %get3A_1115, %select_n3A_1272 : vector<16xi32>
      %eq3A_1277 = arith.constant 10 : i32
      %eq3A_1278 = arith.cmpi eq, %select_n3A_1235, %eq3A_1277 : i32
      %select_n3A_1279 = arith.select %eq3A_1278, %add3A_1175, %select_n3A_1275 : i32
      %select_n3A_1280 = arith.select %eq3A_1278, %get3A_1123, %select_n3A_1276 : vector<16xi32>
      %eq3A_1281 = arith.constant 11 : i32
      %eq3A_1282 = arith.cmpi eq, %select_n3A_1235, %eq3A_1281 : i32
      %select_n3A_1283 = arith.select %eq3A_1282, %add3A_1174, %select_n3A_1279 : i32
      %select_n3A_1284 = arith.select %eq3A_1282, %get3A_1131, %select_n3A_1280 : vector<16xi32>
      %eq3A_1285 = arith.constant 12 : i32
      %eq3A_1286 = arith.cmpi eq, %select_n3A_1235, %eq3A_1285 : i32
      %select_n3A_1287 = arith.select %eq3A_1286, %add3A_1173, %select_n3A_1283 : i32
      %select_n3A_1288 = arith.select %eq3A_1286, %get3A_1139, %select_n3A_1284 : vector<16xi32>
      %eq3A_1289 = arith.constant 13 : i32
      %eq3A_1290 = arith.cmpi eq, %select_n3A_1235, %eq3A_1289 : i32
      %select_n3A_1291 = arith.select %eq3A_1290, %add3A_1172, %select_n3A_1287 : i32
      %select_n3A_1292 = arith.select %eq3A_1290, %get3A_1147, %select_n3A_1288 : vector<16xi32>
      %eq3A_1293 = arith.constant 14 : i32
      %eq3A_1294 = arith.cmpi eq, %select_n3A_1235, %eq3A_1293 : i32
      %select_n3A_1295 = arith.select %eq3A_1294, %add3A_1171, %select_n3A_1291 : i32
      %select_n3A_1296 = arith.select %eq3A_1294, %get3A_1155, %select_n3A_1292 : vector<16xi32>
      %eq3A_1297 = arith.constant 15 : i32
      %eq3A_1298 = arith.cmpi eq, %select_n3A_1235, %eq3A_1297 : i32
      %jit3A_1299 = arith.constant 0 : i32
      %select_n3A_1300 = arith.select %eq3A_1298, %jit3A_1299, %select_n3A_1295 : i32
      %select_n3A_1301 = arith.select %eq3A_1298, %get3A_1163, %select_n3A_1296 : vector<16xi32>
      %rev3A_1302 = arith.constant 15 : i32
      %rev3A_1303 = vector.broadcast %rev3A_1302 : i32 to vector<16xi32>
      %rev3A_1304 = tpu.iota {dimensions = array<i32: 0>} : vector<16xi32>
      %rev3A_1305 = arith.subi %rev3A_1303, %rev3A_1304 : vector<16xi32>
      %rev3A_1306 = tpu.dynamic_gather %select_n3A_1301[%rev3A_1305] in [0] : vector<16xi32>, vector<16xi32> -> vector<16xi32>
      %broadcast_in_dim3A_1307 = arith.constant true
      %broadcast_in_dim3A_1308 = vector.broadcast %broadcast_in_dim3A_1307 : i1 to vector<16xi1>
      %masked_cumsum3A_1309 = tpu.scan <sum>, %rev3A_1306 masked %broadcast_in_dim3A_1308 : vector<16xi32>, vector<16xi1> -> vector<16xi32>
      %rev3A_1310 = arith.constant 15 : i32
      %rev3A_1311 = vector.broadcast %rev3A_1310 : i32 to vector<16xi32>
      %rev3A_1312 = tpu.iota {dimensions = array<i32: 0>} : vector<16xi32>
      %rev3A_1313 = arith.subi %rev3A_1311, %rev3A_1312 : vector<16xi32>
      %rev3A_1314 = tpu.dynamic_gather %masked_cumsum3A_1309[%rev3A_1313] in [0] : vector<16xi32>, vector<16xi32> -> vector<16xi32>
      %add3A_1315 = vector.broadcast %select_n3A_1300 : i32 to vector<16xi32>
      %add3A_1316 = arith.addi %rev3A_1314, %add3A_1315 : vector<16xi32>
      %ge3A_1317 = vector.broadcast %sub3A_1032 : i32 to vector<16xi32>
      %ge3A_1318 = arith.cmpi sge, %add3A_1316, %ge3A_1317 : vector<16xi32>
      %jit3A_1319 = arith.constant -1 : i32
      %broadcast_in_dim3A_1320 = vector.broadcast %jit3A_1319 : i32 to vector<16xi32>
      %select_n3A_1321 = arith.select %ge3A_1318, %iota3A_1039, %broadcast_in_dim3A_1320 : vector<16xi1>, vector<16xi32>
      %reduce_max3A_1322 = arith.constant true
      %reduce_max3A_1323 = vector.broadcast %reduce_max3A_1322 : i1 to vector<16xi1>
      %reduce_max3A_1324 = arith.constant -2147483648 : i32
      %reduce_max3A_1325 = vector.broadcast %reduce_max3A_1324 : i32 to vector<16xi32>
      %reduce_max3A_1326 = arith.xori %select_n3A_1321, %reduce_max3A_1325 : vector<16xi32>
      %reduce_max3A_1327 = tpu.scan <max>, %reduce_max3A_1326 masked %reduce_max3A_1323 : vector<16xi32>, vector<16xi1> -> vector<16xi32>
      %reduce_max3A_1328 = arith.xori %reduce_max3A_1327, %reduce_max3A_1325 : vector<16xi32>
      %reduce_max3A_1329 = vector.extract %reduce_max3A_1328[15] : i32 from vector<16xi32>
      %eq3A_1330 = vector.broadcast %reduce_max3A_1329 : i32 to vector<16xi32>
      %eq3A_1331 = arith.cmpi eq, %iota3A_1039, %eq3A_1330 : vector<16xi32>
      %jit3A_1332 = arith.constant 0 : i32
      %broadcast_in_dim3A_1333 = vector.broadcast %jit3A_1332 : i32 to vector<16xi32>
      %select_n3A_1334 = arith.select %eq3A_1331, %select_n3A_1301, %broadcast_in_dim3A_1333 : vector<16xi1>, vector<16xi32>
      %reduce_max3A_1335 = arith.constant true
      %reduce_max3A_1336 = vector.broadcast %reduce_max3A_1335 : i1 to vector<16xi1>
      %reduce_max3A_1337 = arith.constant -2147483648 : i32
      %reduce_max3A_1338 = vector.broadcast %reduce_max3A_1337 : i32 to vector<16xi32>
      %reduce_max3A_1339 = arith.xori %select_n3A_1334, %reduce_max3A_1338 : vector<16xi32>
      %reduce_max3A_1340 = tpu.scan <max>, %reduce_max3A_1339 masked %reduce_max3A_1336 : vector<16xi32>, vector<16xi1> -> vector<16xi32>
      %reduce_max3A_1341 = arith.xori %reduce_max3A_1340, %reduce_max3A_1338 : vector<16xi32>
      %reduce_max3A_1342 = vector.extract %reduce_max3A_1341[15] : i32 from vector<16xi32>
      %eq3A_1343 = vector.broadcast %reduce_max3A_1329 : i32 to vector<16xi32>
      %eq3A_1344 = arith.cmpi eq, %iota3A_1039, %eq3A_1343 : vector<16xi32>
      %jit3A_1345 = arith.constant 0 : i32
      %broadcast_in_dim3A_1346 = vector.broadcast %jit3A_1345 : i32 to vector<16xi32>
      %select_n3A_1347 = arith.select %eq3A_1344, %rev3A_1314, %broadcast_in_dim3A_1346 : vector<16xi1>, vector<16xi32>
      %reduce_max3A_1348 = arith.constant true
      %reduce_max3A_1349 = vector.broadcast %reduce_max3A_1348 : i1 to vector<16xi1>
      %reduce_max3A_1350 = arith.constant -2147483648 : i32
      %reduce_max3A_1351 = vector.broadcast %reduce_max3A_1350 : i32 to vector<16xi32>
      %reduce_max3A_1352 = arith.xori %select_n3A_1347, %reduce_max3A_1351 : vector<16xi32>
      %reduce_max3A_1353 = tpu.scan <max>, %reduce_max3A_1352 masked %reduce_max3A_1349 : vector<16xi32>, vector<16xi1> -> vector<16xi32>
      %reduce_max3A_1354 = arith.xori %reduce_max3A_1353, %reduce_max3A_1351 : vector<16xi32>
      %reduce_max3A_1355 = vector.extract %reduce_max3A_1354[15] : i32 from vector<16xi32>
      %add3A_1356 = arith.addi %reduce_max3A_1355, %select_n3A_1300 : i32
      %sub3A_1357 = arith.subi %add3A_1356, %reduce_max3A_1342 : i32
      %mul3A_1358 = arith.constant 16 : i32
      %mul3A_1359 = arith.muli %select_n3A_1235, %mul3A_1358 : i32
      %add3A_1360 = arith.addi %mul3A_1359, %reduce_max3A_1329 : i32
      %sub3A_1361 = arith.subi %sub3A_1032, %sub3A_1357 : i32
      %mul3A_1362 = arith.constant 256 : i32
      %mul3A_1363 = arith.muli %add3A_1035, %mul3A_1362 : i32
      %add3A_1364 = arith.addi %mul3A_1363, %add3A_1360 : i32
      %parallel_loop3A_1365 = arith.constant 0 : i32
      %parallel_loop3A_1366 = arith.constant 32768 : i32
      %parallel_loop3A_1367 = arith.constant 16 : i32
      scf.for %parallel_loop3A_1368 = %parallel_loop3A_1365 to %parallel_loop3A_1366 step %parallel_loop3A_1367  : i32 {
        %parallel_loop3A_1369 = arith.index_cast %parallel_loop3A_1368 : i32 to index
        %parallel_loop3A_1370 = tpu.vector_load %arg5[%parallel_loop3A_1369] {strides = array<i32>} : memref<32768xi32, #tpu.memory_space<vmem>>, vector<16xi32>,
        %parallel_loop3A_1371 = arith.index_cast %parallel_loop3A_1368 : i32 to index
        %parallel_loop3A_1372 = tpu.vector_load %arg4[%parallel_loop3A_1371] {strides = array<i32>} : memref<32768xf32, #tpu.memory_space<vmem>>, vector<16xf32>,
        %parallel_loop3A_1373 = vector.broadcast %add3A_1364 : i32 to vector<16xi32>
        %parallel_loop3A_1374 = arith.cmpi sge, %parallel_loop3A_1370, %parallel_loop3A_1373 : vector<16xi32>
        %parallel_loop3A_1375 = arith.constant 0.000000e+00 : f32
        %parallel_loop3A_1376 = vector.broadcast %parallel_loop3A_1375 : f32 to vector<16xf32>
        %parallel_loop3A_1377 = arith.select %parallel_loop3A_1374, %parallel_loop3A_1372, %parallel_loop3A_1376 : vector<16xi1>, vector<16xf32>
        %parallel_loop3A_1378 = arith.index_cast %parallel_loop3A_1368 : i32 to index
        %parallel_loop3A_1379 = tpu.vector_load %arg4[%parallel_loop3A_1378] {strides = array<i32>} : memref<32768xf32, #tpu.memory_space<vmem>>, vector<16xf32>,
        tpu.vector_store %arg4[%parallel_loop3A_1378], %parallel_loop3A_1377 {strides = array<i32>} : memref<32768xf32, #tpu.memory_space<vmem>>, vector<16xf32>,
      } {sc.loop_unroll_factor = 8 : i64, sc.parallel_access}
      "tpu.region"() ({
        %run_scoped3A = tpu.sem_alloc : memref<!tpu.dma_semaphore, #tpu.memory_space<semaphore_mem>>
        %dma_start3A = arith.constant 0 : i32
        %dma_start3A_1368 = tpu.memref_slice %arg3[%add3A_43, %dma_start3A] : memref<96x32768xf32, #tpu.memory_space<hbm>> -> memref<1x32768xf32, #tpu.memory_space<hbm>>
        %dma_start3A_1369 = tpu.memref_squeeze %dma_start3A_1368 : memref<1x32768xf32, #tpu.memory_space<hbm>> -> memref<32768xf32, #tpu.memory_space<hbm>>
        %dma_start3A_1370 = arith.constant 0 : i32
        %dma_start3A_1371 = tpu.memref_slice %arg3[%add3A_43, %dma_start3A_1370] : memref<96x32768xf32, #tpu.memory_space<hbm>> -> memref<1x32768xf32, #tpu.memory_space<hbm>>
        %dma_start3A_1372 = tpu.memref_squeeze %dma_start3A_1371 : memref<1x32768xf32, #tpu.memory_space<hbm>> -> memref<32768xf32, #tpu.memory_space<hbm>>
        tpu.enqueue_dma source(%arg4 : memref<32768xf32, #tpu.memory_space<vmem>>) target(%dma_start3A_1372 : memref<32768xf32, #tpu.memory_space<hbm>>) target_semaphore(%run_scoped3A : memref<!tpu.dma_semaphore, #tpu.memory_space<semaphore_mem>>)
        %dma_wait3A = arith.constant 0 : i32
        %dma_wait3A_1373 = tpu.memref_slice %arg3[%add3A_43, %dma_wait3A] : memref<96x32768xf32, #tpu.memory_space<hbm>> -> memref<1x32768xf32, #tpu.memory_space<hbm>>
        %dma_wait3A_1374 = tpu.memref_squeeze %dma_wait3A_1373 : memref<1x32768xf32, #tpu.memory_space<hbm>> -> memref<32768xf32, #tpu.memory_space<hbm>>
        %dma_wait3A_1375 = arith.constant 0 : i32
        %dma_wait3A_1376 = tpu.memref_slice %arg3[%add3A_43, %dma_wait3A_1375] : memref<96x32768xf32, #tpu.memory_space<hbm>> -> memref<1x32768xf32, #tpu.memory_space<hbm>>
        %dma_wait3A_1377 = tpu.memref_squeeze %dma_wait3A_1376 : memref<1x32768xf32, #tpu.memory_space<hbm>> -> memref<32768xf32, #tpu.memory_space<hbm>>
        tpu.wait_dma2 semaphore(%run_scoped3A : memref<!tpu.dma_semaphore, #tpu.memory_space<semaphore_mem>>) src(%arg4 : memref<32768xf32, #tpu.memory_space<vmem>>) dst(%dma_wait3A_1377 : memref<32768xf32, #tpu.memory_space<hbm>>)
        tpu.yield
      }) : () -> ()
    }
    %scan3A_39 = arith.constant 3 : i32
    return
  }
}

module attributes {stable_mosaic.version = 14 : i64} {
  func.func @_tc_block(%arg0: i32, %arg1: memref<8x32768xf32, #tpu.memory_space<vmem>>, %arg2: memref<8x32768xf32, #tpu.memory_space<vmem>>) attributes {dimension_semantics = [#tpu.dimension_semantics<arbitrary>], iteration_bounds = array<i64: 4>, scalar_prefetch = 0 : i64, scratch_operands = 0 : i64, tpu.core_type = #tpu.core_type<tc>, window_params = [{transform_indices = @transform_0, window_bounds = array<i64: 8, 32768>}, {transform_indices = @transform_1, window_bounds = array<i64: 8, 32768>}]} {
    %get3A = arith.constant 0 : index
    %get3A_0 = arith.constant 0 : index
    %get3A_1 = vector.load %arg1[%get3A, %get3A_0] : memref<8x32768xf32, #tpu.memory_space<vmem>>, vector<8x32768xf32>
    %bitcast_convert_type3A = tpu.bitcast %get3A_1 : vector<8x32768xf32> -> vector<8x32768xi32>
    %lt3A = arith.constant 0 : i32
    %lt3A_2 = vector.broadcast %lt3A : i32 to vector<8x32768xi32>
    %lt3A_3 = arith.cmpi slt, %bitcast_convert_type3A, %lt3A_2 : vector<8x32768xi32>
    %not3A = arith.constant dense<-1> : vector<8x32768xi32>
    %not3A_4 = arith.xori %bitcast_convert_type3A, %not3A : vector<8x32768xi32>
    %xor3A = arith.constant -2147483648 : i32
    %xor3A_5 = vector.broadcast %xor3A : i32 to vector<8x32768xi32>
    %xor3A_6 = arith.xori %not3A_4, %xor3A_5 : vector<8x32768xi32>
    %select_n3A = arith.select %lt3A_3, %xor3A_6, %bitcast_convert_type3A : vector<8x32768xi1>, vector<8x32768xi32>
    %broadcast_in_dim3A = arith.constant -2147483648 : i32
    %broadcast_in_dim3A_7 = vector.broadcast %broadcast_in_dim3A : i32 to vector<8x1xi32>
    %add3A = arith.constant -2147483648 : i32
    %add3A_8 = vector.broadcast %add3A : i32 to vector<8x1xi32>
    %add3A_9 = arith.addi %broadcast_in_dim3A_7, %add3A_8 : vector<8x1xi32>
    %ge3A = vector.broadcast %add3A_9 : vector<8x1xi32> to vector<8x32768xi32>
    %ge3A_10 = arith.cmpi sge, %select_n3A, %ge3A : vector<8x32768xi32>
    %convert_element_type3A = arith.extui %ge3A_10 : vector<8x32768xi1> to vector<8x32768xi32>
    %reduce_sum3A = arith.constant dense<0> : vector<8xi32>
    %reduce_sum3A_11 = vector.multi_reduction <add>, %convert_element_type3A, %reduce_sum3A [1] : vector<8x32768xi32> to vector<8xi32>
    %broadcast_in_dim3A_12 = vector.shape_cast %reduce_sum3A_11 : vector<8xi32> to vector<8x1xi32>
    %ge3A_13 = arith.constant 64 : i32
    %ge3A_14 = vector.broadcast %ge3A_13 : i32 to vector<8x1xi32>
    %ge3A_15 = arith.cmpi sge, %broadcast_in_dim3A_12, %ge3A_14 : vector<8x1xi32>
    %select_n3A_16 = arith.select %ge3A_15, %add3A_9, %broadcast_in_dim3A_7 : vector<8x1xi1>, vector<8x1xi32>
    %add3A_17 = arith.constant 1073741824 : i32
    %add3A_18 = vector.broadcast %add3A_17 : i32 to vector<8x1xi32>
    %add3A_19 = arith.addi %select_n3A_16, %add3A_18 : vector<8x1xi32>
    %ge3A_20 = vector.broadcast %add3A_19 : vector<8x1xi32> to vector<8x32768xi32>
    %ge3A_21 = arith.cmpi sge, %select_n3A, %ge3A_20 : vector<8x32768xi32>
    %convert_element_type3A_22 = arith.extui %ge3A_21 : vector<8x32768xi1> to vector<8x32768xi32>
    %reduce_sum3A_23 = arith.constant dense<0> : vector<8xi32>
    %reduce_sum3A_24 = vector.multi_reduction <add>, %convert_element_type3A_22, %reduce_sum3A_23 [1] : vector<8x32768xi32> to vector<8xi32>
    %broadcast_in_dim3A_25 = vector.shape_cast %reduce_sum3A_24 : vector<8xi32> to vector<8x1xi32>
    %ge3A_26 = arith.constant 64 : i32
    %ge3A_27 = vector.broadcast %ge3A_26 : i32 to vector<8x1xi32>
    %ge3A_28 = arith.cmpi sge, %broadcast_in_dim3A_25, %ge3A_27 : vector<8x1xi32>
    %select_n3A_29 = arith.select %ge3A_28, %add3A_19, %select_n3A_16 : vector<8x1xi1>, vector<8x1xi32>
    %add3A_30 = arith.constant 536870912 : i32
    %add3A_31 = vector.broadcast %add3A_30 : i32 to vector<8x1xi32>
    %add3A_32 = arith.addi %select_n3A_29, %add3A_31 : vector<8x1xi32>
    %ge3A_33 = vector.broadcast %add3A_32 : vector<8x1xi32> to vector<8x32768xi32>
    %ge3A_34 = arith.cmpi sge, %select_n3A, %ge3A_33 : vector<8x32768xi32>
    %convert_element_type3A_35 = arith.extui %ge3A_34 : vector<8x32768xi1> to vector<8x32768xi32>
    %reduce_sum3A_36 = arith.constant dense<0> : vector<8xi32>
    %reduce_sum3A_37 = vector.multi_reduction <add>, %convert_element_type3A_35, %reduce_sum3A_36 [1] : vector<8x32768xi32> to vector<8xi32>
    %broadcast_in_dim3A_38 = vector.shape_cast %reduce_sum3A_37 : vector<8xi32> to vector<8x1xi32>
    %ge3A_39 = arith.constant 64 : i32
    %ge3A_40 = vector.broadcast %ge3A_39 : i32 to vector<8x1xi32>
    %ge3A_41 = arith.cmpi sge, %broadcast_in_dim3A_38, %ge3A_40 : vector<8x1xi32>
    %select_n3A_42 = arith.select %ge3A_41, %add3A_32, %select_n3A_29 : vector<8x1xi1>, vector<8x1xi32>
    %add3A_43 = arith.constant 268435456 : i32
    %add3A_44 = vector.broadcast %add3A_43 : i32 to vector<8x1xi32>
    %add3A_45 = arith.addi %select_n3A_42, %add3A_44 : vector<8x1xi32>
    %ge3A_46 = vector.broadcast %add3A_45 : vector<8x1xi32> to vector<8x32768xi32>
    %ge3A_47 = arith.cmpi sge, %select_n3A, %ge3A_46 : vector<8x32768xi32>
    %convert_element_type3A_48 = arith.extui %ge3A_47 : vector<8x32768xi1> to vector<8x32768xi32>
    %reduce_sum3A_49 = arith.constant dense<0> : vector<8xi32>
    %reduce_sum3A_50 = vector.multi_reduction <add>, %convert_element_type3A_48, %reduce_sum3A_49 [1] : vector<8x32768xi32> to vector<8xi32>
    %broadcast_in_dim3A_51 = vector.shape_cast %reduce_sum3A_50 : vector<8xi32> to vector<8x1xi32>
    %ge3A_52 = arith.constant 64 : i32
    %ge3A_53 = vector.broadcast %ge3A_52 : i32 to vector<8x1xi32>
    %ge3A_54 = arith.cmpi sge, %broadcast_in_dim3A_51, %ge3A_53 : vector<8x1xi32>
    %select_n3A_55 = arith.select %ge3A_54, %add3A_45, %select_n3A_42 : vector<8x1xi1>, vector<8x1xi32>
    %add3A_56 = arith.constant 134217728 : i32
    %add3A_57 = vector.broadcast %add3A_56 : i32 to vector<8x1xi32>
    %add3A_58 = arith.addi %select_n3A_55, %add3A_57 : vector<8x1xi32>
    %ge3A_59 = vector.broadcast %add3A_58 : vector<8x1xi32> to vector<8x32768xi32>
    %ge3A_60 = arith.cmpi sge, %select_n3A, %ge3A_59 : vector<8x32768xi32>
    %convert_element_type3A_61 = arith.extui %ge3A_60 : vector<8x32768xi1> to vector<8x32768xi32>
    %reduce_sum3A_62 = arith.constant dense<0> : vector<8xi32>
    %reduce_sum3A_63 = vector.multi_reduction <add>, %convert_element_type3A_61, %reduce_sum3A_62 [1] : vector<8x32768xi32> to vector<8xi32>
    %broadcast_in_dim3A_64 = vector.shape_cast %reduce_sum3A_63 : vector<8xi32> to vector<8x1xi32>
    %ge3A_65 = arith.constant 64 : i32
    %ge3A_66 = vector.broadcast %ge3A_65 : i32 to vector<8x1xi32>
    %ge3A_67 = arith.cmpi sge, %broadcast_in_dim3A_64, %ge3A_66 : vector<8x1xi32>
    %select_n3A_68 = arith.select %ge3A_67, %add3A_58, %select_n3A_55 : vector<8x1xi1>, vector<8x1xi32>
    %add3A_69 = arith.constant 67108864 : i32
    %add3A_70 = vector.broadcast %add3A_69 : i32 to vector<8x1xi32>
    %add3A_71 = arith.addi %select_n3A_68, %add3A_70 : vector<8x1xi32>
    %ge3A_72 = vector.broadcast %add3A_71 : vector<8x1xi32> to vector<8x32768xi32>
    %ge3A_73 = arith.cmpi sge, %select_n3A, %ge3A_72 : vector<8x32768xi32>
    %convert_element_type3A_74 = arith.extui %ge3A_73 : vector<8x32768xi1> to vector<8x32768xi32>
    %reduce_sum3A_75 = arith.constant dense<0> : vector<8xi32>
    %reduce_sum3A_76 = vector.multi_reduction <add>, %convert_element_type3A_74, %reduce_sum3A_75 [1] : vector<8x32768xi32> to vector<8xi32>
    %broadcast_in_dim3A_77 = vector.shape_cast %reduce_sum3A_76 : vector<8xi32> to vector<8x1xi32>
    %ge3A_78 = arith.constant 64 : i32
    %ge3A_79 = vector.broadcast %ge3A_78 : i32 to vector<8x1xi32>
    %ge3A_80 = arith.cmpi sge, %broadcast_in_dim3A_77, %ge3A_79 : vector<8x1xi32>
    %select_n3A_81 = arith.select %ge3A_80, %add3A_71, %select_n3A_68 : vector<8x1xi1>, vector<8x1xi32>
    %add3A_82 = arith.constant 33554432 : i32
    %add3A_83 = vector.broadcast %add3A_82 : i32 to vector<8x1xi32>
    %add3A_84 = arith.addi %select_n3A_81, %add3A_83 : vector<8x1xi32>
    %ge3A_85 = vector.broadcast %add3A_84 : vector<8x1xi32> to vector<8x32768xi32>
    %ge3A_86 = arith.cmpi sge, %select_n3A, %ge3A_85 : vector<8x32768xi32>
    %convert_element_type3A_87 = arith.extui %ge3A_86 : vector<8x32768xi1> to vector<8x32768xi32>
    %reduce_sum3A_88 = arith.constant dense<0> : vector<8xi32>
    %reduce_sum3A_89 = vector.multi_reduction <add>, %convert_element_type3A_87, %reduce_sum3A_88 [1] : vector<8x32768xi32> to vector<8xi32>
    %broadcast_in_dim3A_90 = vector.shape_cast %reduce_sum3A_89 : vector<8xi32> to vector<8x1xi32>
    %ge3A_91 = arith.constant 64 : i32
    %ge3A_92 = vector.broadcast %ge3A_91 : i32 to vector<8x1xi32>
    %ge3A_93 = arith.cmpi sge, %broadcast_in_dim3A_90, %ge3A_92 : vector<8x1xi32>
    %select_n3A_94 = arith.select %ge3A_93, %add3A_84, %select_n3A_81 : vector<8x1xi1>, vector<8x1xi32>
    %add3A_95 = arith.constant 16777216 : i32
    %add3A_96 = vector.broadcast %add3A_95 : i32 to vector<8x1xi32>
    %add3A_97 = arith.addi %select_n3A_94, %add3A_96 : vector<8x1xi32>
    %ge3A_98 = vector.broadcast %add3A_97 : vector<8x1xi32> to vector<8x32768xi32>
    %ge3A_99 = arith.cmpi sge, %select_n3A, %ge3A_98 : vector<8x32768xi32>
    %convert_element_type3A_100 = arith.extui %ge3A_99 : vector<8x32768xi1> to vector<8x32768xi32>
    %reduce_sum3A_101 = arith.constant dense<0> : vector<8xi32>
    %reduce_sum3A_102 = vector.multi_reduction <add>, %convert_element_type3A_100, %reduce_sum3A_101 [1] : vector<8x32768xi32> to vector<8xi32>
    %broadcast_in_dim3A_103 = vector.shape_cast %reduce_sum3A_102 : vector<8xi32> to vector<8x1xi32>
    %ge3A_104 = arith.constant 64 : i32
    %ge3A_105 = vector.broadcast %ge3A_104 : i32 to vector<8x1xi32>
    %ge3A_106 = arith.cmpi sge, %broadcast_in_dim3A_103, %ge3A_105 : vector<8x1xi32>
    %select_n3A_107 = arith.select %ge3A_106, %add3A_97, %select_n3A_94 : vector<8x1xi1>, vector<8x1xi32>
    %add3A_108 = arith.constant 8388608 : i32
    %add3A_109 = vector.broadcast %add3A_108 : i32 to vector<8x1xi32>
    %add3A_110 = arith.addi %select_n3A_107, %add3A_109 : vector<8x1xi32>
    %ge3A_111 = vector.broadcast %add3A_110 : vector<8x1xi32> to vector<8x32768xi32>
    %ge3A_112 = arith.cmpi sge, %select_n3A, %ge3A_111 : vector<8x32768xi32>
    %convert_element_type3A_113 = arith.extui %ge3A_112 : vector<8x32768xi1> to vector<8x32768xi32>
    %reduce_sum3A_114 = arith.constant dense<0> : vector<8xi32>
    %reduce_sum3A_115 = vector.multi_reduction <add>, %convert_element_type3A_113, %reduce_sum3A_114 [1] : vector<8x32768xi32> to vector<8xi32>
    %broadcast_in_dim3A_116 = vector.shape_cast %reduce_sum3A_115 : vector<8xi32> to vector<8x1xi32>
    %ge3A_117 = arith.constant 64 : i32
    %ge3A_118 = vector.broadcast %ge3A_117 : i32 to vector<8x1xi32>
    %ge3A_119 = arith.cmpi sge, %broadcast_in_dim3A_116, %ge3A_118 : vector<8x1xi32>
    %select_n3A_120 = arith.select %ge3A_119, %add3A_110, %select_n3A_107 : vector<8x1xi1>, vector<8x1xi32>
    %add3A_121 = arith.constant 4194304 : i32
    %add3A_122 = vector.broadcast %add3A_121 : i32 to vector<8x1xi32>
    %add3A_123 = arith.addi %select_n3A_120, %add3A_122 : vector<8x1xi32>
    %ge3A_124 = vector.broadcast %add3A_123 : vector<8x1xi32> to vector<8x32768xi32>
    %ge3A_125 = arith.cmpi sge, %select_n3A, %ge3A_124 : vector<8x32768xi32>
    %convert_element_type3A_126 = arith.extui %ge3A_125 : vector<8x32768xi1> to vector<8x32768xi32>
    %reduce_sum3A_127 = arith.constant dense<0> : vector<8xi32>
    %reduce_sum3A_128 = vector.multi_reduction <add>, %convert_element_type3A_126, %reduce_sum3A_127 [1] : vector<8x32768xi32> to vector<8xi32>
    %broadcast_in_dim3A_129 = vector.shape_cast %reduce_sum3A_128 : vector<8xi32> to vector<8x1xi32>
    %ge3A_130 = arith.constant 64 : i32
    %ge3A_131 = vector.broadcast %ge3A_130 : i32 to vector<8x1xi32>
    %ge3A_132 = arith.cmpi sge, %broadcast_in_dim3A_129, %ge3A_131 : vector<8x1xi32>
    %select_n3A_133 = arith.select %ge3A_132, %add3A_123, %select_n3A_120 : vector<8x1xi1>, vector<8x1xi32>
    %add3A_134 = arith.constant 2097152 : i32
    %add3A_135 = vector.broadcast %add3A_134 : i32 to vector<8x1xi32>
    %add3A_136 = arith.addi %select_n3A_133, %add3A_135 : vector<8x1xi32>
    %ge3A_137 = vector.broadcast %add3A_136 : vector<8x1xi32> to vector<8x32768xi32>
    %ge3A_138 = arith.cmpi sge, %select_n3A, %ge3A_137 : vector<8x32768xi32>
    %convert_element_type3A_139 = arith.extui %ge3A_138 : vector<8x32768xi1> to vector<8x32768xi32>
    %reduce_sum3A_140 = arith.constant dense<0> : vector<8xi32>
    %reduce_sum3A_141 = vector.multi_reduction <add>, %convert_element_type3A_139, %reduce_sum3A_140 [1] : vector<8x32768xi32> to vector<8xi32>
    %broadcast_in_dim3A_142 = vector.shape_cast %reduce_sum3A_141 : vector<8xi32> to vector<8x1xi32>
    %ge3A_143 = arith.constant 64 : i32
    %ge3A_144 = vector.broadcast %ge3A_143 : i32 to vector<8x1xi32>
    %ge3A_145 = arith.cmpi sge, %broadcast_in_dim3A_142, %ge3A_144 : vector<8x1xi32>
    %select_n3A_146 = arith.select %ge3A_145, %add3A_136, %select_n3A_133 : vector<8x1xi1>, vector<8x1xi32>
    %add3A_147 = arith.constant 1048576 : i32
    %add3A_148 = vector.broadcast %add3A_147 : i32 to vector<8x1xi32>
    %add3A_149 = arith.addi %select_n3A_146, %add3A_148 : vector<8x1xi32>
    %ge3A_150 = vector.broadcast %add3A_149 : vector<8x1xi32> to vector<8x32768xi32>
    %ge3A_151 = arith.cmpi sge, %select_n3A, %ge3A_150 : vector<8x32768xi32>
    %convert_element_type3A_152 = arith.extui %ge3A_151 : vector<8x32768xi1> to vector<8x32768xi32>
    %reduce_sum3A_153 = arith.constant dense<0> : vector<8xi32>
    %reduce_sum3A_154 = vector.multi_reduction <add>, %convert_element_type3A_152, %reduce_sum3A_153 [1] : vector<8x32768xi32> to vector<8xi32>
    %broadcast_in_dim3A_155 = vector.shape_cast %reduce_sum3A_154 : vector<8xi32> to vector<8x1xi32>
    %ge3A_156 = arith.constant 64 : i32
    %ge3A_157 = vector.broadcast %ge3A_156 : i32 to vector<8x1xi32>
    %ge3A_158 = arith.cmpi sge, %broadcast_in_dim3A_155, %ge3A_157 : vector<8x1xi32>
    %select_n3A_159 = arith.select %ge3A_158, %add3A_149, %select_n3A_146 : vector<8x1xi1>, vector<8x1xi32>
    %add3A_160 = arith.constant 524288 : i32
    %add3A_161 = vector.broadcast %add3A_160 : i32 to vector<8x1xi32>
    %add3A_162 = arith.addi %select_n3A_159, %add3A_161 : vector<8x1xi32>
    %ge3A_163 = vector.broadcast %add3A_162 : vector<8x1xi32> to vector<8x32768xi32>
    %ge3A_164 = arith.cmpi sge, %select_n3A, %ge3A_163 : vector<8x32768xi32>
    %convert_element_type3A_165 = arith.extui %ge3A_164 : vector<8x32768xi1> to vector<8x32768xi32>
    %reduce_sum3A_166 = arith.constant dense<0> : vector<8xi32>
    %reduce_sum3A_167 = vector.multi_reduction <add>, %convert_element_type3A_165, %reduce_sum3A_166 [1] : vector<8x32768xi32> to vector<8xi32>
    %broadcast_in_dim3A_168 = vector.shape_cast %reduce_sum3A_167 : vector<8xi32> to vector<8x1xi32>
    %ge3A_169 = arith.constant 64 : i32
    %ge3A_170 = vector.broadcast %ge3A_169 : i32 to vector<8x1xi32>
    %ge3A_171 = arith.cmpi sge, %broadcast_in_dim3A_168, %ge3A_170 : vector<8x1xi32>
    %select_n3A_172 = arith.select %ge3A_171, %add3A_162, %select_n3A_159 : vector<8x1xi1>, vector<8x1xi32>
    %add3A_173 = arith.constant 262144 : i32
    %add3A_174 = vector.broadcast %add3A_173 : i32 to vector<8x1xi32>
    %add3A_175 = arith.addi %select_n3A_172, %add3A_174 : vector<8x1xi32>
    %ge3A_176 = vector.broadcast %add3A_175 : vector<8x1xi32> to vector<8x32768xi32>
    %ge3A_177 = arith.cmpi sge, %select_n3A, %ge3A_176 : vector<8x32768xi32>
    %convert_element_type3A_178 = arith.extui %ge3A_177 : vector<8x32768xi1> to vector<8x32768xi32>
    %reduce_sum3A_179 = arith.constant dense<0> : vector<8xi32>
    %reduce_sum3A_180 = vector.multi_reduction <add>, %convert_element_type3A_178, %reduce_sum3A_179 [1] : vector<8x32768xi32> to vector<8xi32>
    %broadcast_in_dim3A_181 = vector.shape_cast %reduce_sum3A_180 : vector<8xi32> to vector<8x1xi32>
    %ge3A_182 = arith.constant 64 : i32
    %ge3A_183 = vector.broadcast %ge3A_182 : i32 to vector<8x1xi32>
    %ge3A_184 = arith.cmpi sge, %broadcast_in_dim3A_181, %ge3A_183 : vector<8x1xi32>
    %select_n3A_185 = arith.select %ge3A_184, %add3A_175, %select_n3A_172 : vector<8x1xi1>, vector<8x1xi32>
    %add3A_186 = arith.constant 131072 : i32
    %add3A_187 = vector.broadcast %add3A_186 : i32 to vector<8x1xi32>
    %add3A_188 = arith.addi %select_n3A_185, %add3A_187 : vector<8x1xi32>
    %ge3A_189 = vector.broadcast %add3A_188 : vector<8x1xi32> to vector<8x32768xi32>
    %ge3A_190 = arith.cmpi sge, %select_n3A, %ge3A_189 : vector<8x32768xi32>
    %convert_element_type3A_191 = arith.extui %ge3A_190 : vector<8x32768xi1> to vector<8x32768xi32>
    %reduce_sum3A_192 = arith.constant dense<0> : vector<8xi32>
    %reduce_sum3A_193 = vector.multi_reduction <add>, %convert_element_type3A_191, %reduce_sum3A_192 [1] : vector<8x32768xi32> to vector<8xi32>
    %broadcast_in_dim3A_194 = vector.shape_cast %reduce_sum3A_193 : vector<8xi32> to vector<8x1xi32>
    %ge3A_195 = arith.constant 64 : i32
    %ge3A_196 = vector.broadcast %ge3A_195 : i32 to vector<8x1xi32>
    %ge3A_197 = arith.cmpi sge, %broadcast_in_dim3A_194, %ge3A_196 : vector<8x1xi32>
    %select_n3A_198 = arith.select %ge3A_197, %add3A_188, %select_n3A_185 : vector<8x1xi1>, vector<8x1xi32>
    %add3A_199 = arith.constant 65536 : i32
    %add3A_200 = vector.broadcast %add3A_199 : i32 to vector<8x1xi32>
    %add3A_201 = arith.addi %select_n3A_198, %add3A_200 : vector<8x1xi32>
    %ge3A_202 = vector.broadcast %add3A_201 : vector<8x1xi32> to vector<8x32768xi32>
    %ge3A_203 = arith.cmpi sge, %select_n3A, %ge3A_202 : vector<8x32768xi32>
    %convert_element_type3A_204 = arith.extui %ge3A_203 : vector<8x32768xi1> to vector<8x32768xi32>
    %reduce_sum3A_205 = arith.constant dense<0> : vector<8xi32>
    %reduce_sum3A_206 = vector.multi_reduction <add>, %convert_element_type3A_204, %reduce_sum3A_205 [1] : vector<8x32768xi32> to vector<8xi32>
    %broadcast_in_dim3A_207 = vector.shape_cast %reduce_sum3A_206 : vector<8xi32> to vector<8x1xi32>
    %ge3A_208 = arith.constant 64 : i32
    %ge3A_209 = vector.broadcast %ge3A_208 : i32 to vector<8x1xi32>
    %ge3A_210 = arith.cmpi sge, %broadcast_in_dim3A_207, %ge3A_209 : vector<8x1xi32>
    %select_n3A_211 = arith.select %ge3A_210, %add3A_201, %select_n3A_198 : vector<8x1xi1>, vector<8x1xi32>
    %add3A_212 = arith.constant 32768 : i32
    %add3A_213 = vector.broadcast %add3A_212 : i32 to vector<8x1xi32>
    %add3A_214 = arith.addi %select_n3A_211, %add3A_213 : vector<8x1xi32>
    %ge3A_215 = vector.broadcast %add3A_214 : vector<8x1xi32> to vector<8x32768xi32>
    %ge3A_216 = arith.cmpi sge, %select_n3A, %ge3A_215 : vector<8x32768xi32>
    %convert_element_type3A_217 = arith.extui %ge3A_216 : vector<8x32768xi1> to vector<8x32768xi32>
    %reduce_sum3A_218 = arith.constant dense<0> : vector<8xi32>
    %reduce_sum3A_219 = vector.multi_reduction <add>, %convert_element_type3A_217, %reduce_sum3A_218 [1] : vector<8x32768xi32> to vector<8xi32>
    %broadcast_in_dim3A_220 = vector.shape_cast %reduce_sum3A_219 : vector<8xi32> to vector<8x1xi32>
    %ge3A_221 = arith.constant 64 : i32
    %ge3A_222 = vector.broadcast %ge3A_221 : i32 to vector<8x1xi32>
    %ge3A_223 = arith.cmpi sge, %broadcast_in_dim3A_220, %ge3A_222 : vector<8x1xi32>
    %select_n3A_224 = arith.select %ge3A_223, %add3A_214, %select_n3A_211 : vector<8x1xi1>, vector<8x1xi32>
    %add3A_225 = arith.constant 16384 : i32
    %add3A_226 = vector.broadcast %add3A_225 : i32 to vector<8x1xi32>
    %add3A_227 = arith.addi %select_n3A_224, %add3A_226 : vector<8x1xi32>
    %ge3A_228 = vector.broadcast %add3A_227 : vector<8x1xi32> to vector<8x32768xi32>
    %ge3A_229 = arith.cmpi sge, %select_n3A, %ge3A_228 : vector<8x32768xi32>
    %convert_element_type3A_230 = arith.extui %ge3A_229 : vector<8x32768xi1> to vector<8x32768xi32>
    %reduce_sum3A_231 = arith.constant dense<0> : vector<8xi32>
    %reduce_sum3A_232 = vector.multi_reduction <add>, %convert_element_type3A_230, %reduce_sum3A_231 [1] : vector<8x32768xi32> to vector<8xi32>
    %broadcast_in_dim3A_233 = vector.shape_cast %reduce_sum3A_232 : vector<8xi32> to vector<8x1xi32>
    %ge3A_234 = arith.constant 64 : i32
    %ge3A_235 = vector.broadcast %ge3A_234 : i32 to vector<8x1xi32>
    %ge3A_236 = arith.cmpi sge, %broadcast_in_dim3A_233, %ge3A_235 : vector<8x1xi32>
    %select_n3A_237 = arith.select %ge3A_236, %add3A_227, %select_n3A_224 : vector<8x1xi1>, vector<8x1xi32>
    %add3A_238 = arith.constant 8192 : i32
    %add3A_239 = vector.broadcast %add3A_238 : i32 to vector<8x1xi32>
    %add3A_240 = arith.addi %select_n3A_237, %add3A_239 : vector<8x1xi32>
    %ge3A_241 = vector.broadcast %add3A_240 : vector<8x1xi32> to vector<8x32768xi32>
    %ge3A_242 = arith.cmpi sge, %select_n3A, %ge3A_241 : vector<8x32768xi32>
    %convert_element_type3A_243 = arith.extui %ge3A_242 : vector<8x32768xi1> to vector<8x32768xi32>
    %reduce_sum3A_244 = arith.constant dense<0> : vector<8xi32>
    %reduce_sum3A_245 = vector.multi_reduction <add>, %convert_element_type3A_243, %reduce_sum3A_244 [1] : vector<8x32768xi32> to vector<8xi32>
    %broadcast_in_dim3A_246 = vector.shape_cast %reduce_sum3A_245 : vector<8xi32> to vector<8x1xi32>
    %ge3A_247 = arith.constant 64 : i32
    %ge3A_248 = vector.broadcast %ge3A_247 : i32 to vector<8x1xi32>
    %ge3A_249 = arith.cmpi sge, %broadcast_in_dim3A_246, %ge3A_248 : vector<8x1xi32>
    %select_n3A_250 = arith.select %ge3A_249, %add3A_240, %select_n3A_237 : vector<8x1xi1>, vector<8x1xi32>
    %add3A_251 = arith.constant 4096 : i32
    %add3A_252 = vector.broadcast %add3A_251 : i32 to vector<8x1xi32>
    %add3A_253 = arith.addi %select_n3A_250, %add3A_252 : vector<8x1xi32>
    %ge3A_254 = vector.broadcast %add3A_253 : vector<8x1xi32> to vector<8x32768xi32>
    %ge3A_255 = arith.cmpi sge, %select_n3A, %ge3A_254 : vector<8x32768xi32>
    %convert_element_type3A_256 = arith.extui %ge3A_255 : vector<8x32768xi1> to vector<8x32768xi32>
    %reduce_sum3A_257 = arith.constant dense<0> : vector<8xi32>
    %reduce_sum3A_258 = vector.multi_reduction <add>, %convert_element_type3A_256, %reduce_sum3A_257 [1] : vector<8x32768xi32> to vector<8xi32>
    %broadcast_in_dim3A_259 = vector.shape_cast %reduce_sum3A_258 : vector<8xi32> to vector<8x1xi32>
    %ge3A_260 = arith.constant 64 : i32
    %ge3A_261 = vector.broadcast %ge3A_260 : i32 to vector<8x1xi32>
    %ge3A_262 = arith.cmpi sge, %broadcast_in_dim3A_259, %ge3A_261 : vector<8x1xi32>
    %select_n3A_263 = arith.select %ge3A_262, %add3A_253, %select_n3A_250 : vector<8x1xi1>, vector<8x1xi32>
    %add3A_264 = arith.constant 2048 : i32
    %add3A_265 = vector.broadcast %add3A_264 : i32 to vector<8x1xi32>
    %add3A_266 = arith.addi %select_n3A_263, %add3A_265 : vector<8x1xi32>
    %ge3A_267 = vector.broadcast %add3A_266 : vector<8x1xi32> to vector<8x32768xi32>
    %ge3A_268 = arith.cmpi sge, %select_n3A, %ge3A_267 : vector<8x32768xi32>
    %convert_element_type3A_269 = arith.extui %ge3A_268 : vector<8x32768xi1> to vector<8x32768xi32>
    %reduce_sum3A_270 = arith.constant dense<0> : vector<8xi32>
    %reduce_sum3A_271 = vector.multi_reduction <add>, %convert_element_type3A_269, %reduce_sum3A_270 [1] : vector<8x32768xi32> to vector<8xi32>
    %broadcast_in_dim3A_272 = vector.shape_cast %reduce_sum3A_271 : vector<8xi32> to vector<8x1xi32>
    %ge3A_273 = arith.constant 64 : i32
    %ge3A_274 = vector.broadcast %ge3A_273 : i32 to vector<8x1xi32>
    %ge3A_275 = arith.cmpi sge, %broadcast_in_dim3A_272, %ge3A_274 : vector<8x1xi32>
    %select_n3A_276 = arith.select %ge3A_275, %add3A_266, %select_n3A_263 : vector<8x1xi1>, vector<8x1xi32>
    %add3A_277 = arith.constant 1024 : i32
    %add3A_278 = vector.broadcast %add3A_277 : i32 to vector<8x1xi32>
    %add3A_279 = arith.addi %select_n3A_276, %add3A_278 : vector<8x1xi32>
    %ge3A_280 = vector.broadcast %add3A_279 : vector<8x1xi32> to vector<8x32768xi32>
    %ge3A_281 = arith.cmpi sge, %select_n3A, %ge3A_280 : vector<8x32768xi32>
    %convert_element_type3A_282 = arith.extui %ge3A_281 : vector<8x32768xi1> to vector<8x32768xi32>
    %reduce_sum3A_283 = arith.constant dense<0> : vector<8xi32>
    %reduce_sum3A_284 = vector.multi_reduction <add>, %convert_element_type3A_282, %reduce_sum3A_283 [1] : vector<8x32768xi32> to vector<8xi32>
    %broadcast_in_dim3A_285 = vector.shape_cast %reduce_sum3A_284 : vector<8xi32> to vector<8x1xi32>
    %ge3A_286 = arith.constant 64 : i32
    %ge3A_287 = vector.broadcast %ge3A_286 : i32 to vector<8x1xi32>
    %ge3A_288 = arith.cmpi sge, %broadcast_in_dim3A_285, %ge3A_287 : vector<8x1xi32>
    %select_n3A_289 = arith.select %ge3A_288, %add3A_279, %select_n3A_276 : vector<8x1xi1>, vector<8x1xi32>
    %add3A_290 = arith.constant 512 : i32
    %add3A_291 = vector.broadcast %add3A_290 : i32 to vector<8x1xi32>
    %add3A_292 = arith.addi %select_n3A_289, %add3A_291 : vector<8x1xi32>
    %ge3A_293 = vector.broadcast %add3A_292 : vector<8x1xi32> to vector<8x32768xi32>
    %ge3A_294 = arith.cmpi sge, %select_n3A, %ge3A_293 : vector<8x32768xi32>
    %convert_element_type3A_295 = arith.extui %ge3A_294 : vector<8x32768xi1> to vector<8x32768xi32>
    %reduce_sum3A_296 = arith.constant dense<0> : vector<8xi32>
    %reduce_sum3A_297 = vector.multi_reduction <add>, %convert_element_type3A_295, %reduce_sum3A_296 [1] : vector<8x32768xi32> to vector<8xi32>
    %broadcast_in_dim3A_298 = vector.shape_cast %reduce_sum3A_297 : vector<8xi32> to vector<8x1xi32>
    %ge3A_299 = arith.constant 64 : i32
    %ge3A_300 = vector.broadcast %ge3A_299 : i32 to vector<8x1xi32>
    %ge3A_301 = arith.cmpi sge, %broadcast_in_dim3A_298, %ge3A_300 : vector<8x1xi32>
    %select_n3A_302 = arith.select %ge3A_301, %add3A_292, %select_n3A_289 : vector<8x1xi1>, vector<8x1xi32>
    %add3A_303 = arith.constant 256 : i32
    %add3A_304 = vector.broadcast %add3A_303 : i32 to vector<8x1xi32>
    %add3A_305 = arith.addi %select_n3A_302, %add3A_304 : vector<8x1xi32>
    %ge3A_306 = vector.broadcast %add3A_305 : vector<8x1xi32> to vector<8x32768xi32>
    %ge3A_307 = arith.cmpi sge, %select_n3A, %ge3A_306 : vector<8x32768xi32>
    %convert_element_type3A_308 = arith.extui %ge3A_307 : vector<8x32768xi1> to vector<8x32768xi32>
    %reduce_sum3A_309 = arith.constant dense<0> : vector<8xi32>
    %reduce_sum3A_310 = vector.multi_reduction <add>, %convert_element_type3A_308, %reduce_sum3A_309 [1] : vector<8x32768xi32> to vector<8xi32>
    %broadcast_in_dim3A_311 = vector.shape_cast %reduce_sum3A_310 : vector<8xi32> to vector<8x1xi32>
    %ge3A_312 = arith.constant 64 : i32
    %ge3A_313 = vector.broadcast %ge3A_312 : i32 to vector<8x1xi32>
    %ge3A_314 = arith.cmpi sge, %broadcast_in_dim3A_311, %ge3A_313 : vector<8x1xi32>
    %select_n3A_315 = arith.select %ge3A_314, %add3A_305, %select_n3A_302 : vector<8x1xi1>, vector<8x1xi32>
    %add3A_316 = arith.constant 128 : i32
    %add3A_317 = vector.broadcast %add3A_316 : i32 to vector<8x1xi32>
    %add3A_318 = arith.addi %select_n3A_315, %add3A_317 : vector<8x1xi32>
    %ge3A_319 = vector.broadcast %add3A_318 : vector<8x1xi32> to vector<8x32768xi32>
    %ge3A_320 = arith.cmpi sge, %select_n3A, %ge3A_319 : vector<8x32768xi32>
    %convert_element_type3A_321 = arith.extui %ge3A_320 : vector<8x32768xi1> to vector<8x32768xi32>
    %reduce_sum3A_322 = arith.constant dense<0> : vector<8xi32>
    %reduce_sum3A_323 = vector.multi_reduction <add>, %convert_element_type3A_321, %reduce_sum3A_322 [1] : vector<8x32768xi32> to vector<8xi32>
    %broadcast_in_dim3A_324 = vector.shape_cast %reduce_sum3A_323 : vector<8xi32> to vector<8x1xi32>
    %ge3A_325 = arith.constant 64 : i32
    %ge3A_326 = vector.broadcast %ge3A_325 : i32 to vector<8x1xi32>
    %ge3A_327 = arith.cmpi sge, %broadcast_in_dim3A_324, %ge3A_326 : vector<8x1xi32>
    %select_n3A_328 = arith.select %ge3A_327, %add3A_318, %select_n3A_315 : vector<8x1xi1>, vector<8x1xi32>
    %add3A_329 = arith.constant 64 : i32
    %add3A_330 = vector.broadcast %add3A_329 : i32 to vector<8x1xi32>
    %add3A_331 = arith.addi %select_n3A_328, %add3A_330 : vector<8x1xi32>
    %ge3A_332 = vector.broadcast %add3A_331 : vector<8x1xi32> to vector<8x32768xi32>
    %ge3A_333 = arith.cmpi sge, %select_n3A, %ge3A_332 : vector<8x32768xi32>
    %convert_element_type3A_334 = arith.extui %ge3A_333 : vector<8x32768xi1> to vector<8x32768xi32>
    %reduce_sum3A_335 = arith.constant dense<0> : vector<8xi32>
    %reduce_sum3A_336 = vector.multi_reduction <add>, %convert_element_type3A_334, %reduce_sum3A_335 [1] : vector<8x32768xi32> to vector<8xi32>
    %broadcast_in_dim3A_337 = vector.shape_cast %reduce_sum3A_336 : vector<8xi32> to vector<8x1xi32>
    %ge3A_338 = arith.constant 64 : i32
    %ge3A_339 = vector.broadcast %ge3A_338 : i32 to vector<8x1xi32>
    %ge3A_340 = arith.cmpi sge, %broadcast_in_dim3A_337, %ge3A_339 : vector<8x1xi32>
    %select_n3A_341 = arith.select %ge3A_340, %add3A_331, %select_n3A_328 : vector<8x1xi1>, vector<8x1xi32>
    %add3A_342 = arith.constant 32 : i32
    %add3A_343 = vector.broadcast %add3A_342 : i32 to vector<8x1xi32>
    %add3A_344 = arith.addi %select_n3A_341, %add3A_343 : vector<8x1xi32>
    %ge3A_345 = vector.broadcast %add3A_344 : vector<8x1xi32> to vector<8x32768xi32>
    %ge3A_346 = arith.cmpi sge, %select_n3A, %ge3A_345 : vector<8x32768xi32>
    %convert_element_type3A_347 = arith.extui %ge3A_346 : vector<8x32768xi1> to vector<8x32768xi32>
    %reduce_sum3A_348 = arith.constant dense<0> : vector<8xi32>
    %reduce_sum3A_349 = vector.multi_reduction <add>, %convert_element_type3A_347, %reduce_sum3A_348 [1] : vector<8x32768xi32> to vector<8xi32>
    %broadcast_in_dim3A_350 = vector.shape_cast %reduce_sum3A_349 : vector<8xi32> to vector<8x1xi32>
    %ge3A_351 = arith.constant 64 : i32
    %ge3A_352 = vector.broadcast %ge3A_351 : i32 to vector<8x1xi32>
    %ge3A_353 = arith.cmpi sge, %broadcast_in_dim3A_350, %ge3A_352 : vector<8x1xi32>
    %select_n3A_354 = arith.select %ge3A_353, %add3A_344, %select_n3A_341 : vector<8x1xi1>, vector<8x1xi32>
    %add3A_355 = arith.constant 16 : i32
    %add3A_356 = vector.broadcast %add3A_355 : i32 to vector<8x1xi32>
    %add3A_357 = arith.addi %select_n3A_354, %add3A_356 : vector<8x1xi32>
    %ge3A_358 = vector.broadcast %add3A_357 : vector<8x1xi32> to vector<8x32768xi32>
    %ge3A_359 = arith.cmpi sge, %select_n3A, %ge3A_358 : vector<8x32768xi32>
    %convert_element_type3A_360 = arith.extui %ge3A_359 : vector<8x32768xi1> to vector<8x32768xi32>
    %reduce_sum3A_361 = arith.constant dense<0> : vector<8xi32>
    %reduce_sum3A_362 = vector.multi_reduction <add>, %convert_element_type3A_360, %reduce_sum3A_361 [1] : vector<8x32768xi32> to vector<8xi32>
    %broadcast_in_dim3A_363 = vector.shape_cast %reduce_sum3A_362 : vector<8xi32> to vector<8x1xi32>
    %ge3A_364 = arith.constant 64 : i32
    %ge3A_365 = vector.broadcast %ge3A_364 : i32 to vector<8x1xi32>
    %ge3A_366 = arith.cmpi sge, %broadcast_in_dim3A_363, %ge3A_365 : vector<8x1xi32>
    %select_n3A_367 = arith.select %ge3A_366, %add3A_357, %select_n3A_354 : vector<8x1xi1>, vector<8x1xi32>
    %add3A_368 = arith.constant 8 : i32
    %add3A_369 = vector.broadcast %add3A_368 : i32 to vector<8x1xi32>
    %add3A_370 = arith.addi %select_n3A_367, %add3A_369 : vector<8x1xi32>
    %ge3A_371 = vector.broadcast %add3A_370 : vector<8x1xi32> to vector<8x32768xi32>
    %ge3A_372 = arith.cmpi sge, %select_n3A, %ge3A_371 : vector<8x32768xi32>
    %convert_element_type3A_373 = arith.extui %ge3A_372 : vector<8x32768xi1> to vector<8x32768xi32>
    %reduce_sum3A_374 = arith.constant dense<0> : vector<8xi32>
    %reduce_sum3A_375 = vector.multi_reduction <add>, %convert_element_type3A_373, %reduce_sum3A_374 [1] : vector<8x32768xi32> to vector<8xi32>
    %broadcast_in_dim3A_376 = vector.shape_cast %reduce_sum3A_375 : vector<8xi32> to vector<8x1xi32>
    %ge3A_377 = arith.constant 64 : i32
    %ge3A_378 = vector.broadcast %ge3A_377 : i32 to vector<8x1xi32>
    %ge3A_379 = arith.cmpi sge, %broadcast_in_dim3A_376, %ge3A_378 : vector<8x1xi32>
    %select_n3A_380 = arith.select %ge3A_379, %add3A_370, %select_n3A_367 : vector<8x1xi1>, vector<8x1xi32>
    %add3A_381 = arith.constant 4 : i32
    %add3A_382 = vector.broadcast %add3A_381 : i32 to vector<8x1xi32>
    %add3A_383 = arith.addi %select_n3A_380, %add3A_382 : vector<8x1xi32>
    %ge3A_384 = vector.broadcast %add3A_383 : vector<8x1xi32> to vector<8x32768xi32>
    %ge3A_385 = arith.cmpi sge, %select_n3A, %ge3A_384 : vector<8x32768xi32>
    %convert_element_type3A_386 = arith.extui %ge3A_385 : vector<8x32768xi1> to vector<8x32768xi32>
    %reduce_sum3A_387 = arith.constant dense<0> : vector<8xi32>
    %reduce_sum3A_388 = vector.multi_reduction <add>, %convert_element_type3A_386, %reduce_sum3A_387 [1] : vector<8x32768xi32> to vector<8xi32>
    %broadcast_in_dim3A_389 = vector.shape_cast %reduce_sum3A_388 : vector<8xi32> to vector<8x1xi32>
    %ge3A_390 = arith.constant 64 : i32
    %ge3A_391 = vector.broadcast %ge3A_390 : i32 to vector<8x1xi32>
    %ge3A_392 = arith.cmpi sge, %broadcast_in_dim3A_389, %ge3A_391 : vector<8x1xi32>
    %select_n3A_393 = arith.select %ge3A_392, %add3A_383, %select_n3A_380 : vector<8x1xi1>, vector<8x1xi32>
    %add3A_394 = arith.constant 2 : i32
    %add3A_395 = vector.broadcast %add3A_394 : i32 to vector<8x1xi32>
    %add3A_396 = arith.addi %select_n3A_393, %add3A_395 : vector<8x1xi32>
    %ge3A_397 = vector.broadcast %add3A_396 : vector<8x1xi32> to vector<8x32768xi32>
    %ge3A_398 = arith.cmpi sge, %select_n3A, %ge3A_397 : vector<8x32768xi32>
    %convert_element_type3A_399 = arith.extui %ge3A_398 : vector<8x32768xi1> to vector<8x32768xi32>
    %reduce_sum3A_400 = arith.constant dense<0> : vector<8xi32>
    %reduce_sum3A_401 = vector.multi_reduction <add>, %convert_element_type3A_399, %reduce_sum3A_400 [1] : vector<8x32768xi32> to vector<8xi32>
    %broadcast_in_dim3A_402 = vector.shape_cast %reduce_sum3A_401 : vector<8xi32> to vector<8x1xi32>
    %ge3A_403 = arith.constant 64 : i32
    %ge3A_404 = vector.broadcast %ge3A_403 : i32 to vector<8x1xi32>
    %ge3A_405 = arith.cmpi sge, %broadcast_in_dim3A_402, %ge3A_404 : vector<8x1xi32>
    %select_n3A_406 = arith.select %ge3A_405, %add3A_396, %select_n3A_393 : vector<8x1xi1>, vector<8x1xi32>
    %add3A_407 = arith.constant 1 : i32
    %add3A_408 = vector.broadcast %add3A_407 : i32 to vector<8x1xi32>
    %add3A_409 = arith.addi %select_n3A_406, %add3A_408 : vector<8x1xi32>
    %ge3A_410 = vector.broadcast %add3A_409 : vector<8x1xi32> to vector<8x32768xi32>
    %ge3A_411 = arith.cmpi sge, %select_n3A, %ge3A_410 : vector<8x32768xi32>
    %convert_element_type3A_412 = arith.extui %ge3A_411 : vector<8x32768xi1> to vector<8x32768xi32>
    %reduce_sum3A_413 = arith.constant dense<0> : vector<8xi32>
    %reduce_sum3A_414 = vector.multi_reduction <add>, %convert_element_type3A_412, %reduce_sum3A_413 [1] : vector<8x32768xi32> to vector<8xi32>
    %broadcast_in_dim3A_415 = vector.shape_cast %reduce_sum3A_414 : vector<8xi32> to vector<8x1xi32>
    %ge3A_416 = arith.constant 64 : i32
    %ge3A_417 = vector.broadcast %ge3A_416 : i32 to vector<8x1xi32>
    %ge3A_418 = arith.cmpi sge, %broadcast_in_dim3A_415, %ge3A_417 : vector<8x1xi32>
    %select_n3A_419 = arith.select %ge3A_418, %add3A_409, %select_n3A_406 : vector<8x1xi1>, vector<8x1xi32>
    %ge3A_420 = vector.broadcast %select_n3A_419 : vector<8x1xi32> to vector<8x32768xi32>
    %ge3A_421 = arith.cmpi sge, %select_n3A, %ge3A_420 : vector<8x32768xi32>
    %jit3A = arith.constant 0.000000e+00 : f32
    %broadcast_in_dim3A_422 = vector.broadcast %jit3A : f32 to vector<8x32768xf32>
    %select_n3A_423 = arith.select %ge3A_421, %get3A_1, %broadcast_in_dim3A_422 : vector<8x32768xi1>, vector<8x32768xf32>
    %swap3A = arith.constant 0 : index
    %swap3A_424 = arith.constant 0 : index
    %swap3A_425 = vector.load %arg2[%swap3A, %swap3A_424] : memref<8x32768xf32, #tpu.memory_space<vmem>>, vector<8x32768xf32>
    tpu.vector_store %arg2[%swap3A, %swap3A_424], %select_n3A_423 {strides = array<i32>} : memref<8x32768xf32, #tpu.memory_space<vmem>>, vector<8x32768xf32>,
    return
  }
  func.func @transform_0(%arg0: i32) -> (i32, i32) {
    %c0_i32 = arith.constant 0 : i32
    %c0_i32_0 = arith.constant 0 : i32
    return %arg0, %c0_i32 : i32, i32
  }
  func.func @transform_1(%arg0: i32) -> (i32, i32) {
    %c0_i32 = arith.constant 0 : i32
    %c0_i32_0 = arith.constant 0 : i32
    return %arg0, %c0_i32 : i32, i32
  }
}

</mosaic_0001>

<sc_bundles>
// kernel: kernel.4.cloned.1.call-start
scs
__scs_entry_jumppad:
0x0: {  	(pc) =	sbr.rel $0x88, $3  }
0x1: {  	(tag) =	ssettag $0x0;
	lr =	simm.s32 $0x1  }
0x2: {  	[smem:$0x3FA0] =	sst lr;
	_ =	strace $0xD0000000  }
0x3: {  	_ = 	snop  }
0x4: {  	_ = 	snop  }
0x5: {  	_ = 	snop  }
0x6: {  	_ = 	snop  }
0x7: {  	_ = 	snop  }
__scs_overlays_trampoline_lowered:
0x8: {  	[smem:$0x3FAF] =	sst s0  }
0x9: {  	[smem:$0x3FB0] =	sst s1  }
0xa: {  	[smem:$0x3FB1] =	sst s2  }
0xb: {  	[smem:$0x3FB2] =	sst s3  }
0xc: {  	[smem:$0x3FB3] =	sst s4  }
0xd: {  	[smem:$0x3FB4] =	sst s5  }
0xe: {  	[smem:$0x3FB5] =	sst s6  }
0xf: {  	[smem:$0x3FB6] =	sst s7  }
0x10: {  	[smem:$0x3FB7] =	sst s8  }
0x11: {  	[smem:$0x3FB8] =	sst s9;
	s0 =	simm.s32 @!p0 $0x0  }
0x12: {  	s1 =	sld [smem:$0x3F9E];
	s0 =	simm.s32 @p0 $0x1  }
0x13: {  	[smem:$0x3FB9] =	sst s0;
	s0 =	simm.s32 @!p1 $0x0  }
0x14: {  	s2 =	sld [smem:$0x3F9D];
	s0 =	simm.s32 @p1 $0x1  }
0x15: {  	[smem:$0x3FBA] =	sst s0;
	s0 =	simm.s32 @!p2 $0x0  }
0x16: {  	s3 =	sld [smem:$0x3FDB];
	s0 =	simm.s32 @p2 $0x1  }
0x17: {  	s4 =	simm.s32 $0x1BF5;
	[smem:$0x3FBC] =	sst s0  }
0x18: {  	s0 =	sld [smem:$0x3F9F];
	_ =	swait.ge [sflag:s4], $0x0  }
0x19: {  	s7 =	sld [smem:$0x3FA0]  }
0x1a: {  	s8 =	sadd.s32 $0xFFFFE003, lr  }
0x1b: {  	s9 =	sadd.s32 $0xFFFFFEF7, lr;
	s5 =	simm.s32 $0xFFFFFFFF;
	p2 =	slt.u32 s8, $0xFFFFF086  }
0x1c: {  	p1 =	slt.u32 s9, $0xF7A;
	s5 =	simm.s32 @!p2 $0x0  }
0x1d: {  	s5 =	simm.s32 @p1 $0x1;
	p0 =	seq.s32 s7, s2  }
0x1e: {  	s7 =	smul.u32 @!p0 $0xF7A, s2;
	p2 =	seq.s32 @!p0 s5, $0x0  }
0x1f: {  	s9 =	smul.u32 $0xF7A, s1;
	s8 =	simm.s32 @!p0 $0x1BF5;
	p2 =	por !p2, p0  }
0x20: {  	[sflag:s8] =	ssyncset.s32 @!p0 $0xFFFFF086;
	s6 =	sadd.s32 @!p0 s3, s7;
	s7 =	simm.s32 @!p0 $0x108  }
0x21: {  	s3 =	sadd.s32 s3, s9;
	s6 =	sadd.s32 @!p0 $0x88, s6;
	s7 =	simm.s32 @p2 $0x1082  }
0x22: {  	[simem:s7], [sflag:s8] =	dma.local @!p0 [hbm:s6], $0xF7A  }
0x23: {  	s9 =	sor.u32 $0xD0000000, s2;
	s6 =	simm.s32 $0x108;
	_ =	swait.ge @!p0 [sflag:s8], $0x0  }
0x24: {  	s3 =	sadd.s32 $0x88, s3;
	s6 =	simm.s32 @!p1 $0x1082;
	[sflag:s4] =	ssyncset.s32 $0xFFFFF086  }
0x25: {  	[simem:s6], [sflag:s4] =	dma.local [hbm:s3], $0xF7A  }
0x26: {  	[smem:$0x3FA0] =	sst s1;
	(tag) =	ssettag s2;
	_ =	strace s9  }
0x27: {  	s1 =	sld [smem:$0x3FB0]  }
0x28: {  	s2 =	sld [smem:$0x3FB1]  }
0x29: {  	s4 =	sld [smem:$0x3FB3]  }
0x2a: {  	p0 =	seq.s32 s5, $0x0;
	s5 =	sld [smem:$0x3FB4]  }
0x2b: {  	s6 =	sld [smem:$0x3FB5]  }
0x2c: {  	s7 =	sld [smem:$0x3FB6]  }
0x2d: {  	s3 =	simm.s32 $0x108;
	s8 =	sld [smem:$0x3FB7]  }
0x2e: {  	s3 =	simm.s32 @!p0 $0x1082;
	s9 =	sld [smem:$0x3FB8]  }
0x2f: {  	lr =	sadd.s32 s0, s3;
	s0 =	sld [smem:$0x3FAF]  }
0x30: {  	s3 =	sld [smem:$0x3FB2]  }
0x31: {  	[smem:$0x3FBB] =	sst s10  }
0x32: {  	s10 =	sld [smem:$0x3FB9];
	_ =	sdelay $0x3  }
0x33: {  	p0 =	seq.s32 s10, $0x1;
	s10 =	sld [smem:$0x3FBB];
	_ =	sdelay $0x3  }
0x34: {  	[smem:$0x3FBB] =	sst s10  }
0x35: {  	s10 =	sld [smem:$0x3FBA];
	_ =	sdelay $0x3  }
0x36: {  	p1 =	seq.s32 s10, $0x1;
	s10 =	sld [smem:$0x3FBB];
	_ =	sdelay $0x3  }
0x37: {  	[smem:$0x3FBB] =	sst s10  }
0x38: {  	s10 =	sld [smem:$0x3FBC]  }
0x39: {  	_ = 	snop;
	(pc) =	sbr.ind lr, $3  }
0x3a: {  	_ = 	snop  }
0x3b: {  	_ = 	snop  }
0x3c: {  	p2 =	seq.s32 s10, $0x1;
	s10 =	sld [smem:$0x3FBB]  }
0x3d: {  	_ =	shalt  }
0x3e: {  	_ =	shalt  }
0x3f: {  	_ =	shalt  }
0x40: {  	_ =	shalt  }
0x41: {  	_ =	shalt  }
0x42: {  	_ =	shalt  }
0x43: {  	_ =	shalt  }
0x44: {  	_ =	shalt  }
0x45: {  	_ =	shalt  }
0x46: {  	_ =	shalt  }
0x47: {  	_ =	shalt  }
0x48: {  	_ =	shalt  }
0x49: {  	_ =	shalt  }
0x4a: {  	_ =	shalt  }
0x4b: {  	_ =	shalt  }
0x4c: {  	_ =	shalt  }
0x4d: {  	_ =	shalt  }
0x4e: {  	_ =	shalt  }
0x4f: {  	_ =	shalt  }
0x50: {  	_ =	shalt  }
0x51: {  	_ =	shalt  }
0x52: {  	_ =	shalt  }
0x53: {  	_ =	shalt  }
0x54: {  	_ =	shalt  }
0x55: {  	_ =	shalt  }
0x56: {  	_ =	shalt  }
0x57: {  	_ =	shalt  }
0x58: {  	_ =	shalt  }
0x59: {  	_ =	shalt  }
0x5a: {  	_ =	shalt  }
0x5b: {  	_ =	shalt  }
0x5c: {  	_ =	shalt  }
0x5d: {  	_ =	shalt  }
0x5e: {  	_ =	shalt  }
0x5f: {  	_ =	shalt  }
0x60: {  	_ =	shalt  }
0x61: {  	_ =	shalt  }
0x62: {  	_ =	shalt  }
0x63: {  	_ =	shalt  }
0x64: {  	_ =	shalt  }
0x65: {  	_ =	shalt  }
0x66: {  	_ =	shalt  }
0x67: {  	_ =	shalt  }
0x68: {  	_ =	shalt  }
0x69: {  	_ =	shalt  }
0x6a: {  	_ =	shalt  }
0x6b: {  	_ =	shalt  }
0x6c: {  	_ =	shalt  }
0x6d: {  	_ =	shalt  }
0x6e: {  	_ =	shalt  }
0x6f: {  	_ =	shalt  }
0x70: {  	_ =	shalt  }
0x71: {  	_ =	shalt  }
0x72: {  	_ =	shalt  }
0x73: {  	_ =	shalt  }
0x74: {  	_ =	shalt  }
0x75: {  	_ =	shalt  }
0x76: {  	_ =	shalt  }
0x77: {  	_ =	shalt  }
0x78: {  	_ =	shalt  }
0x79: {  	_ =	shalt  }
0x7a: {  	_ =	shalt  }
0x7b: {  	_ =	shalt  }
0x7c: {  	_ =	shalt  }
0x7d: {  	_ =	shalt  }
0x7e: {  	_ =	shalt  }
0x7f: {  	_ =	shalt  }
0x80: {  	_ =	shalt  }
0x81: {  	_ =	shalt  }
0x82: {  	_ =	shalt  }
0x83: {  	_ =	shalt  }
0x84: {  	_ =	shalt  }
0x85: {  	_ =	shalt  }
0x86: {  	_ =	shalt  }
0x87: {  	_ =	shalt  }
.Lfunc_end0:
.L_simem_size_0:
called_computation_lowered:
.L_overlay_start_0:
0x88: {  	s2 =	sld [smem:$0x3FD9]  }
0x89: {  	s3 =	sld [smem:$0x3FFE];
	_ =	sdelay $0x1  }
0x8a: {  	s1 =	srdreg.scid  }
0x8b: {  	s0 =	sand.u32 $0x1, s1  }
0x8c: {  	s17 =	sshll.u32 s0, $0xA;
	s2 =	sadd.s32 s3, s2  }
0x8d: {  	s2 =	sadd.s32 s2, s17  }
0x8e: {  	[smem:$0x3FC7] =	sst s2  }
0x8f: {  	_ = 	snop  }
0x90: {  	s2 =	sld [smem:$0x3FD0];
	(tm) =	ssettm $0x1  }
0x91: {  	s18 =	sld [smem:$0x3FFB];
	_ =	sdelay $0x3  }
0x92: {  	_ =	strace s18  }
0x93: {  	s3 =	sld [smem:$0x3FFC];
	_ =	sdelay $0x3  }
0x94: {  	_ =	strace s3  }
0x95: {  	s3 =	sld [smem:$0x3FFD];
	_ =	sdelay $0x3  }
0x96: {  	_ =	strace s3  }
0x97: {  	_ =	strace $0x8FFFFFFF  }
0x98: {  	s19 =	sld [smem:$0x3FDB];
	_ =	sdelay $0x1  }
0x99: {  	s4 =	simm.s32 $_scs_section_size  }
0x9a: {  	s5 =	simm.s32 $_size__tile_overlayer_lowered;
	s6 =	simm.s32 $_tile_overlayer_lowered  }
0x9b: {  	s22 =	simm.s32 $0x1BFF;
	s21 =	sshll.u32 s6, $0x1;
	s3 =	sadd.s32 s4, s19  }
0x9c: {  	s7 =	simm.s32 $0x0;
	s20 =	sshll.u32 s5, $0x1;
	s5 =	sadd.s32 s21, s3  }
0x9d: {  	[timem:s7], [sflag:s22] =	dma.local [hbm:s5], s20  }
0x9e: {  	_ =	swait.ge [sflag:s22], s20  }
0x9f: {  	s4 =	ssub.s32 $0x0, s20;
	[sflag:s22] =	ssyncset.done $0x0  }
0xa0: {  	[sflag:s22] =	ssyncadd.s32 s4;
	_ =	sdelay $0x1  }
0xa1: {  	s23 =	simm.s32 $0x1B8B  }
0xa2: {  	_ =	swait.ge [sflag:s23], $0x1  }
0xa3: {  	[sflag:s23] =	ssyncset.done $0x0  }
0xa4: {  	s25 =	simm.s32 $0x1B8E;
	s24 =	sld [smem:$0x3FFE];
	[sflag:s23] =	ssyncadd.s32 $0xFFFFFFFF  }
0xa5: {  	s26 =	simm.s32 $execute0_lowered;
	[smem:$0x3FD2] =	sst s25  }
0xa6: {  	s5 =	sshll.u32 s26, $0x1;
	_ =	strace $0x80000046;
	[dreg:$0x1] =	wrdreg $0xFFFFFFFF  }
0xa7: {  	s28 =	simm.s32 $_size_execute0_lowered;
	s3 =	sadd.s32 s3, s5;
	[dreg:$0x0] =	wrdreg $0x0  }
0xa8: {  	s5 =	sshll.u32 s28, $0x1;
	[dreg:$0x2] =	wrdreg s3  }
0xa9: {  	[dreg:$0x3] =	wrdreg s5  }
0xaa: {  	[dreg:$0x4] =	wrdreg $0xC0  }
0xab: {  	_ =	task [dreg:s7], $0x5FFFF  }
0xac: {  	[dreg:$0x1] =	wrdreg $0xFFFFFFFF  }
0xad: {  	[dreg:$0x0] =	wrdreg $0x60  }
0xae: {  	[dreg:$0x2] =	wrdreg s2  }
0xaf: {  	[dreg:$0x3] =	wrdreg s24  }
0xb0: {  	[dreg:$0x4] =	wrdreg $0x9  }
0xb1: {  	_ =	task.clear_ibuf [dreg:s7], $0x5FFFF;
	_ =	strace $0x90000046  }
0xb2: {  	s29 =	simm.s32 $0x9;
	_ =	strace $0x80000048  }
0xb3: {  	_ =	swait.ge [sflag:s29], $0x1  }
0xb4: {  	[sflag:s29] =	ssyncadd.s32 $0xFFFFFFFF  }
0xb5: {  	_ =	strace $0x90000048  }
0xb6: {  	_ =	sfence  }
0xb7: {  	s30 =	sld [smem:$0x0];
	_ =	sdelay $0x2  }
0xb8: {  	s31 =	sshll.u32 s1, $0xD;
	s1 =	sshrl.u32 s1, $0x2  }
0xb9: {  	s3 =	sand.u32 $0x4000, s31;
	s1 =	sadd.s32 s1, s30  }
0xba: {  	s0 =	sor.u32 s3, s0;
	s1 =	sshll.u32 s1, $0x11  }
0xbb: {  	s0 =	sor.u32 s1, s0  }
0xbc: {  	s0 =	sadd.s32 $0x8F2B, s0  }
0xbd: {  	[sflag:s0] =	ssyncadd.remote.s32 $0x1  }
0xbe: {  	_ =	sfence.sel $0xFFFF  }
0xbf: {  	[dreg:$0x0] =	wrdreg $0xFFFFFFFF;
	(pc) =	sbr.abs _section_cstart, $3  }
0xc0: {  	[dreg:$0x1] =	wrdreg $0xFFFFFFFF  }
0xc1: {  	_ =	task.clear_ibuf [dreg:s7], $0x2FFFF;
	_ =	strace $0x9FFFFFFF  }
0xc2: {  	(tm) =	ssettm $0x7FFFFFFF  }
0xc3: {  	_ =	shalt  }
tec
execute0_lowered:
.L_overlay_start_1:
0x0: {  	(tag) =	ssettag $0x1  }
0x1: {  	s1 =	rddreg [dreg:$0x0]  }
0x2: {  	s4 =	rddreg [dreg:$0x1];
	s5 =	srdreg.scid;
	s3 =	simm.s32 $0x0  }
0x3: {  	s0 =	stileid.u32;
	s9 =	simm.s32 $0x1;
	s5 =	sand.u32 $0x1, s5  }
0x4: {  	s10 =	simm.s32 $0x10000;
	s11 =	simm.s32 $0x0;
	s6 =	ssub.s32 $0x2, s5  }
0x5: {  	v0 =	vlaneseq.u32;
	[smem:$0x7FF] =	sst s3;
	s7 =	sshll.u32 s0, $0x1;
	s8 =	sshrl.u32 s6, $0x1  }
0x6: {  	s4 =	sadd.s32 $0x400, s4;
	v3 =	vmul.u32 $0xFFFFFFFF, v0;
	_ =	strace $0x80000047;
	s6 =	ssub.s32 s6, s8  }
0x7: {  	v1 =	vimm.s32 $0x0;
	s5 =	sor.u32 s5, s7;
	s7 =	simm.s32 $0x80;
	s31 =	smax.u32 s6, $0x1  }
0x8: {  	v2 =	vimm.s32 $0x1;
	v4 =	vor.u32 $0x80000000, v0;
	s5 =	smul.u32 $0x3, s5;
	v3 =	vadd.s32 $0xF, v3;
	s8 =	simm.s32 $0x400;
	[dreg:$0x3] =	wrdreg s31  }
.LBB2_1:
0x9: {  	[tilespmem:$0x10000] =	vst v1  }
0xa: {  	[tilespmem:$0x10010] =	vst v1  }
0xb: {  	[tilespmem:$0x10020] =	vst v1  }
0xc: {  	[tilespmem:$0x10030] =	vst v1  }
0xd: {  	[tilespmem:$0x10040] =	vst v1  }
0xe: {  	[tilespmem:$0x10050] =	vst v1  }
0xf: {  	[tilespmem:$0x10060] =	vst v1  }
0x10: {  	[tilespmem:$0x10070] =	vst v1  }
0x11: {  	[tilespmem:$0x10080] =	vst v1  }
0x12: {  	[tilespmem:$0x10090] =	vst v1  }
0x13: {  	[tilespmem:$0x100A0] =	vst v1  }
0x14: {  	[tilespmem:$0x100B0] =	vst v1  }
0x15: {  	[tilespmem:$0x100C0] =	vst v1  }
0x16: {  	[tilespmem:$0x100D0] =	vst v1  }
0x17: {  	[tilespmem:$0x100E0] =	vst v1  }
0x18: {  	[tilespmem:$0x100F0] =	vst v1;
	s12 =	simm.s32 $0x0  }
.LBB2_2:
0x19: {  	s13 =	sadd.s32 s5, s12  }
0x1a: {  	s14 =	sshll.u32 s13, $0xC;
	s13 =	sshll.u32 s13, $0x4  }
0x1b: {  	s14 =	sand.u32 $0xFFF8000, s14;
	s13 =	sand.u32 $0x70, s13  }
0x1c: {  	s13 =	sor.u32 s13, s14  }
0x1d: {  	s14 =	sadd.s32 s1, s13  }
0x1e: {  	[tilespmem:s3], [sflag:$0x1] =	stream.strided.gather [hbm4b:s14+s7], $0x8000, s8, s7, $0x38;
	[tilespmem:$0x10100] =	vst v63  }
0x1f: {  	_ =	swait.ge [sflag:s9], $0x8000  }
0x20: {  	[sflag:s9] =	ssyncset.done $0x0  }
0x21: {  	s15 =	simm.s32 $0x40;
	[sflag:s9] =	ssyncadd.s32 $0xFFFF8000  }
0x22: {  	v5 =	vld [tilespmem:s15+$0xFFFFFFC0]  }
0x23: {  	v12 =	vld [tilespmem:s15+$0x20]  }
0x24: {  	v9 =	vld [tilespmem:s15+$0xFFFFFFF0]  }
0x25: {  	v10 =	vld [tilespmem:s15+$0xFFFFFFE0]  }
0x26: {  	v8 =	vld [tilespmem:s15+$0xFFFFFFD0]  }
0x27: {  	v6 =	vshra.s32 v5, $0x1F  }
0x28: {  	v11 =	vshrl.u32 v6, $0x1  }
0x29: {  	v7 =	vld [tilespmem:s15+$0x10];
	v14 =	vshra.s32 v12, $0x1F;
	v5 =	vxor.u32 v5, v11  }
0x2a: {  	v13 =	vshra.s32 v9, $0x1F;
	v17 =	vshrl.u32 v14, $0x1;
	v11 =	vshra.s32 v5, $0x18  }
0x2b: {  	v6 =	vld [tilespmem:s15+$0x30];
	v14 =	vshra.s32 v10, $0x1F;
	v15 =	vadd.s32 $0x80, v11;
	v11 =	vshra.s32 v8, $0x1F  }
0x2c: {  	v18 =	vshrl.u32 v13, $0x1;
	v13 =	vshrl.u32 v11, $0x1;
	v11 =	vshrl.u32 v14, $0x1  }
0x2d: {  	v14 =	vxor.u32 v10, v11;
	v11 =	vld [tilespmem:s15+$0x0]  }
0x2e: {  	v16 =	vshra.s32 v7, $0x1F  }
0x2f: {  	s14 =	simm.s32 $0x8040;
	v16 =	vshrl.u32 v16, $0x1;
	v9 =	vxor.u32 v9, v18;
	v12 =	vxor.u32 v12, v17  }
0x30: {  	[tilespmem:s14+$0xFFFFFFC0] =	vst v5;
	v10 =	vshra.s32 v9, $0x18;
	v18 =	vshra.s32 v6, $0x1F;
	v19 =	vshra.s32 v14, $0x18  }
0x31: {  	s16 =	simm.s32 $0xC0;
	s17 =	simm.s32 $0x8040;
	s15 =	simm.s32 $0x0;
	v5 =	vadd.s32 $0x80, v10;
	v10 =	vadd.s32 $0x80, v19;
	[tilespmem:v15+s10+$0x0] =	vst.idx.add.s32.msk $0xffff, v2;
	v15 =	vshrl.u32 v18, $0x1  }
.LBB2_3:
0x32: {  	v17 =	vld [tilespmem:s16+$0xFFFFFFC0];
	s15 =	sadd.s32 $0x80, s15;
	[tilespmem:s14+$0xFFFFFFE0] =	vst v14;
	v14 =	vshra.s32 v11, $0x1F;
	v7 =	vxor.u32 v7, v16;
	s17 =	sadd.s32 $0x80, s17  }
0x33: {  	v8 =	vxor.u32 v8, v13;
	v18 =	vld [tilespmem:s16+$0x20];
	p0 =	slt.u32 s15, $0x7F80;
	v13 =	vshrl.u32 v14, $0x1;
	[tilespmem:s14+$0x10] =	vst v7;
	v7 =	vshra.s32 v7, $0x18  }
0x34: {  	v16 =	vshra.s32 v12, $0x18;
	v6 =	vxor.u32 v6, v15;
	v14 =	vld [tilespmem:s16+$0xFFFFFFF0];
	[tilespmem:s14+$0xFFFFFFD0] =	vst v8;
	v8 =	vshra.s32 v8, $0x18  }
0x35: {  	v16 =	vadd.s32 $0x80, v16;
	v11 =	vxor.u32 v11, v13;
	v13 =	vadd.s32 $0x80, v7;
	v15 =	vld [tilespmem:s16+$0xFFFFFFE0];
	[tilespmem:s14+$0x30] =	vst v6  }
0x36: {  	v19 =	vadd.s32 $0x80, v8;
	v6 =	vshra.s32 v6, $0x18;
	v7 =	vld [tilespmem:s16+$0x10];
	[tilespmem:s14+$0x0] =	vst v11;
	v11 =	vshra.s32 v11, $0x18  }
0x37: {  	v8 =	vld [tilespmem:s16+$0xFFFFFFD0];
	[tilespmem:s14+$0x20] =	vst v12;
	v12 =	vadd.s32 $0x80, v6  }
0x38: {  	v20 =	vshra.s32 v17, $0x1F;
	v6 =	vld [tilespmem:s16+$0x30];
	[tilespmem:s14+$0xFFFFFFF0] =	vst v9;
	s14 =	smov.u32 s17  }
0x39: {  	v9 =	vshrl.u32 v20, $0x1;
	[tilespmem:v10+s10+$0x0] =	vst.idx.add.s32.msk $0xffff, v2;
	v10 =	vadd.s32 $0x80, v11  }
0x3a: {  	v9 =	vxor.u32 v17, v9;
	[tilespmem:v16+s10+$0x0] =	vst.idx.add.s32.msk $0xffff, v2  }
0x3b: {  	v17 =	vshra.s32 v18, $0x1F;
	v11 =	vshra.s32 v9, $0x18;
	v16 =	vshra.s32 v14, $0x1F;
	[tilespmem:v13+s10+$0x0] =	vst.idx.add.s32.msk $0xffff, v2  }
0x3c: {  	v17 =	vshrl.u32 v17, $0x1;
	v20 =	vadd.s32 $0x80, v11;
	v21 =	vshra.s32 v7, $0x1F;
	[tilespmem:s17+$0xFFFFFFC0] =	vst v9;
	v11 =	vld [tilespmem:s16+$0x0]  }
.Ltmp0:
0x3d: {  	v22 =	vshra.s32 v15, $0x1F;
	v16 =	vshrl.u32 v16, $0x1;
	v9 =	vshra.s32 v8, $0x1F;
	[tilespmem:v19+s10+$0x0] =	vst.idx.add.s32.msk $0xffff, v2;
	(pc) =	sbr.rel @p0 .LBB2_3-.Ltmp0, $4  }
0x3e: {  	v13 =	vshrl.u32 v9, $0x1;
	v19 =	vshrl.u32 v22, $0x1;
	v9 =	vxor.u32 v14, v16;
	[tilespmem:v10+s10+$0x0] =	vst.idx.add.s32.msk $0xffff, v2  }
0x3f: {  	v14 =	vxor.u32 v15, v19;
	v10 =	vshra.s32 v9, $0x18;
	v15 =	vshra.s32 v6, $0x1F;
	[tilespmem:v5+s10+$0x0] =	vst.idx.add.s32.msk $0xffff, v2  }
0x40: {  	v16 =	vshrl.u32 v21, $0x1;
	v19 =	vshra.s32 v14, $0x18;
	v5 =	vadd.s32 $0x80, v10;
	[tilespmem:v12+s10+$0x0] =	vst.idx.add.s32.msk $0xffff, v2  }
0x41: {  	s16 =	sadd.s32 $0x80, s16;
	v15 =	vshrl.u32 v15, $0x1;
	v10 =	vadd.s32 $0x80, v19;
	v12 =	vxor.u32 v18, v17;
	[tilespmem:v20+s10+$0x0] =	vst.idx.add.s32.msk $0xffff, v2  }
0x42: {  	[tilespmem:s14+$0xFFFFFFE0] =	vst v14  }
0x43: {  	[tilespmem:s14+$0x20] =	vst v12  }
0x44: {  	v7 =	vxor.u32 v7, v16;
	v14 =	vshra.s32 v11, $0x1F;
	v8 =	vxor.u32 v8, v13;
	[tilespmem:s14+$0xFFFFFFF0] =	vst v9  }
0x45: {  	v6 =	vxor.u32 v6, v15;
	[tilespmem:s14+$0x10] =	vst v7;
	v13 =	vshrl.u32 v14, $0x1;
	v14 =	vshra.s32 v12, $0x18  }
0x46: {  	[tilespmem:s14+$0xFFFFFFD0] =	vst v8;
	v7 =	vshra.s32 v7, $0x18;
	v11 =	vxor.u32 v11, v13;
	v13 =	vadd.s32 $0x80, v14  }
0x47: {  	[tilespmem:s14+$0x30] =	vst v6;
	v8 =	vshra.s32 v8, $0x18;
	v7 =	vadd.s32 $0x80, v7  }
0x48: {  	v6 =	vshra.s32 v6, $0x18;
	[tilespmem:v10+s10+$0x0] =	vst.idx.add.s32.msk $0xffff, v2;
	v8 =	vadd.s32 $0x80, v8  }
0x49: {  	v6 =	vadd.s32 $0x80, v6;
	[tilespmem:s14+$0x0] =	vst v11;
	v11 =	vshra.s32 v11, $0x18  }
0x4a: {  	[tilespmem:v5+s10+$0x0] =	vst.idx.add.s32.msk $0xffff, v2;
	v9 =	vadd.s32 $0x80, v11  }
0x4b: {  	[tilespmem:v13+s10+$0x0] =	vst.idx.add.s32.msk $0xffff, v2  }
0x4c: {  	[tilespmem:v7+s10+$0x0] =	vst.idx.add.s32.msk $0xffff, v2  }
0x4d: {  	[tilespmem:v8+s10+$0x0] =	vst.idx.add.s32.msk $0xffff, v2  }
0x4e: {  	[tilespmem:v6+s10+$0x0] =	vst.idx.add.s32.msk $0xffff, v2  }
0x4f: {  	[tilespmem:v9+s10+$0x0] =	vst.idx.add.s32.msk $0xffff, v2  }
0x50: {  	v5 =	vld [tilespmem:$0x10010]  }
0x51: {  	v6 =	vld [tilespmem:$0x10020]  }
0x52: {  	v7 =	vld [tilespmem:$0x10030]  }
0x53: {  	v8 =	vld [tilespmem:$0x10040]  }
0x54: {  	v9 =	vld [tilespmem:$0x10050]  }
0x55: {  	v10 =	vld [tilespmem:$0x10060];
	(xrf0) =	vadd.scan.msk.s32 $0xffff, v5  }
0x56: {  	v11 =	vld [tilespmem:$0x10070];
	(xrf0) =	vadd.scan.msk.s32 $0xffff, v6  }
0x57: {  	v12 =	vld [tilespmem:$0x10080];
	(xrf0) =	vadd.scan.msk.s32 $0xffff, v7  }
0x58: {  	v13 =	vld [tilespmem:$0x10090];
	(xrf0) =	vadd.scan.msk.s32 $0xffff, v8  }
0x59: {  	v14 =	vld [tilespmem:$0x100A0];
	(xrf0) =	vadd.scan.msk.s32 $0xffff, v9  }
0x5a: {  	v15 =	vld [tilespmem:$0x100B0];
	(xrf0) =	vadd.scan.msk.s32 $0xffff, v10  }
0x5b: {  	v17 =	vld [tilespmem:$0x100C0];
	v16, _, _ =	vpop (xrf0);
	(xrf0) =	vadd.scan.msk.s32 $0xffff, v11  }
0x5c: {  	v18 =	vld [tilespmem:$0x100D0];
	(v2sf) =	vpush v16, $0xF;
	v16, _, _ =	vpop (xrf0);
	(xrf0) =	vadd.scan.msk.s32 $0xffff, v12  }
0x5d: {  	v19 =	vld [tilespmem:$0x100E0];
	(v2sf) =	vpush v16, $0xF;
	v16, _, _ =	vpop (xrf0);
	(xrf0) =	vadd.scan.msk.s32 $0xffff, v13  }
0x5e: {  	v20 =	vld [tilespmem:$0x100F0];
	(v2sf) =	vpush v16, $0xF;
	v16, _, _ =	vpop (xrf0);
	(xrf0) =	vadd.scan.msk.s32 $0xffff, v14  }
0x5f: {  	(v2sf) =	vpush v16, $0xF;
	v16, _, _ =	vpop (xrf0);
	(xrf0) =	vadd.scan.msk.s32 $0xffff, v15  }
0x60: {  	(v2sf) =	vpush v16, $0xF;
	v16, _, _ =	vpop (xrf0);
	(xrf0) =	vadd.scan.msk.s32 $0xffff, v17  }
0x61: {  	(v2sf) =	vpush v16, $0xF;
	v16, _, _ =	vpop (xrf0);
	(xrf0) =	vadd.scan.msk.s32 $0xffff, v18  }
0x62: {  	(v2sf) =	vpush v16, $0xF;
	v16, _, _ =	vpop (xrf0);
	(xrf0) =	vadd.scan.msk.s32 $0xffff, v19  }
0x63: {  	(v2sf) =	vpush v16, $0xF;
	v16, _, _ =	vpop (xrf0);
	(xrf0) =	vadd.scan.msk.s32 $0xffff, v20  }
0x64: {  	v21, _, _ =	vpop (xrf0);
	(v2sf) =	vpush v16, $0xF  }
0x65: {  	v16, _, _ =	vpop (xrf0);
	(v2sf) =	vpush v21, $0xF  }
0x66: {  	v62, _, _ =	vpop (xrf0);
	(v2sf) =	vpush v16, $0xF  }
0x67: {  	v16, _, _ =	vpop (xrf0);
	(v2sf) =	vpush v62, $0xF  }
0x68: {  	v63, _, _ =	vpop (xrf0);
	(v2sf) =	vpush v16, $0xF  }
0x69: {  	(v2sf) =	vpush v63, $0xF;
	v16, _, _ =	vpop (xrf0)  }
0x6a: {  	(v2sf) =	vpush v16, $0xF  }
0x6b: {  	s0 =	spop (v2sf)  }
0x6c: {  	s15 =	spop (v2sf)  }
0x6d: {  	s29 =	spop (v2sf)  }
0x6e: {  	s28 =	spop (v2sf)  }
0x6f: {  	s26 =	spop (v2sf)  }
0x70: {  	s25 =	spop (v2sf)  }
0x71: {  	s24 =	spop (v2sf)  }
0x72: {  	s23 =	spop (v2sf)  }
0x73: {  	s22 =	spop (v2sf)  }
0x74: {  	s21 =	spop (v2sf)  }
0x75: {  	s20 =	spop (v2sf)  }
0x76: {  	s19 =	spop (v2sf)  }
0x77: {  	s18 =	spop (v2sf)  }
0x78: {  	s17 =	spop (v2sf)  }
0x79: {  	s16 =	spop (v2sf)  }
0x7a: {  	s17 =	sadd.s32 s17, s16  }
0x7b: {  	s18 =	sadd.s32 s18, s17  }
0x7c: {  	s19 =	sadd.s32 s19, s18  }
0x7d: {  	s20 =	sadd.s32 s20, s19  }
0x7e: {  	s21 =	sadd.s32 s21, s20  }
0x7f: {  	s22 =	sadd.s32 s22, s21  }
0x80: {  	s23 =	sadd.s32 s23, s22  }
0x81: {  	s24 =	sadd.s32 s24, s23  }
0x82: {  	s25 =	sadd.s32 s25, s24  }
0x83: {  	s26 =	sadd.s32 s26, s25  }
0x84: {  	s28 =	sadd.s32 s28, s26  }
0x85: {  	s29 =	sadd.s32 s29, s28  }
0x86: {  	s30 =	sadd.s32 s15, s29  }
0x87: {  	s15 =	sadd.s32 s0, s30  }
0x88: {  	s14 =	simm.s32 $0x1;
	p0 =	sgt.s32 s15, $0x3F  }
0x89: {  	s14 =	simm.s32 @!p0 $0x0;
	p0 =	sgt.s32 s30, $0x3F  }
0x8a: {  	s14 =	simm.s32 @p0 $0x2;
	p0 =	sgt.s32 s29, $0x3F  }
0x8b: {  	s14 =	simm.s32 @p0 $0x3;
	p0 =	sgt.s32 s28, $0x3F  }
0x8c: {  	s14 =	simm.s32 @p0 $0x4;
	p0 =	sgt.s32 s26, $0x3F  }
0x8d: {  	s14 =	simm.s32 @p0 $0x5;
	p0 =	sgt.s32 s25, $0x3F  }
0x8e: {  	s14 =	simm.s32 @p0 $0x6;
	p0 =	sgt.s32 s24, $0x3F  }
0x8f: {  	s14 =	simm.s32 @p0 $0x7;
	p0 =	sgt.s32 s23, $0x3F  }
0x90: {  	s14 =	simm.s32 @p0 $0x8;
	p0 =	sgt.s32 s22, $0x3F  }
0x91: {  	s14 =	simm.s32 @p0 $0x9;
	p0 =	sgt.s32 s21, $0x3F  }
0x92: {  	s14 =	simm.s32 @p0 $0xA;
	p0 =	sgt.s32 s20, $0x3F  }
0x93: {  	s14 =	simm.s32 @p0 $0xB;
	p0 =	sgt.s32 s19, $0x3F  }
0x94: {  	v16 =	vld [tilespmem:$0x10000];
	s14 =	simm.s32 @p0 $0xC;
	p0 =	sgt.s32 s18, $0x3F  }
0x95: {  	s14 =	simm.s32 @p0 $0xD;
	p0 =	sgt.s32 s17, $0x3F  }
0x96: {  	s14 =	simm.s32 @p0 $0xE;
	p0 =	sgt.s32 s16, $0x3F  }
0x97: {  	s14 =	simm.s32 @p0 $0xF  }
0x98: {  	p2 =	seq.s32 s14, $0x1  }
0x99: {  	p6 =	seq.s32 s14, $0x2;
	v5 =	vpsel p2, v5, v16  }
0x9a: {  	p5 =	seq.s32 s14, $0x3;
	p0 =	seq.s32 s14, $0x4;
	v5 =	vpsel p6, v6, v5  }
0x9b: {  	s0 =	simm.s32 @!p0 $0x0;
	v5 =	vpsel p5, v7, v5  }
0x9c: {  	s0 =	simm.s32 @p0 $0x1;
	v5 =	vpsel p0, v8, v5;
	p0 =	seq.s32 s14, $0x5  }
0x9d: {  	[smem:$0x7F8] =	sst s0;
	s0 =	simm.s32 @!p0 $0x0  }
0x9e: {  	v5 =	vpsel p0, v9, v5;
	s0 =	simm.s32 @p0 $0x1;
	p0 =	seq.s32 s14, $0x6  }
0x9f: {  	[smem:$0x7F9] =	sst s0;
	s0 =	simm.s32 @!p0 $0x0  }
0xa0: {  	v5 =	vpsel p0, v10, v5;
	s0 =	simm.s32 @p0 $0x1;
	p0 =	seq.s32 s14, $0x7  }
0xa1: {  	[smem:$0x7FA] =	sst s0;
	s0 =	simm.s32 @!p0 $0x0  }
0xa2: {  	v5 =	vpsel p0, v11, v5;
	s0 =	simm.s32 @p0 $0x1;
	p0 =	seq.s32 s14, $0x8  }
0xa3: {  	[smem:$0x7FB] =	sst s0;
	s0 =	simm.s32 @!p0 $0x0  }
0xa4: {  	v5 =	vpsel p0, v12, v5;
	s0 =	simm.s32 @p0 $0x1;
	p0 =	seq.s32 s14, $0x9  }
0xa5: {  	[smem:$0x7FC] =	sst s0;
	s0 =	simm.s32 @!p0 $0x0  }
0xa6: {  	v5 =	vpsel p0, v13, v5;
	s0 =	simm.s32 @p0 $0x1;
	p0 =	seq.s32 s14, $0x0  }
0xa7: {  	s2 =	sld [smem:$0x7F8];
	s15 =	simm.s32 @!p0 $0x0  }
0xa8: {  	p4 =	seq.s32 s14, $0xA;
	s6 =	sld [smem:$0x7F9];
	s15 =	smov.u32 @p2 s30  }
0xa9: {  	p3 =	seq.s32 s14, $0xB;
	p1 =	seq.s32 s14, $0xC;
	v5 =	vpsel p4, v14, v5;
	s15 =	smov.u32 @p6 s29  }
0xaa: {  	[smem:$0x7FD] =	sst s0;
	v5 =	vpsel p3, v15, v5;
	s15 =	smov.u32 @p5 s28;
	p5 =	seq.s32 s2, $0x1  }
0xab: {  	v5 =	vpsel p1, v17, v5;
	p2 =	seq.s32 s14, $0xD;
	s15 =	smov.u32 @p5 s26;
	p5 =	seq.s32 s6, $0x1  }
0xac: {  	v5 =	vpsel p2, v18, v5;
	p6 =	seq.s32 s14, $0xE;
	s15 =	smov.u32 @p5 s25;
	s25 =	sld [smem:$0x7FA]  }
0xad: {  	p0 =	seq.s32 s14, $0xF;
	v5 =	vpsel p6, v19, v5;
	s26 =	sld [smem:$0x7FB]  }
0xae: {  	s28 =	sld [smem:$0x7FC];
	v5 =	vpsel p0, v20, v5  }
0xaf: {  	s29 =	sld [smem:$0x7FD];
	v6 =	vperm.xlane v5, v3;
	p5 =	seq.s32 s25, $0x1  }
0xb0: {  	s15 =	smov.u32 @p5 s24;
	p5 =	seq.s32 s26, $0x1  }
0xb1: {  	(xrf0) =	vadd.scan.msk.s32 $0xffff, v6;
	s15 =	smov.u32 @p5 s23;
	p5 =	seq.s32 s28, $0x1  }
0xb2: {  	s15 =	smov.u32 @p5 s22;
	p5 =	seq.s32 s29, $0x1  }
0xb3: {  	s15 =	smov.u32 @p5 s21  }
0xb4: {  	s15 =	smov.u32 @p4 s20  }
0xb5: {  	s15 =	smov.u32 @p3 s19  }
0xb6: {  	s15 =	smov.u32 @p1 s18  }
0xb7: {  	v6, _, _ =	vpop (xrf0);
	s15 =	smov.u32 @p2 s17  }
0xb8: {  	v6 =	vperm.xlane v6, v3;
	s15 =	smov.u32 @p6 s16  }
0xb9: {  	s15 =	simm.s32 @p0 $0x0  }
0xba: {  	v7 =	vadd.s32 s15, v6  }
0xbb: {  	vm0 =	vgt.s32 v7, $0x3F  }
0xbc: {  	v7 =	vnsel vm0, $0x7FFFFFFF, v4  }
0xbd: {  	(xrf0) =	vmax.scan.msk.u32 $0xffff, v7;
	_ =	sdelay $0x2  }
0xbe: {  	[tilespmem:$0x10010] =	vst v1  }
0xbf: {  	[tilespmem:$0x10020] =	vst v1  }
0xc0: {  	[tilespmem:$0x10030] =	vst v1  }
0xc1: {  	[tilespmem:$0x10040] =	vst v1;
	v7, _, _ =	vpop (xrf0)  }
0xc2: {  	[tilespmem:$0x10050] =	vst v1;
	(v2sf) =	vpush v7, $0xF  }
0xc3: {  	[tilespmem:$0x10060] =	vst v1  }
0xc4: {  	[tilespmem:$0x10070] =	vst v1  }
0xc5: {  	[tilespmem:$0x10080] =	vst v1  }
0xc6: {  	[tilespmem:$0x10090] =	vst v1  }
0xc7: {  	[tilespmem:$0x100A0] =	vst v1  }
0xc8: {  	[tilespmem:$0x100B0] =	vst v1  }
0xc9: {  	[tilespmem:$0x100C0] =	vst v1  }
0xca: {  	[tilespmem:$0x100D0] =	vst v1  }
0xcb: {  	[tilespmem:$0x100E0] =	vst v1  }
0xcc: {  	[tilespmem:$0x100F0] =	vst v1  }
0xcd: {  	[tilespmem:$0x10000] =	vst v1;
	s30 =	simm.s32 $0x8040  }
0xce: {  	v9 =	vld [tilespmem:s30+$0x10]  }
0xcf: {  	v11 =	vld [tilespmem:s30+$0x30]  }
0xd0: {  	v12 =	vld [tilespmem:s30+$0xFFFFFFC0]  }
0xd1: {  	v8 =	vld [tilespmem:s30+$0xFFFFFFD0];
	s31 =	spop (v2sf)  }
0xd2: {  	s14 =	sshll.u32 s14, $0x4;
	s16 =	sxor.u32 $0x80000000, s31  }
0xd3: {  	v13 =	vld [tilespmem:s30+$0x20];
	v10 =	vshra.s32 v9, $0x18;
	s14 =	sadd.s32 s14, s16  }
0xd4: {  	v9 =	vshrl.u32 v9, $0x10;
	v14 =	vadd.s32 $0x80, v10;
	v7 =	vmov s14  }
0xd5: {  	v15 =	vshra.s32 v12, $0x18;
	v16 =	vshrl.u32 v11, $0x10;
	v10 =	vld [tilespmem:s30+$0xFFFFFFE0];
	vm2 =	veq.s32 v14, v7  }
0xd6: {  	v17 =	vshra.s32 v8, $0x18;
	v18 =	vand.u32 $0xFF, v9;
	v9 =	vshra.s32 v11, $0x18  }
0xd7: {  	v12 =	vshrl.u32 v12, $0x10;
	v11 =	vadd.s32 $0x80, v15;
	v14 =	vadd.s32 $0x80, v9  }
0xd8: {  	v15 =	vshrl.u32 v13, $0x10;
	vm0 =	veq.s32 v11, v7;
	vm1 =	veq.s32 v14, v7;
	v14 =	vld [tilespmem:s30+$0xFFFFFFF0]  }
0xd9: {  	v9 =	vand.u32 $0xFF, v12;
	v11 =	vshra.s32 v13, $0x18;
	v12 =	vand.u32 $0xFF, v16  }
0xda: {  	v16 =	vshra.s32 v10, $0x18;
	v13 =	vld [tilespmem:s30+$0x0];
	v19 =	vadd.s32 $0x80, v11;
	v11 =	vand.u32 $0xFF, v15  }
0xdb: {  	s18 =	simm.s32 $0x80C0;
	s17 =	simm.s32 $0x0;
	v15 =	vadd.s32 $0x80, v17;
	v16 =	vadd.s32 $0x80, v16;
	[tilespmem:v18+s10+$0x0] =	vst.idx.add.s32.msk vm2, v2;
	vm2 =	veq.s32 v19, v7  }
.LBB2_5:
0xdc: {  	v17 =	vld [tilespmem:s18+$0x10];
	s17 =	sadd.s32 $0x80, s17;
	v18 =	vshrl.u32 v8, $0x10;
	v8 =	vshrl.u32 v10, $0x10  }
0xdd: {  	v19 =	vld [tilespmem:s18+$0x30];
	p0 =	slt.u32 s17, $0x7F80;
	v10 =	vshra.s32 v14, $0x18;
	v14 =	vshrl.u32 v14, $0x10  }
0xde: {  	vm4 =	veq.s32 v16, v7;
	v10 =	vadd.s32 $0x80, v10;
	[tilespmem:v12+s10+$0x0] =	vst.idx.add.s32.msk vm1, v2  }
0xdf: {  	v16 =	vand.u32 $0xFF, v8;
	v12 =	vld [tilespmem:s18+$0xFFFFFFC0];
	v20 =	vshra.s32 v13, $0x18;
	v13 =	vshrl.u32 v13, $0x10  }
0xe0: {  	vm1 =	veq.s32 v10, v7;
	v8 =	vld [tilespmem:s18+$0xFFFFFFD0];
	v10 =	vadd.s32 $0x80, v20  }
0xe1: {  	vm5 =	veq.s32 v15, v7;
	v14 =	vand.u32 $0xFF, v14;
	vm3 =	veq.s32 v10, v7;
	[tilespmem:v11+s10+$0x0] =	vst.idx.add.s32.msk vm2, v2  }
0xe2: {  	[tilespmem:v9+s10+$0x0] =	vst.idx.add.s32.msk vm0, v2;
	v9 =	vand.u32 $0xFF, v18  }
0xe3: {  	v13 =	vand.u32 $0xFF, v13;
	v10 =	vshra.s32 v17, $0x18;
	v11 =	vshrl.u32 v17, $0x10;
	v15 =	vld [tilespmem:s18+$0x20]  }
0xe4: {  	v17 =	vadd.s32 $0x80, v10;
	[tilespmem:v16+s10+$0x0] =	vst.idx.add.s32.msk vm4, v2  }
0xe5: {  	vm2 =	veq.s32 v17, v7;
	v17 =	vshrl.u32 v19, $0x10;
	v16 =	vshra.s32 v12, $0x18;
	v10 =	vld [tilespmem:s18+$0xFFFFFFE0]  }
0xe6: {  	v20 =	vand.u32 $0xFF, v11;
	v11 =	vshra.s32 v19, $0x18;
	v18 =	vshra.s32 v8, $0x18;
	[tilespmem:v14+s10+$0x0] =	vst.idx.add.s32.msk vm1, v2  }
.Ltmp1:
0xe7: {  	v11 =	vadd.s32 $0x80, v11;
	v12 =	vshrl.u32 v12, $0x10;
	v14 =	vadd.s32 $0x80, v16;
	[tilespmem:v9+s10+$0x0] =	vst.idx.add.s32.msk vm5, v2;
	(pc) =	sbr.rel @p0 .LBB2_5-.Ltmp1, $4  }
0xe8: {  	vm1 =	veq.s32 v11, v7;
	vm0 =	veq.s32 v14, v7;
	v9 =	vand.u32 $0xFF, v12;
	v14 =	vld [tilespmem:s18+$0xFFFFFFF0]  }
0xe9: {  	v12 =	vand.u32 $0xFF, v17;
	v11 =	vshra.s32 v15, $0x18;
	v15 =	vshrl.u32 v15, $0x10;
	[tilespmem:v13+s10+$0x0] =	vst.idx.add.s32.msk vm3, v2  }
0xea: {  	v17 =	vadd.s32 $0x80, v11;
	v11 =	vand.u32 $0xFF, v15;
	v16 =	vshra.s32 v10, $0x18;
	v13 =	vld [tilespmem:s18+$0x0]  }
0xeb: {  	v15 =	vadd.s32 $0x80, v18;
	s18 =	sadd.s32 $0x80, s18;
	v16 =	vadd.s32 $0x80, v16;
	[tilespmem:v20+s10+$0x0] =	vst.idx.add.s32.msk vm2, v2;
	vm2 =	veq.s32 v17, v7  }
0xec: {  	_ = 	snop  }
0xed: {  	v8 =	vshrl.u32 v8, $0x10;
	v10 =	vshrl.u32 v10, $0x10;
	v17 =	vshra.s32 v14, $0x18  }
0xee: {  	vm3 =	veq.s32 v16, v7;
	v14 =	vshrl.u32 v14, $0x10;
	v16 =	vadd.s32 $0x80, v17  }
0xef: {  	v10 =	vand.u32 $0xFF, v10;
	v17 =	vshra.s32 v13, $0x18;
	vm4 =	veq.s32 v16, v7  }
0xf0: {  	vm5 =	veq.s32 v15, v7;
	v14 =	vand.u32 $0xFF, v14;
	v16 =	vadd.s32 $0x80, v17  }
0xf1: {  	[tilespmem:v12+s10+$0x0] =	vst.idx.add.s32.msk vm1, v2;
	v12 =	vshrl.u32 v13, $0x10;
	vm1 =	veq.s32 v16, v7;
	v7 =	vand.u32 $0xFF, v8  }
0xf2: {  	[tilespmem:v11+s10+$0x0] =	vst.idx.add.s32.msk vm2, v2;
	v8 =	vand.u32 $0xFF, v12  }
0xf3: {  	[tilespmem:v9+s10+$0x0] =	vst.idx.add.s32.msk vm0, v2  }
0xf4: {  	[tilespmem:v10+s10+$0x0] =	vst.idx.add.s32.msk vm3, v2  }
0xf5: {  	[tilespmem:v14+s10+$0x0] =	vst.idx.add.s32.msk vm4, v2  }
0xf6: {  	[tilespmem:v7+s10+$0x0] =	vst.idx.add.s32.msk vm5, v2  }
0xf7: {  	[tilespmem:v8+s10+$0x0] =	vst.idx.add.s32.msk vm1, v2  }
0xf8: {  	v8 =	vmov s16;
	v7 =	vld [tilespmem:$0x10010]  }
0xf9: {  	vm0 =	veq.s32 v8, v0;
	v8 =	vxor.u32 $0x80000000, v5;
	v5 =	vld [tilespmem:$0x10020]  }
0xfa: {  	v9 =	vxor.u32 $0x80000000, v6;
	v6 =	vld [tilespmem:$0x10030];
	v8 =	vnsel vm0, $0x80000000, v8  }
0xfb: {  	v9 =	vnsel vm0, $0x80000000, v9;
	(xrf0) =	vmax.scan.msk.u32 $0xffff, v8;
	v8 =	vld [tilespmem:$0x10040]  }
0xfc: {  	(xrf0) =	vmax.scan.msk.u32 $0xffff, v9;
	v9 =	vld [tilespmem:$0x10050]  }
0xfd: {  	v10 =	vld [tilespmem:$0x10060];
	(xrf0) =	vadd.scan.msk.s32 $0xffff, v7  }
0xfe: {  	v11 =	vld [tilespmem:$0x10070];
	(xrf0) =	vadd.scan.msk.s32 $0xffff, v5  }
0xff: {  	v12 =	vld [tilespmem:$0x10080];
	(xrf0) =	vadd.scan.msk.s32 $0xffff, v6  }
0x100: {  	v13 =	vld [tilespmem:$0x10090];
	(xrf0) =	vadd.scan.msk.s32 $0xffff, v8  }
0x101: {  	v14 =	vld [tilespmem:$0x100A0];
	v15, _, _ =	vpop (xrf0);
	(xrf0) =	vadd.scan.msk.s32 $0xffff, v9  }
0x102: {  	(v2sf) =	vpush v15, $0xF;
	v16, _, _ =	vpop (xrf0);
	v15 =	vld [tilespmem:$0x100B0];
	(xrf0) =	vadd.scan.msk.s32 $0xffff, v10  }
0x103: {  	(v2sf) =	vpush v16, $0xF;
	v16 =	vld [tilespmem:$0x100C0];
	v17, _, _ =	vpop (xrf0);
	(xrf0) =	vadd.scan.msk.s32 $0xffff, v11  }
0x104: {  	(v2sf) =	vpush v17, $0xF;
	v18, _, _ =	vpop (xrf0);
	(xrf0) =	vadd.scan.msk.s32 $0xffff, v12;
	v17 =	vld [tilespmem:$0x100D0]  }
0x105: {  	v51 =	vld [tilespmem:$0x100E0];
	(v2sf) =	vpush v18, $0xF;
	v19, _, _ =	vpop (xrf0);
	(xrf0) =	vadd.scan.msk.s32 $0xffff, v13  }
0x106: {  	v52 =	vld [tilespmem:$0x100F0];
	(v2sf) =	vpush v19, $0xF;
	v20, _, _ =	vpop (xrf0);
	(xrf0) =	vadd.scan.msk.s32 $0xffff, v14  }
0x107: {  	(v2sf) =	vpush v20, $0xF;
	v53, _, _ =	vpop (xrf0);
	(xrf0) =	vadd.scan.msk.s32 $0xffff, v15  }
0x108: {  	(v2sf) =	vpush v53, $0xF;
	v54, _, _ =	vpop (xrf0);
	(xrf0) =	vadd.scan.msk.s32 $0xffff, v16  }
0x109: {  	(v2sf) =	vpush v54, $0xF;
	v55, _, _ =	vpop (xrf0);
	(xrf0) =	vadd.scan.msk.s32 $0xffff, v17  }
0x10a: {  	(v2sf) =	vpush v55, $0xF;
	v56, _, _ =	vpop (xrf0);
	(xrf0) =	vadd.scan.msk.s32 $0xffff, v51  }
0x10b: {  	(v2sf) =	vpush v56, $0xF;
	v57, _, _ =	vpop (xrf0);
	(xrf0) =	vadd.scan.msk.s32 $0xffff, v52  }
0x10c: {  	v21, _, _ =	vpop (xrf0);
	(v2sf) =	vpush v57, $0xF  }
0x10d: {  	v58, _, _ =	vpop (xrf0);
	(v2sf) =	vpush v21, $0xF  }
0x10e: {  	v59, _, _ =	vpop (xrf0);
	(v2sf) =	vpush v58, $0xF  }
0x10f: {  	v60, _, _ =	vpop (xrf0);
	(v2sf) =	vpush v59, $0xF  }
0x110: {  	v61, _, _ =	vpop (xrf0);
	(v2sf) =	vpush v60, $0xF  }
0x111: {  	s6 =	spop (v2sf);
	(v2sf) =	vpush v61, $0xF;
	v62, _, _ =	vpop (xrf0)  }
0x112: {  	s17 =	spop (v2sf);
	(v2sf) =	vpush v62, $0xF  }
0x113: {  	s0 =	spop (v2sf)  }
0x114: {  	s2 =	spop (v2sf)  }
0x115: {  	s31 =	spop (v2sf)  }
0x116: {  	s30 =	spop (v2sf)  }
0x117: {  	s29 =	spop (v2sf)  }
0x118: {  	s28 =	spop (v2sf)  }
0x119: {  	s26 =	spop (v2sf)  }
0x11a: {  	s25 =	spop (v2sf)  }
0x11b: {  	s24 =	spop (v2sf)  }
0x11c: {  	s23 =	spop (v2sf)  }
0x11d: {  	s22 =	spop (v2sf)  }
0x11e: {  	s21 =	spop (v2sf)  }
0x11f: {  	s20 =	spop (v2sf)  }
0x120: {  	s19 =	spop (v2sf)  }
0x121: {  	s18 =	spop (v2sf)  }
0x122: {  	s19 =	sadd.s32 s19, s18  }
0x123: {  	s20 =	sadd.s32 s20, s19  }
0x124: {  	s21 =	sadd.s32 s21, s20  }
0x125: {  	s22 =	sadd.s32 s22, s21  }
0x126: {  	s23 =	sadd.s32 s23, s22  }
0x127: {  	s24 =	sadd.s32 s24, s23  }
0x128: {  	s25 =	sadd.s32 s25, s24  }
0x129: {  	s26 =	sadd.s32 s26, s25  }
0x12a: {  	s28 =	sadd.s32 s28, s26  }
0x12b: {  	s29 =	sadd.s32 s29, s28  }
0x12c: {  	s17 =	sxor.u32 $0x7FFFFFFF, s17;
	s30 =	sadd.s32 s30, s29  }
0x12d: {  	s15 =	ssub.s32 s17, s15;
	s31 =	sadd.s32 s31, s30  }
0x12e: {  	s15 =	sadd.s32 s6, s15;
	s2 =	sadd.s32 s2, s31  }
0x12f: {  	s15 =	sadd.s32 $0x80000041, s15;
	s16 =	sadd.s32 s0, s2  }
0x130: {  	s17 =	simm.s32 $0x1;
	p0 =	sge.s32 s16, s15  }
0x131: {  	s17 =	simm.s32 @!p0 $0x0;
	p0 =	slt.s32 s2, s15  }
0x132: {  	s17 =	simm.s32 @!p0 $0x2;
	p0 =	slt.s32 s31, s15  }
0x133: {  	s17 =	simm.s32 @!p0 $0x3;
	p0 =	slt.s32 s30, s15  }
0x134: {  	s17 =	simm.s32 @!p0 $0x4;
	p0 =	slt.s32 s29, s15  }
0x135: {  	s17 =	simm.s32 @!p0 $0x5;
	p0 =	slt.s32 s28, s15  }
0x136: {  	s17 =	simm.s32 @!p0 $0x6;
	p0 =	slt.s32 s26, s15  }
0x137: {  	s17 =	simm.s32 @!p0 $0x7;
	p0 =	slt.s32 s25, s15  }
0x138: {  	s17 =	simm.s32 @!p0 $0x8;
	p0 =	slt.s32 s24, s15  }
0x139: {  	s17 =	simm.s32 @!p0 $0x9;
	p0 =	slt.s32 s23, s15  }
0x13a: {  	s17 =	simm.s32 @!p0 $0xA;
	p0 =	slt.s32 s22, s15  }
0x13b: {  	s17 =	simm.s32 @!p0 $0xB;
	p0 =	slt.s32 s21, s15  }
0x13c: {  	v63 =	vld [tilespmem:$0x10000];
	s17 =	simm.s32 @!p0 $0xC;
	p0 =	slt.s32 s20, s15  }
0x13d: {  	s17 =	simm.s32 @!p0 $0xD;
	p0 =	slt.s32 s19, s15  }
0x13e: {  	s17 =	simm.s32 @!p0 $0xE;
	p0 =	slt.s32 s18, s15  }
0x13f: {  	s17 =	simm.s32 @!p0 $0xF  }
0x140: {  	p2 =	seq.s32 s17, $0x1  }
0x141: {  	p6 =	seq.s32 s17, $0x2;
	v7 =	vpsel p2, v7, v63  }
0x142: {  	p5 =	seq.s32 s17, $0x3;
	p0 =	seq.s32 s17, $0x4;
	v5 =	vpsel p6, v5, v7  }
0x143: {  	s0 =	simm.s32 @!p0 $0x0;
	v5 =	vpsel p5, v6, v5  }
0x144: {  	s0 =	simm.s32 @p0 $0x1;
	v5 =	vpsel p0, v8, v5;
	p0 =	seq.s32 s17, $0x5  }
0x145: {  	[smem:$0x7F2] =	sst s0;
	s0 =	simm.s32 @!p0 $0x0  }
0x146: {  	v5 =	vpsel p0, v9, v5;
	s0 =	simm.s32 @p0 $0x1;
	p0 =	seq.s32 s17, $0x6  }
0x147: {  	[smem:$0x7F3] =	sst s0;
	s0 =	simm.s32 @!p0 $0x0  }
0x148: {  	v5 =	vpsel p0, v10, v5;
	s0 =	simm.s32 @p0 $0x1;
	p0 =	seq.s32 s17, $0x7  }
0x149: {  	[smem:$0x7F4] =	sst s0;
	s0 =	simm.s32 @!p0 $0x0  }
0x14a: {  	v5 =	vpsel p0, v11, v5;
	s0 =	simm.s32 @p0 $0x1;
	p0 =	seq.s32 s17, $0x8  }
0x14b: {  	[smem:$0x7F5] =	sst s0;
	s0 =	simm.s32 @!p0 $0x0  }
0x14c: {  	v5 =	vpsel p0, v12, v5;
	s0 =	simm.s32 @p0 $0x1;
	p0 =	seq.s32 s17, $0x9  }
0x14d: {  	[smem:$0x7F6] =	sst s0;
	s0 =	simm.s32 @!p0 $0x0  }
0x14e: {  	v5 =	vpsel p0, v13, v5;
	s0 =	simm.s32 @p0 $0x1;
	p0 =	seq.s32 s17, $0x0  }
0x14f: {  	s16 =	simm.s32 @!p0 $0x0  }
0x150: {  	s16 =	smov.u32 @p2 s2  }
0x151: {  	s6 =	sld [smem:$0x7F5];
	s16 =	smov.u32 @p6 s31  }
0x152: {  	s16 =	smov.u32 @p5 s30;
	s30 =	sld [smem:$0x7F2]  }
0x153: {  	p4 =	seq.s32 s17, $0xA;
	s31 =	sld [smem:$0x7F3]  }
0x154: {  	p3 =	seq.s32 s17, $0xB;
	v5 =	vpsel p4, v14, v5;
	s2 =	sld [smem:$0x7F4]  }
0x155: {  	p1 =	seq.s32 s17, $0xC;
	[smem:$0x7F7] =	sst s0;
	v5 =	vpsel p3, v15, v5;
	p5 =	seq.s32 s30, $0x1  }
0x156: {  	v5 =	vpsel p1, v16, v5;
	p2 =	seq.s32 s17, $0xD;
	s16 =	smov.u32 @p5 s29;
	p5 =	seq.s32 s31, $0x1  }
0x157: {  	v5 =	vpsel p2, v17, v5;
	p6 =	seq.s32 s17, $0xE;
	s16 =	smov.u32 @p5 s28;
	p5 =	seq.s32 s2, $0x1  }
0x158: {  	p0 =	seq.s32 s17, $0xF;
	v5 =	vpsel p6, v51, v5;
	s16 =	smov.u32 @p5 s26;
	p5 =	seq.s32 s6, $0x1  }
0x159: {  	v5 =	vpsel p0, v52, v5;
	s16 =	smov.u32 @p5 s25;
	s25 =	sld [smem:$0x7F6]  }
0x15a: {  	v6 =	vperm.xlane v5, v3;
	s26 =	sld [smem:$0x7F7];
	_ =	sdelay $0x1  }
0x15b: {  	(xrf0) =	vadd.scan.msk.s32 $0xffff, v6;
	p5 =	seq.s32 s25, $0x1  }
0x15c: {  	s16 =	smov.u32 @p5 s24;
	p5 =	seq.s32 s26, $0x1  }
0x15d: {  	s16 =	smov.u32 @p5 s23  }
0x15e: {  	s16 =	smov.u32 @p4 s22  }
0x15f: {  	s16 =	smov.u32 @p3 s21  }
0x160: {  	s16 =	smov.u32 @p1 s20  }
0x161: {  	v6, _, _ =	vpop (xrf0);
	s16 =	smov.u32 @p2 s19  }
0x162: {  	v6 =	vperm.xlane v6, v3;
	s16 =	smov.u32 @p6 s18  }
0x163: {  	s16 =	simm.s32 @p0 $0x0  }
0x164: {  	v7 =	vadd.s32 s16, v6  }
0x165: {  	vm0 =	vlt.s32 v7, s15  }
0x166: {  	v7 =	vsel vm0, $0x7FFFFFFF, v4  }
0x167: {  	(xrf0) =	vmax.scan.msk.u32 $0xffff, v7;
	_ =	sdelay $0x4  }
0x168: {  	[tilespmem:$0x10000] =	vst v1  }
0x169: {  	[tilespmem:$0x10010] =	vst v1;
	v7, _, _ =	vpop (xrf0)  }
0x16a: {  	[tilespmem:$0x10020] =	vst v1;
	(v2sf) =	vpush v7, $0xF  }
0x16b: {  	[tilespmem:$0x10030] =	vst v1  }
0x16c: {  	[tilespmem:$0x10060] =	vst v1  }
0x16d: {  	[tilespmem:$0x10070] =	vst v1  }
0x16e: {  	[tilespmem:$0x10080] =	vst v1  }
0x16f: {  	[tilespmem:$0x10090] =	vst v1  }
0x170: {  	[tilespmem:$0x100A0] =	vst v1  }
0x171: {  	[tilespmem:$0x100E0] =	vst v1  }
0x172: {  	[tilespmem:$0x100F0] =	vst v1  }
0x173: {  	[tilespmem:$0x10040] =	vst v1  }
0x174: {  	[tilespmem:$0x10050] =	vst v1  }
0x175: {  	[tilespmem:$0x100B0] =	vst v1  }
0x176: {  	[tilespmem:$0x100C0] =	vst v1  }
0x177: {  	[tilespmem:$0x100D0] =	vst v1;
	s28 =	simm.s32 $0x8040  }
0x178: {  	v8 =	vld [tilespmem:s28+$0xFFFFFFC0]  }
0x179: {  	s14 =	sshll.u32 s14, $0x8;
	s30 =	sshll.u32 s17, $0x4;
	v10 =	vld [tilespmem:s28+$0xFFFFFFE0];
	s29 =	spop (v2sf)  }
0x17a: {  	s31 =	sadd.s32 s30, s14;
	s17 =	sxor.u32 $0x80000000, s29  }
0x17b: {  	s2 =	sadd.s32 s17, s31  }
0x17c: {  	v12 =	vld [tilespmem:s28+$0xFFFFFFF0];
	s14 =	sadd.s32 $0xFFFF8000, s2  }
0x17d: {  	v14 =	vld [tilespmem:s28+$0x20];
	v9 =	vshra.s32 v8, $0x10;
	v7 =	vmov s14  }
0x17e: {  	v8 =	vshrl.u32 v8, $0x8;
	v11 =	vshra.s32 v10, $0x10;
	vm3 =	veq.s32 v9, v7  }
0x17f: {  	v16 =	vld [tilespmem:s28+$0x30];
	v10 =	vshrl.u32 v10, $0x8;
	v15 =	vand.u32 $0xFF, v8;
	vm2 =	veq.s32 v11, v7  }
0x180: {  	v8 =	vld [tilespmem:s28+$0xFFFFFFD0];
	v11 =	vand.u32 $0xFF, v10;
	_ =	sdelay $0x1  }
0x181: {  	v17 =	vshra.s32 v14, $0x10;
	v9 =	vshrl.u32 v12, $0x8;
	v10 =	vshra.s32 v12, $0x10;
	v12 =	vld [tilespmem:s28+$0x10]  }
0x182: {  	v13 =	vld [tilespmem:s28+$0x0];
	vm1 =	veq.s32 v17, v7;
	vm0 =	veq.s32 v10, v7;
	v10 =	vshrl.u32 v14, $0x8  }
0x183: {  	s19 =	simm.s32 $0x80C0;
	s18 =	simm.s32 $0x0;
	v14 =	vshrl.u32 v16, $0x8;
	v10 =	vand.u32 $0xFF, v10;
	[tilespmem:v15+s10+$0x0] =	vst.idx.add.s32.msk vm3, v2;
	v15 =	vshra.s32 v16, $0x10  }
.LBB2_7:
0x184: {  	s18 =	sadd.s32 $0x80, s18;
	v16 =	vshra.s32 v8, $0x10;
	[tilespmem:v11+s10+$0x0] =	vst.idx.add.s32.msk vm2, v2;
	vm3 =	veq.s32 v15, v7  }
0x185: {  	v8 =	vshrl.u32 v8, $0x8;
	v11 =	vand.u32 $0xFF, v9;
	v15 =	vld [tilespmem:s19+$0xFFFFFFF0];
	p0 =	slt.u32 s18, $0x7F80;
	vm4 =	veq.s32 v16, v7  }
0x186: {  	v14 =	vand.u32 $0xFF, v14;
	v17 =	vand.u32 $0xFF, v8;
	v16 =	vld [tilespmem:s19+$0xFFFFFFE0];
	v8 =	vshra.s32 v12, $0x10  }
0x187: {  	v18 =	vld [tilespmem:s19+$0xFFFFFFC0];
	v9 =	vshra.s32 v13, $0x10;
	vm5 =	veq.s32 v8, v7;
	v8 =	vshrl.u32 v12, $0x8  }
0x188: {  	v19 =	vld [tilespmem:s19+$0x30];
	vm6 =	veq.s32 v9, v7;
	v9 =	vshrl.u32 v13, $0x8;
	v12 =	vand.u32 $0xFF, v8  }
0x189: {  	v20 =	vld [tilespmem:s19+$0x20];
	v13 =	vand.u32 $0xFF, v9  }
0x18a: {  	v8 =	vld [tilespmem:s19+$0xFFFFFFD0];
	v9 =	vshrl.u32 v15, $0x8  }
0x18b: {  	[tilespmem:v11+s10+$0x0] =	vst.idx.add.s32.msk vm0, v2  }
0x18c: {  	v21 =	vshra.s32 v16, $0x10;
	v16 =	vshrl.u32 v16, $0x8;
	v11 =	vshra.s32 v18, $0x10;
	[tilespmem:v10+s10+$0x0] =	vst.idx.add.s32.msk vm1, v2  }
0x18d: {  	v10 =	vshrl.u32 v18, $0x8;
	vm2 =	veq.s32 v21, v7;
	vm7 =	veq.s32 v11, v7;
	[tilespmem:v12+s10+$0x0] =	vst.idx.add.s32.msk vm5, v2  }
0x18e: {  	v10 =	vand.u32 $0xFF, v10;
	v11 =	vand.u32 $0xFF, v16;
	[tilespmem:v13+s10+$0x0] =	vst.idx.add.s32.msk vm6, v2  }
.Ltmp2:
0x18f: {  	v12 =	vshra.s32 v15, $0x10;
	[tilespmem:v14+s10+$0x0] =	vst.idx.add.s32.msk vm3, v2;
	(pc) =	sbr.rel @p0 .LBB2_7-.Ltmp2, $4  }
0x190: {  	vm0 =	veq.s32 v12, v7;
	[tilespmem:v17+s10+$0x0] =	vst.idx.add.s32.msk vm4, v2  }
0x191: {  	v14 =	vshra.s32 v20, $0x10;
	v12 =	vld [tilespmem:s19+$0x10]  }
0x192: {  	vm1 =	veq.s32 v14, v7;
	v14 =	vshrl.u32 v20, $0x8;
	v13 =	vld [tilespmem:s19+$0x0]  }
0x193: {  	v15 =	vshra.s32 v19, $0x10;
	s19 =	sadd.s32 $0x80, s19;
	[tilespmem:v10+s10+$0x0] =	vst.idx.add.s32.msk vm7, v2;
	v10 =	vand.u32 $0xFF, v14;
	v14 =	vshrl.u32 v19, $0x8  }
0x194: {  	_ =	sdelay $0x2  }
0x195: {  	v9 =	vand.u32 $0xFF, v9  }
0x196: {  	v32 =	vshra.s32 v8, $0x10;
	vm5 =	veq.s32 v15, v7;
	v16 =	vshra.s32 v12, $0x10  }
0x197: {  	[tilespmem:v11+s10+$0x0] =	vst.idx.add.s32.msk vm2, v2;
	vm2 =	veq.s32 v32, v7;
	v30 =	vshrl.u32 v12, $0x8;
	vm3 =	veq.s32 v16, v7  }
0x198: {  	v17 =	vshra.s32 v13, $0x10;
	v31 =	vshrl.u32 v13, $0x8;
	v12 =	vand.u32 $0xFF, v30  }
0x199: {  	vm4 =	veq.s32 v17, v7;
	v7 =	vshrl.u32 v8, $0x8;
	v8 =	vand.u32 $0xFF, v14  }
0x19a: {  	v13 =	vand.u32 $0xFF, v31  }
0x19b: {  	[tilespmem:v10+s10+$0x0] =	vst.idx.add.s32.msk vm1, v2;
	v7 =	vand.u32 $0xFF, v7  }
0x19c: {  	[tilespmem:v9+s10+$0x0] =	vst.idx.add.s32.msk vm0, v2  }
0x19d: {  	[tilespmem:v12+s10+$0x0] =	vst.idx.add.s32.msk vm3, v2  }
0x19e: {  	[tilespmem:v8+s10+$0x0] =	vst.idx.add.s32.msk vm5, v2  }
0x19f: {  	[tilespmem:v13+s10+$0x0] =	vst.idx.add.s32.msk vm4, v2  }
0x1a0: {  	[tilespmem:v7+s10+$0x0] =	vst.idx.add.s32.msk vm2, v2  }
0x1a1: {  	v8 =	vmov s17;
	v7 =	vld [tilespmem:$0x10010]  }
0x1a2: {  	vm0 =	veq.s32 v8, v0;
	v8 =	vxor.u32 $0x80000000, v5;
	v5 =	vld [tilespmem:$0x10020]  }
0x1a3: {  	v9 =	vxor.u32 $0x80000000, v6;
	v8 =	vnsel vm0, $0x80000000, v8;
	v6 =	vld [tilespmem:$0x10030]  }
0x1a4: {  	v9 =	vnsel vm0, $0x80000000, v9;
	(xrf0) =	vmax.scan.msk.u32 $0xffff, v8;
	v8 =	vld [tilespmem:$0x10040]  }
0x1a5: {  	(xrf0) =	vmax.scan.msk.u32 $0xffff, v9;
	v9 =	vld [tilespmem:$0x10050]  }
0x1a6: {  	v10 =	vld [tilespmem:$0x10060];
	(xrf0) =	vadd.scan.msk.s32 $0xffff, v7  }
0x1a7: {  	v11 =	vld [tilespmem:$0x10070];
	(xrf0) =	vadd.scan.msk.s32 $0xffff, v5  }
0x1a8: {  	v12 =	vld [tilespmem:$0x10080];
	(xrf0) =	vadd.scan.msk.s32 $0xffff, v6  }
0x1a9: {  	v13 =	vld [tilespmem:$0x10090];
	(xrf0) =	vadd.scan.msk.s32 $0xffff, v8  }
0x1aa: {  	v34 =	vld [tilespmem:$0x100A0];
	v33, _, _ =	vpop (xrf0);
	(xrf0) =	vadd.scan.msk.s32 $0xffff, v9  }
0x1ab: {  	v36 =	vld [tilespmem:$0x100B0];
	(v2sf) =	vpush v33, $0xF;
	v35, _, _ =	vpop (xrf0);
	(xrf0) =	vadd.scan.msk.s32 $0xffff, v10  }
0x1ac: {  	v38 =	vld [tilespmem:$0x100C0];
	(v2sf) =	vpush v35, $0xF;
	v37, _, _ =	vpop (xrf0);
	(xrf0) =	vadd.scan.msk.s32 $0xffff, v11  }
0x1ad: {  	v39 =	vld [tilespmem:$0x100D0];
	(v2sf) =	vpush v37, $0xF;
	v18, _, _ =	vpop (xrf0);
	(xrf0) =	vadd.scan.msk.s32 $0xffff, v12  }
0x1ae: {  	v40 =	vld [tilespmem:$0x100E0];
	(v2sf) =	vpush v18, $0xF;
	v19, _, _ =	vpop (xrf0);
	(xrf0) =	vadd.scan.msk.s32 $0xffff, v13  }
0x1af: {  	v41 =	vld [tilespmem:$0x100F0];
	(v2sf) =	vpush v19, $0xF;
	v20, _, _ =	vpop (xrf0);
	(xrf0) =	vadd.scan.msk.s32 $0xffff, v34  }
0x1b0: {  	(v2sf) =	vpush v20, $0xF;
	v42, _, _ =	vpop (xrf0);
	(xrf0) =	vadd.scan.msk.s32 $0xffff, v36  }
0x1b1: {  	(v2sf) =	vpush v42, $0xF;
	v43, _, _ =	vpop (xrf0);
	(xrf0) =	vadd.scan.msk.s32 $0xffff, v38  }
0x1b2: {  	(v2sf) =	vpush v43, $0xF;
	v44, _, _ =	vpop (xrf0);
	(xrf0) =	vadd.scan.msk.s32 $0xffff, v39  }
0x1b3: {  	(v2sf) =	vpush v44, $0xF;
	v45, _, _ =	vpop (xrf0);
	(xrf0) =	vadd.scan.msk.s32 $0xffff, v40  }
0x1b4: {  	(v2sf) =	vpush v45, $0xF;
	v46, _, _ =	vpop (xrf0);
	(xrf0) =	vadd.scan.msk.s32 $0xffff, v41  }
0x1b5: {  	v21, _, _ =	vpop (xrf0);
	(v2sf) =	vpush v46, $0xF  }
0x1b6: {  	v47, _, _ =	vpop (xrf0);
	(v2sf) =	vpush v21, $0xF  }
0x1b7: {  	v48, _, _ =	vpop (xrf0);
	(v2sf) =	vpush v47, $0xF  }
0x1b8: {  	v49, _, _ =	vpop (xrf0);
	(v2sf) =	vpush v48, $0xF  }
0x1b9: {  	v50, _, _ =	vpop (xrf0);
	(v2sf) =	vpush v49, $0xF  }
0x1ba: {  	s0 =	spop (v2sf);
	(v2sf) =	vpush v50, $0xF;
	v51, _, _ =	vpop (xrf0)  }
0x1bb: {  	s2 =	spop (v2sf);
	(v2sf) =	vpush v51, $0xF  }
0x1bc: {  	s17 =	spop (v2sf)  }
0x1bd: {  	s6 =	spop (v2sf)  }
0x1be: {  	s31 =	spop (v2sf)  }
0x1bf: {  	s30 =	spop (v2sf)  }
0x1c0: {  	s29 =	spop (v2sf)  }
0x1c1: {  	s28 =	spop (v2sf)  }
0x1c2: {  	s26 =	spop (v2sf)  }
0x1c3: {  	s25 =	spop (v2sf)  }
0x1c4: {  	s24 =	spop (v2sf)  }
0x1c5: {  	s23 =	spop (v2sf)  }
0x1c6: {  	s22 =	spop (v2sf)  }
0x1c7: {  	s21 =	spop (v2sf)  }
0x1c8: {  	s20 =	spop (v2sf)  }
0x1c9: {  	s19 =	spop (v2sf)  }
0x1ca: {  	s18 =	spop (v2sf)  }
0x1cb: {  	s19 =	sadd.s32 s19, s18  }
0x1cc: {  	s20 =	sadd.s32 s20, s19  }
0x1cd: {  	s21 =	sadd.s32 s21, s20  }
0x1ce: {  	s22 =	sadd.s32 s22, s21  }
0x1cf: {  	s23 =	sadd.s32 s23, s22  }
0x1d0: {  	s24 =	sadd.s32 s24, s23  }
0x1d1: {  	s25 =	sadd.s32 s25, s24  }
0x1d2: {  	s26 =	sadd.s32 s26, s25  }
0x1d3: {  	s28 =	sadd.s32 s28, s26  }
0x1d4: {  	s29 =	sadd.s32 s29, s28  }
0x1d5: {  	s15 =	ssub.s32 s15, s16;
	s2 =	sxor.u32 $0x7FFFFFFF, s2;
	s30 =	sadd.s32 s30, s29  }
0x1d6: {  	s2 =	sadd.s32 s15, s2;
	s31 =	sadd.s32 s31, s30  }
0x1d7: {  	s0 =	sadd.s32 s0, s2;
	s2 =	sadd.s32 s6, s31  }
0x1d8: {  	s15 =	sadd.s32 $0x80000001, s0;
	s16 =	sadd.s32 s17, s2  }
0x1d9: {  	s17 =	simm.s32 $0x1;
	p0 =	sge.s32 s16, s15  }
0x1da: {  	s17 =	simm.s32 @!p0 $0x0;
	p0 =	slt.s32 s2, s15  }
0x1db: {  	s17 =	simm.s32 @!p0 $0x2;
	p0 =	slt.s32 s31, s15  }
0x1dc: {  	s17 =	simm.s32 @!p0 $0x3;
	p0 =	slt.s32 s30, s15  }
0x1dd: {  	s17 =	simm.s32 @!p0 $0x4;
	p0 =	slt.s32 s29, s15  }
0x1de: {  	s17 =	simm.s32 @!p0 $0x5;
	p0 =	slt.s32 s28, s15  }
0x1df: {  	s17 =	simm.s32 @!p0 $0x6;
	p0 =	slt.s32 s26, s15  }
0x1e0: {  	s17 =	simm.s32 @!p0 $0x7;
	p0 =	slt.s32 s25, s15  }
0x1e1: {  	s17 =	simm.s32 @!p0 $0x8;
	p0 =	slt.s32 s24, s15  }
0x1e2: {  	s17 =	simm.s32 @!p0 $0x9;
	p0 =	slt.s32 s23, s15  }
0x1e3: {  	s17 =	simm.s32 @!p0 $0xA;
	p0 =	slt.s32 s22, s15  }
0x1e4: {  	s17 =	simm.s32 @!p0 $0xB;
	p0 =	slt.s32 s21, s15  }
0x1e5: {  	v52 =	vld [tilespmem:$0x10000];
	s17 =	simm.s32 @!p0 $0xC;
	p0 =	slt.s32 s20, s15  }
0x1e6: {  	s17 =	simm.s32 @!p0 $0xD;
	p0 =	slt.s32 s19, s15  }
0x1e7: {  	s17 =	simm.s32 @!p0 $0xE;
	p0 =	slt.s32 s18, s15  }
0x1e8: {  	s17 =	simm.s32 @!p0 $0xF  }
0x1e9: {  	p2 =	seq.s32 s17, $0x1  }
0x1ea: {  	p6 =	seq.s32 s17, $0x2;
	v7 =	vpsel p2, v7, v52  }
0x1eb: {  	p5 =	seq.s32 s17, $0x3;
	p0 =	seq.s32 s17, $0x4;
	v5 =	vpsel p6, v5, v7  }
0x1ec: {  	s0 =	simm.s32 @!p0 $0x0;
	v5 =	vpsel p5, v6, v5  }
0x1ed: {  	s0 =	simm.s32 @p0 $0x1;
	v5 =	vpsel p0, v8, v5;
	p0 =	seq.s32 s17, $0x5  }
0x1ee: {  	[smem:$0x7EC] =	sst s0;
	s0 =	simm.s32 @!p0 $0x0  }
0x1ef: {  	v5 =	vpsel p0, v9, v5;
	s0 =	simm.s32 @p0 $0x1;
	p0 =	seq.s32 s17, $0x6  }
0x1f0: {  	[smem:$0x7ED] =	sst s0;
	s0 =	simm.s32 @!p0 $0x0  }
0x1f1: {  	v5 =	vpsel p0, v10, v5;
	s0 =	simm.s32 @p0 $0x1;
	p0 =	seq.s32 s17, $0x7  }
0x1f2: {  	[smem:$0x7EE] =	sst s0;
	s0 =	simm.s32 @!p0 $0x0  }
0x1f3: {  	v5 =	vpsel p0, v11, v5;
	s0 =	simm.s32 @p0 $0x1;
	p0 =	seq.s32 s17, $0x8  }
0x1f4: {  	[smem:$0x7EF] =	sst s0;
	s0 =	simm.s32 @!p0 $0x0  }
0x1f5: {  	v5 =	vpsel p0, v12, v5;
	s0 =	simm.s32 @p0 $0x1;
	p0 =	seq.s32 s17, $0x9  }
0x1f6: {  	[smem:$0x7F0] =	sst s0;
	s0 =	simm.s32 @!p0 $0x0  }
0x1f7: {  	v5 =	vpsel p0, v13, v5;
	s0 =	simm.s32 @p0 $0x1;
	p0 =	seq.s32 s17, $0x0  }
0x1f8: {  	s16 =	simm.s32 @!p0 $0x0  }
0x1f9: {  	s16 =	smov.u32 @p2 s2  }
0x1fa: {  	s6 =	sld [smem:$0x7EF];
	s16 =	smov.u32 @p6 s31  }
0x1fb: {  	s16 =	smov.u32 @p5 s30;
	s30 =	sld [smem:$0x7EC]  }
0x1fc: {  	p4 =	seq.s32 s17, $0xA;
	s31 =	sld [smem:$0x7ED]  }
0x1fd: {  	p3 =	seq.s32 s17, $0xB;
	v5 =	vpsel p4, v34, v5;
	s2 =	sld [smem:$0x7EE]  }
0x1fe: {  	p1 =	seq.s32 s17, $0xC;
	[smem:$0x7F1] =	sst s0;
	v5 =	vpsel p3, v36, v5;
	p5 =	seq.s32 s30, $0x1  }
0x1ff: {  	v5 =	vpsel p1, v38, v5;
	p2 =	seq.s32 s17, $0xD;
	s16 =	smov.u32 @p5 s29;
	p5 =	seq.s32 s31, $0x1  }
0x200: {  	v5 =	vpsel p2, v39, v5;
	p6 =	seq.s32 s17, $0xE;
	s16 =	smov.u32 @p5 s28;
	p5 =	seq.s32 s2, $0x1  }
0x201: {  	p0 =	seq.s32 s17, $0xF;
	v5 =	vpsel p6, v40, v5;
	s16 =	smov.u32 @p5 s26;
	p5 =	seq.s32 s6, $0x1  }
0x202: {  	v5 =	vpsel p0, v41, v5;
	s16 =	smov.u32 @p5 s25;
	s25 =	sld [smem:$0x7F0]  }
0x203: {  	v6 =	vperm.xlane v5, v3;
	s26 =	sld [smem:$0x7F1];
	_ =	sdelay $0x1  }
0x204: {  	(xrf0) =	vadd.scan.msk.s32 $0xffff, v6;
	p5 =	seq.s32 s25, $0x1  }
0x205: {  	s16 =	smov.u32 @p5 s24;
	p5 =	seq.s32 s26, $0x1  }
0x206: {  	s16 =	smov.u32 @p5 s23  }
0x207: {  	s16 =	smov.u32 @p4 s22  }
0x208: {  	s16 =	smov.u32 @p3 s21  }
0x209: {  	s16 =	smov.u32 @p1 s20  }
0x20a: {  	v6, _, _ =	vpop (xrf0);
	s16 =	smov.u32 @p2 s19  }
0x20b: {  	v6 =	vperm.xlane v6, v3;
	s16 =	smov.u32 @p6 s18  }
0x20c: {  	s16 =	simm.s32 @p0 $0x0  }
0x20d: {  	v7 =	vadd.s32 s16, v6  }
0x20e: {  	vm0 =	vlt.s32 v7, s15  }
0x20f: {  	v7 =	vsel vm0, $0x7FFFFFFF, v4  }
0x210: {  	(xrf0) =	vmax.scan.msk.u32 $0xffff, v7;
	_ =	sdelay $0x3  }
0x211: {  	[tilespmem:$0x10000] =	vst v1  }
0x212: {  	[tilespmem:$0x10010] =	vst v1  }
0x213: {  	[tilespmem:$0x10020] =	vst v1;
	v7, _, _ =	vpop (xrf0)  }
0x214: {  	[tilespmem:$0x10030] =	vst v1;
	(v2sf) =	vpush v7, $0xF  }
0x215: {  	[tilespmem:$0x10060] =	vst v1  }
0x216: {  	[tilespmem:$0x10070] =	vst v1  }
0x217: {  	[tilespmem:$0x10080] =	vst v1  }
0x218: {  	[tilespmem:$0x10090] =	vst v1  }
0x219: {  	[tilespmem:$0x100A0] =	vst v1  }
0x21a: {  	[tilespmem:$0x100B0] =	vst v1  }
0x21b: {  	[tilespmem:$0x100C0] =	vst v1  }
0x21c: {  	[tilespmem:$0x100D0] =	vst v1  }
0x21d: {  	[tilespmem:$0x100E0] =	vst v1  }
0x21e: {  	[tilespmem:$0x100F0] =	vst v1  }
0x21f: {  	[tilespmem:$0x10040] =	vst v1  }
0x220: {  	[tilespmem:$0x10050] =	vst v1;
	s28 =	simm.s32 $0x8040  }
0x221: {  	v8 =	vld [tilespmem:s28+$0x30]  }
0x222: {  	v9 =	vld [tilespmem:s28+$0xFFFFFFD0]  }
0x223: {  	s14 =	sshll.u32 s14, $0x8;
	s30 =	sshll.u32 s17, $0x4;
	v10 =	vld [tilespmem:s28+$0xFFFFFFE0];
	s29 =	spop (v2sf)  }
0x224: {  	s31 =	sadd.s32 s14, s30;
	v11 =	vld [tilespmem:s28+$0xFFFFFFF0];
	s17 =	sxor.u32 $0x80000000, s29  }
0x225: {  	s14 =	sadd.s32 s17, s31  }
0x226: {  	v54 =	vld [tilespmem:s28+$0x0];
	v53 =	vshra.s32 v8, $0x8;
	v7 =	vmov s14  }
0x227: {  	v59 =	vld [tilespmem:s28+$0x20];
	v55 =	vshra.s32 v9, $0x8;
	vm1 =	veq.s32 v53, v7  }
0x228: {  	v60 =	vld [tilespmem:s28+$0xFFFFFFC0];
	v57 =	vshra.s32 v10, $0x8;
	v8 =	vand.u32 $0xFF, v8;
	vm2 =	veq.s32 v55, v7  }
0x229: {  	v56 =	vld [tilespmem:s28+$0x10];
	v58 =	vand.u32 $0xFF, v9;
	v9 =	vshra.s32 v11, $0x8;
	vm3 =	veq.s32 v57, v7  }
0x22a: {  	v10 =	vand.u32 $0xFF, v10;
	vm4 =	veq.s32 v9, v7  }
0x22b: {  	v61 =	vand.u32 $0xFF, v11;
	_ =	sdelay $0x1  }
0x22c: {  	v62 =	vshra.s32 v59, $0x8;
	v63 =	vshra.s32 v60, $0x8;
	v9 =	vshra.s32 v54, $0x8;
	[tilespmem:v8+s10+$0x0] =	vst.idx.add.s32.msk vm1, v2  }
0x22d: {  	v11 =	vand.u32 $0xFF, v60;
	vm0 =	veq.s32 v9, v7;
	v9 =	vshra.s32 v56, $0x8;
	[tilespmem:v58+s10+$0x0] =	vst.idx.add.s32.msk vm2, v2  }
0x22e: {  	v8 =	vand.u32 $0xFF, v54;
	vm1 =	veq.s32 v9, v7;
	v9 =	vand.u32 $0xFF, v56;
	[tilespmem:v10+s10+$0x0] =	vst.idx.add.s32.msk vm3, v2  }
0x22f: {  	s19 =	simm.s32 $0x80C0;
	s18 =	simm.s32 $0x0;
	vm2 =	veq.s32 v62, v7;
	vm3 =	veq.s32 v63, v7;
	v10 =	vand.u32 $0xFF, v59;
	[tilespmem:v61+s10+$0x0] =	vst.idx.add.s32.msk vm4, v2  }
.LBB2_9:
0x230: {  	v12 =	vld [tilespmem:s19+$0x30];
	s18 =	sadd.s32 $0x80, s18  }
0x231: {  	v13 =	vld [tilespmem:s19+$0xFFFFFFD0];
	p0 =	slt.u32 s18, $0x7F80  }
0x232: {  	v14 =	vld [tilespmem:s19+$0xFFFFFFE0]  }
0x233: {  	v15 =	vld [tilespmem:s19+$0xFFFFFFF0]  }
0x234: {  	v16 =	vld [tilespmem:s19+$0x0]  }
0x235: {  	v17 =	vld [tilespmem:s19+$0x10];
	v18 =	vshra.s32 v12, $0x8  }
0x236: {  	v19 =	vshra.s32 v13, $0x8;
	v13 =	vand.u32 $0xFF, v13;
	v20 =	vld [tilespmem:s19+$0x20];
	vm4 =	veq.s32 v18, v7  }
0x237: {  	v12 =	vand.u32 $0xFF, v12;
	v18 =	vld [tilespmem:s19+$0xFFFFFFC0];
	vm5 =	veq.s32 v19, v7;
	v19 =	vshra.s32 v14, $0x8  }
0x238: {  	v14 =	vand.u32 $0xFF, v14;
	vm6 =	veq.s32 v19, v7;
	v19 =	vshra.s32 v15, $0x8;
	[tilespmem:v11+s10+$0x0] =	vst.idx.add.s32.msk vm3, v2  }
0x239: {  	v15 =	vand.u32 $0xFF, v15;
	vm7 =	veq.s32 v19, v7;
	v11 =	vshra.s32 v16, $0x8;
	[tilespmem:v8+s10+$0x0] =	vst.idx.add.s32.msk vm0, v2  }
0x23a: {  	v8 =	vand.u32 $0xFF, v16;
	vm0 =	veq.s32 v11, v7;
	v11 =	vshra.s32 v17, $0x8;
	[tilespmem:v9+s10+$0x0] =	vst.idx.add.s32.msk vm1, v2  }
.Ltmp3:
0x23b: {  	v9 =	vand.u32 $0xFF, v17;
	vm1 =	veq.s32 v11, v7;
	v16 =	vshra.s32 v20, $0x8;
	[tilespmem:v10+s10+$0x0] =	vst.idx.add.s32.msk vm2, v2;
	(pc) =	sbr.rel @p0 .LBB2_9-.Ltmp3, $4  }
0x23c: {  	v10 =	vshra.s32 v18, $0x8;
	v11 =	vand.u32 $0xFF, v18;
	vm2 =	veq.s32 v16, v7;
	[tilespmem:v12+s10+$0x0] =	vst.idx.add.s32.msk vm4, v2  }
0x23d: {  	vm3 =	veq.s32 v10, v7;
	[tilespmem:v13+s10+$0x0] =	vst.idx.add.s32.msk vm5, v2;
	v10 =	vand.u32 $0xFF, v20  }
0x23e: {  	[tilespmem:v14+s10+$0x0] =	vst.idx.add.s32.msk vm6, v2  }
0x23f: {  	s19 =	sadd.s32 $0x80, s19;
	[tilespmem:v15+s10+$0x0] =	vst.idx.add.s32.msk vm7, v2  }
0x240: {  	_ =	sdelay $0x4  }
0x241: {  	[tilespmem:v11+s10+$0x0] =	vst.idx.add.s32.msk vm3, v2  }
0x242: {  	[tilespmem:v8+s10+$0x0] =	vst.idx.add.s32.msk vm0, v2  }
0x243: {  	[tilespmem:v9+s10+$0x0] =	vst.idx.add.s32.msk vm1, v2  }
0x244: {  	[tilespmem:v10+s10+$0x0] =	vst.idx.add.s32.msk vm2, v2  }
0x245: {  	v8 =	vmov s17;
	v7 =	vld [tilespmem:$0x10010]  }
0x246: {  	vm0 =	veq.s32 v8, v0;
	v8 =	vxor.u32 $0x80000000, v5;
	v5 =	vld [tilespmem:$0x10020]  }
0x247: {  	v9 =	vxor.u32 $0x80000000, v6;
	v6 =	vld [tilespmem:$0x10030];
	v8 =	vnsel vm0, $0x80000000, v8  }
0x248: {  	v9 =	vnsel vm0, $0x80000000, v9;
	(xrf0) =	vmax.scan.msk.u32 $0xffff, v8;
	v8 =	vld [tilespmem:$0x10040]  }
0x249: {  	(xrf0) =	vmax.scan.msk.u32 $0xffff, v9;
	v9 =	vld [tilespmem:$0x10050]  }
0x24a: {  	v10 =	vld [tilespmem:$0x10060];
	(xrf0) =	vadd.scan.msk.s32 $0xffff, v7  }
0x24b: {  	v11 =	vld [tilespmem:$0x10070];
	(xrf0) =	vadd.scan.msk.s32 $0xffff, v5  }
0x24c: {  	v12 =	vld [tilespmem:$0x10080];
	(xrf0) =	vadd.scan.msk.s32 $0xffff, v6  }
0x24d: {  	v13 =	vld [tilespmem:$0x10090];
	(xrf0) =	vadd.scan.msk.s32 $0xffff, v8  }
0x24e: {  	v14 =	vld [tilespmem:$0x100A0];
	v15, _, _ =	vpop (xrf0);
	(xrf0) =	vadd.scan.msk.s32 $0xffff, v9  }
0x24f: {  	v41 =	vld [tilespmem:$0x100B0];
	(v2sf) =	vpush v15, $0xF;
	v16, _, _ =	vpop (xrf0);
	(xrf0) =	vadd.scan.msk.s32 $0xffff, v10  }
0x250: {  	v42 =	vld [tilespmem:$0x100C0];
	(v2sf) =	vpush v16, $0xF;
	v17, _, _ =	vpop (xrf0);
	(xrf0) =	vadd.scan.msk.s32 $0xffff, v11  }
0x251: {  	v43 =	vld [tilespmem:$0x100D0];
	(v2sf) =	vpush v17, $0xF;
	v18, _, _ =	vpop (xrf0);
	(xrf0) =	vadd.scan.msk.s32 $0xffff, v12  }
0x252: {  	v44 =	vld [tilespmem:$0x100E0];
	(v2sf) =	vpush v18, $0xF;
	v19, _, _ =	vpop (xrf0);
	(xrf0) =	vadd.scan.msk.s32 $0xffff, v13  }
0x253: {  	v45 =	vld [tilespmem:$0x100F0];
	(v2sf) =	vpush v19, $0xF;
	v20, _, _ =	vpop (xrf0);
	(xrf0) =	vadd.scan.msk.s32 $0xffff, v14  }
0x254: {  	(v2sf) =	vpush v20, $0xF;
	v46, _, _ =	vpop (xrf0);
	(xrf0) =	vadd.scan.msk.s32 $0xffff, v41  }
0x255: {  	(v2sf) =	vpush v46, $0xF;
	v47, _, _ =	vpop (xrf0);
	(xrf0) =	vadd.scan.msk.s32 $0xffff, v42  }
0x256: {  	(v2sf) =	vpush v47, $0xF;
	v48, _, _ =	vpop (xrf0);
	(xrf0) =	vadd.scan.msk.s32 $0xffff, v43  }
0x257: {  	(v2sf) =	vpush v48, $0xF;
	v49, _, _ =	vpop (xrf0);
	(xrf0) =	vadd.scan.msk.s32 $0xffff, v44  }
0x258: {  	(v2sf) =	vpush v49, $0xF;
	v50, _, _ =	vpop (xrf0);
	(xrf0) =	vadd.scan.msk.s32 $0xffff, v45  }
0x259: {  	v21, _, _ =	vpop (xrf0);
	(v2sf) =	vpush v50, $0xF  }
0x25a: {  	v51, _, _ =	vpop (xrf0);
	(v2sf) =	vpush v21, $0xF  }
0x25b: {  	v52, _, _ =	vpop (xrf0);
	(v2sf) =	vpush v51, $0xF  }
0x25c: {  	v53, _, _ =	vpop (xrf0);
	(v2sf) =	vpush v52, $0xF  }
0x25d: {  	v54, _, _ =	vpop (xrf0);
	(v2sf) =	vpush v53, $0xF  }
0x25e: {  	s0 =	spop (v2sf);
	(v2sf) =	vpush v54, $0xF;
	v55, _, _ =	vpop (xrf0)  }
0x25f: {  	s2 =	spop (v2sf);
	(v2sf) =	vpush v55, $0xF  }
0x260: {  	s6 =	spop (v2sf)  }
0x261: {  	s25 =	spop (v2sf)  }
0x262: {  	s31 =	spop (v2sf)  }
0x263: {  	s30 =	spop (v2sf)  }
0x264: {  	s29 =	spop (v2sf)  }
0x265: {  	s28 =	spop (v2sf)  }
0x266: {  	s26 =	spop (v2sf)  }
0x267: {  	s24 =	spop (v2sf)  }
0x268: {  	s23 =	spop (v2sf)  }
0x269: {  	s22 =	spop (v2sf)  }
0x26a: {  	s21 =	spop (v2sf)  }
0x26b: {  	s20 =	spop (v2sf)  }
0x26c: {  	s19 =	spop (v2sf)  }
0x26d: {  	s18 =	spop (v2sf)  }
0x26e: {  	s17 =	spop (v2sf)  }
0x26f: {  	s18 =	sadd.s32 s18, s17  }
0x270: {  	s19 =	sadd.s32 s19, s18  }
0x271: {  	s20 =	sadd.s32 s20, s19  }
0x272: {  	s21 =	sadd.s32 s21, s20  }
0x273: {  	s22 =	sadd.s32 s22, s21  }
0x274: {  	s23 =	sadd.s32 s23, s22  }
0x275: {  	s24 =	sadd.s32 s24, s23  }
0x276: {  	s26 =	sadd.s32 s26, s24  }
0x277: {  	s28 =	sadd.s32 s28, s26  }
0x278: {  	s29 =	sadd.s32 s29, s28  }
0x279: {  	s15 =	ssub.s32 s15, s16;
	s2 =	sxor.u32 $0x7FFFFFFF, s2;
	s30 =	sadd.s32 s30, s29  }
0x27a: {  	s2 =	sadd.s32 s15, s2;
	s31 =	sadd.s32 s31, s30  }
0x27b: {  	s0 =	sadd.s32 s0, s2;
	s2 =	sadd.s32 s25, s31  }
0x27c: {  	s15 =	sadd.s32 $0x80000001, s0;
	s25 =	sadd.s32 s6, s2  }
0x27d: {  	s16 =	simm.s32 $0x1;
	p0 =	sge.s32 s25, s15  }
0x27e: {  	s16 =	simm.s32 @!p0 $0x0;
	p0 =	slt.s32 s2, s15  }
0x27f: {  	s16 =	simm.s32 @!p0 $0x2;
	p0 =	slt.s32 s31, s15  }
0x280: {  	s16 =	simm.s32 @!p0 $0x3;
	p0 =	slt.s32 s30, s15  }
0x281: {  	s16 =	simm.s32 @!p0 $0x4;
	p0 =	slt.s32 s29, s15  }
0x282: {  	s16 =	simm.s32 @!p0 $0x5;
	p0 =	slt.s32 s28, s15  }
0x283: {  	s16 =	simm.s32 @!p0 $0x6;
	p0 =	slt.s32 s26, s15  }
0x284: {  	s16 =	simm.s32 @!p0 $0x7;
	p0 =	slt.s32 s24, s15  }
0x285: {  	s16 =	simm.s32 @!p0 $0x8;
	p0 =	slt.s32 s23, s15  }
0x286: {  	s16 =	simm.s32 @!p0 $0x9;
	p0 =	slt.s32 s22, s15  }
0x287: {  	s16 =	simm.s32 @!p0 $0xA;
	p0 =	slt.s32 s21, s15  }
0x288: {  	s16 =	simm.s32 @!p0 $0xB;
	p0 =	slt.s32 s20, s15  }
0x289: {  	v56 =	vld [tilespmem:$0x10000];
	s16 =	simm.s32 @!p0 $0xC;
	p0 =	slt.s32 s19, s15  }
0x28a: {  	s16 =	simm.s32 @!p0 $0xD;
	p0 =	slt.s32 s18, s15  }
0x28b: {  	s16 =	simm.s32 @!p0 $0xE;
	p0 =	slt.s32 s17, s15  }
0x28c: {  	s16 =	simm.s32 @!p0 $0xF  }
0x28d: {  	p2 =	seq.s32 s16, $0x1  }
0x28e: {  	p6 =	seq.s32 s16, $0x2;
	v7 =	vpsel p2, v7, v56  }
0x28f: {  	p5 =	seq.s32 s16, $0x3;
	p0 =	seq.s32 s16, $0x4;
	v5 =	vpsel p6, v5, v7  }
0x290: {  	s0 =	simm.s32 @!p0 $0x0;
	v5 =	vpsel p5, v6, v5  }
0x291: {  	s0 =	simm.s32 @p0 $0x1;
	v5 =	vpsel p0, v8, v5;
	p0 =	seq.s32 s16, $0x5  }
0x292: {  	[smem:$0x7E6] =	sst s0;
	s0 =	simm.s32 @!p0 $0x0  }
0x293: {  	v5 =	vpsel p0, v9, v5;
	s0 =	simm.s32 @p0 $0x1;
	p0 =	seq.s32 s16, $0x6  }
0x294: {  	[smem:$0x7E7] =	sst s0;
	s0 =	simm.s32 @!p0 $0x0  }
0x295: {  	v5 =	vpsel p0, v10, v5;
	s0 =	simm.s32 @p0 $0x1;
	p0 =	seq.s32 s16, $0x7  }
0x296: {  	[smem:$0x7E8] =	sst s0;
	s0 =	simm.s32 @!p0 $0x0  }
0x297: {  	v5 =	vpsel p0, v11, v5;
	s0 =	simm.s32 @p0 $0x1;
	p0 =	seq.s32 s16, $0x8  }
0x298: {  	[smem:$0x7E9] =	sst s0;
	s0 =	simm.s32 @!p0 $0x0  }
0x299: {  	v5 =	vpsel p0, v12, v5;
	s0 =	simm.s32 @p0 $0x1;
	p0 =	seq.s32 s16, $0x9  }
0x29a: {  	[smem:$0x7EA] =	sst s0;
	s0 =	simm.s32 @!p0 $0x0  }
0x29b: {  	v5 =	vpsel p0, v13, v5;
	s0 =	simm.s32 @p0 $0x1;
	p0 =	seq.s32 s16, $0x0  }
0x29c: {  	s25 =	simm.s32 @!p0 $0x0  }
0x29d: {  	s6 =	sld [smem:$0x7E6];
	s25 =	smov.u32 @p2 s2  }
0x29e: {  	p4 =	seq.s32 s16, $0xA;
	[smem:$0x7EB] =	sst s0;
	s25 =	smov.u32 @p6 s31  }
0x29f: {  	p3 =	seq.s32 s16, $0xB;
	v5 =	vpsel p4, v14, v5;
	s25 =	smov.u32 @p5 s30;
	s30 =	sld [smem:$0x7E7]  }
0x2a0: {  	p1 =	seq.s32 s16, $0xC;
	v5 =	vpsel p3, v41, v5;
	s31 =	sld [smem:$0x7E8]  }
0x2a1: {  	v5 =	vpsel p1, v42, v5;
	p2 =	seq.s32 s16, $0xD;
	s2 =	sld [smem:$0x7E9];
	p5 =	seq.s32 s6, $0x1  }
0x2a2: {  	v5 =	vpsel p2, v43, v5;
	p6 =	seq.s32 s16, $0xE;
	s25 =	smov.u32 @p5 s29;
	p5 =	seq.s32 s30, $0x1  }
0x2a3: {  	p0 =	seq.s32 s16, $0xF;
	v5 =	vpsel p6, v44, v5;
	s25 =	smov.u32 @p5 s28;
	p5 =	seq.s32 s31, $0x1  }
0x2a4: {  	s6 =	sld [smem:$0x7EA];
	v5 =	vpsel p0, v45, v5;
	s25 =	smov.u32 @p5 s26;
	p5 =	seq.s32 s2, $0x1  }
0x2a5: {  	v5 =	vperm.xlane v5, v3;
	s25 =	smov.u32 @p5 s24;
	s24 =	sld [smem:$0x7EB];
	_ =	sdelay $0x1  }
0x2a6: {  	(xrf0) =	vadd.scan.msk.s32 $0xffff, v5;
	p5 =	seq.s32 s6, $0x1  }
0x2a7: {  	s25 =	smov.u32 @p5 s23;
	p5 =	seq.s32 s24, $0x1  }
0x2a8: {  	s25 =	smov.u32 @p5 s22  }
0x2a9: {  	s25 =	smov.u32 @p4 s21  }
0x2aa: {  	s25 =	smov.u32 @p3 s20  }
0x2ab: {  	s25 =	smov.u32 @p1 s19  }
0x2ac: {  	v5, _, _ =	vpop (xrf0);
	s25 =	smov.u32 @p2 s18  }
0x2ad: {  	v5 =	vperm.xlane v5, v3;
	s25 =	smov.u32 @p6 s17  }
0x2ae: {  	s25 =	simm.s32 @p0 $0x0  }
0x2af: {  	v5 =	vadd.s32 s25, v5  }
0x2b0: {  	[tilespmem:$0x10000] =	vst v1;
	vm0 =	vlt.s32 v5, s15  }
0x2b1: {  	[tilespmem:$0x10010] =	vst v1;
	v5 =	vsel vm0, $0x7FFFFFFF, v4  }
0x2b2: {  	[tilespmem:$0x10020] =	vst v1;
	(xrf0) =	vmax.scan.msk.u32 $0xffff, v5  }
0x2b3: {  	[tilespmem:$0x10030] =	vst v1  }
0x2b4: {  	[tilespmem:$0x10060] =	vst v1  }
0x2b5: {  	[tilespmem:$0x10070] =	vst v1  }
0x2b6: {  	[tilespmem:$0x10080] =	vst v1  }
0x2b7: {  	[tilespmem:$0x10090] =	vst v1  }
0x2b8: {  	[tilespmem:$0x100A0] =	vst v1;
	v5, _, _ =	vpop (xrf0)  }
0x2b9: {  	[tilespmem:$0x100B0] =	vst v1;
	(v2sf) =	vpush v5, $0xF  }
0x2ba: {  	[tilespmem:$0x100C0] =	vst v1  }
0x2bb: {  	[tilespmem:$0x100D0] =	vst v1  }
0x2bc: {  	[tilespmem:$0x100E0] =	vst v1  }
0x2bd: {  	[tilespmem:$0x100F0] =	vst v1  }
0x2be: {  	[tilespmem:$0x10040] =	vst v1  }
0x2bf: {  	[tilespmem:$0x10050] =	vst v1;
	s26 =	simm.s32 $0x8040  }
0x2c0: {  	v6 =	vld [tilespmem:s26+$0x30]  }
0x2c1: {  	v9 =	vld [tilespmem:s26+$0xFFFFFFD0]  }
0x2c2: {  	v10 =	vld [tilespmem:s26+$0xFFFFFFE0]  }
0x2c3: {  	v11 =	vld [tilespmem:s26+$0xFFFFFFF0]  }
0x2c4: {  	v57 =	vld [tilespmem:s26+$0x0]  }
0x2c5: {  	v58 =	vld [tilespmem:s26+$0x10]  }
0x2c6: {  	v59 =	vld [tilespmem:s26+$0x20]  }
0x2c7: {  	s29 =	sshll.u32 s14, $0x8;
	s28 =	sshll.u32 s16, $0x4;
	v60 =	vld [tilespmem:s26+$0xFFFFFFC0];
	s15 =	simm.s32 $0x40  }
0x2c8: {  	s2 =	sadd.s32 s29, s28;
	v7 =	vld [tilespmem:s15+$0x30];
	s30 =	spop (v2sf)  }
0x2c9: {  	v61 =	vld [tilespmem:s15+$0xFFFFFFC0];
	s2 =	sadd.s32 s30, s2  }
0x2ca: {  	v62 =	vld [tilespmem:s15+$0xFFFFFFD0];
	s31 =	sadd.s32 $0x80000000, s2  }
0x2cb: {  	v8 =	vld [tilespmem:s15+$0xFFFFFFE0];
	v5 =	vmov s31  }
0x2cc: {  	vm0 =	vlt.s32 v6, v5;
	v6 =	vld [tilespmem:s15+$0xFFFFFFF0];
	vm5 =	vlt.s32 v9, v5  }
0x2cd: {  	vm4 =	vlt.s32 v10, v5;
	v63 =	vsel vm0, $0x0, v7;
	vm0 =	vlt.s32 v60, v5;
	v7 =	vld [tilespmem:s15+$0x0]  }
0x2ce: {  	vm3 =	vlt.s32 v11, v5;
	vm1 =	vlt.s32 v57, v5;
	v9 =	vld [tilespmem:s15+$0x10];
	[tilespmem:s15+$0x30] =	vst v63;
	v10 =	vsel vm0, $0x0, v61  }
0x2cf: {  	s14 =	simm.s32 $0x0;
	s16 =	simm.s32 $0x80C0;
	s17 =	simm.s32 $0x40;
	vm2 =	vlt.s32 v58, v5;
	v11 =	vsel vm5, $0x0, v62;
	vm0 =	vlt.s32 v59, v5;
	[tilespmem:s15+$0xFFFFFFC0] =	vst v10;
	v10 =	vld [tilespmem:s15+$0x20]  }
.LBB2_11:
0x2d0: {  	v12 =	vld [tilespmem:s16+$0x30];
	s14 =	sadd.s32 $0x80, s14;
	[tilespmem:s15+$0xFFFFFFD0] =	vst v11;
	v8 =	vsel vm4, $0x0, v8;
	s17 =	sadd.s32 $0x80, s17  }
0x2d1: {  	v11 =	vld [tilespmem:s17+$0x30];
	p0 =	slt.u32 s14, $0x7F80;
	[tilespmem:s15+$0xFFFFFFE0] =	vst v8;
	v6 =	vsel vm3, $0x0, v6  }
0x2d2: {  	v8 =	vld [tilespmem:s16+$0xFFFFFFD0];
	[tilespmem:s15+$0xFFFFFFF0] =	vst v6;
	v6 =	vsel vm1, $0x0, v7  }
0x2d3: {  	v7 =	vld [tilespmem:s16+$0xFFFFFFE0];
	[tilespmem:s15+$0x0] =	vst v6;
	v6 =	vsel vm2, $0x0, v9  }
0x2d4: {  	v9 =	vld [tilespmem:s16+$0xFFFFFFF0];
	[tilespmem:s15+$0x10] =	vst v6;
	v6 =	vsel vm0, $0x0, v10  }
0x2d5: {  	v10 =	vld [tilespmem:s16+$0x0];
	vm0 =	vlt.s32 v12, v5;
	[tilespmem:s15+$0x20] =	vst v6;
	s15 =	smov.u32 s17  }
0x2d6: {  	v6 =	vld [tilespmem:s16+$0x10];
	v11 =	vsel vm0, $0x0, v11  }
0x2d7: {  	vm5 =	vlt.s32 v8, v5;
	v12 =	vld [tilespmem:s16+$0x20];
	[tilespmem:s17+$0x30] =	vst v11  }
0x2d8: {  	v11 =	vld [tilespmem:s16+$0xFFFFFFC0];
	vm4 =	vlt.s32 v7, v5  }
0x2d9: {  	v13 =	vld [tilespmem:s17+$0xFFFFFFC0];
	vm3 =	vlt.s32 v9, v5  }
0x2da: {  	v14 =	vld [tilespmem:s17+$0xFFFFFFD0];
	vm1 =	vlt.s32 v10, v5  }
.Ltmp4:
0x2db: {  	v8 =	vld [tilespmem:s17+$0xFFFFFFE0];
	vm2 =	vlt.s32 v6, v5;
	(pc) =	sbr.rel @p0 .LBB2_11-.Ltmp4, $4  }
0x2dc: {  	v6 =	vld [tilespmem:s17+$0xFFFFFFF0];
	vm0 =	vlt.s32 v12, v5  }
0x2dd: {  	vm6 =	vlt.s32 v11, v5;
	v7 =	vld [tilespmem:s17+$0x0]  }
0x2de: {  	v10 =	vsel vm6, $0x0, v13;
	v9 =	vld [tilespmem:s17+$0x10]  }
0x2df: {  	s16 =	sadd.s32 $0x80, s16;
	[tilespmem:s17+$0xFFFFFFC0] =	vst v10;
	v11 =	vsel vm5, $0x0, v14;
	v10 =	vld [tilespmem:s17+$0x20]  }
0x2e0: {  	[tilespmem:s15+$0xFFFFFFD0] =	vst v11;
	v5 =	vsel vm4, $0x0, v8  }
0x2e1: {  	[tilespmem:s15+$0xFFFFFFE0] =	vst v5;
	v5 =	vsel vm3, $0x0, v6  }
0x2e2: {  	[tilespmem:s15+$0xFFFFFFF0] =	vst v5;
	v5 =	vsel vm1, $0x0, v7  }
0x2e3: {  	s12 =	sadd.s32 $0x1, s12;
	[tilespmem:s15+$0x0] =	vst v5;
	v5 =	vsel vm2, $0x0, v9  }
0x2e4: {  	p0 =	sne.s32 s12, $0x3;
	[tilespmem:s15+$0x10] =	vst v5;
	v5 =	vsel vm0, $0x0, v10  }
.Ltmp5:
0x2e5: {  	s0 =	sadd.s32 s4, s13;
	[tilespmem:s15+$0x20] =	vst v5;
	(pc) =	sbr.rel @p0 .LBB2_2-.Ltmp5, $4  }
0x2e6: {  	[hbm4b:s0+s7] =	stream.strided.scatter [tilespmem:s3], [sflag:$0x1], $0x8000, s8, s7, $0x38;
	[tilespmem:$0x10100] =	vst v63  }
0x2e7: {  	_ =	swait.ge [sflag:s9], $0x8000  }
0x2e8: {  	[sflag:s9] =	ssyncset.done $0x0  }
0x2e9: {  	[sflag:s9] =	ssyncadd.s32 $0xFFFF8000  }
0x2ea: {  	s11 =	sadd.s32 $0x1, s11;
	s0 =	rddreg [dreg:$0x3]  }
0x2eb: {  	p0 =	sne.s32 s11, s0  }
.Ltmp6:
0x2ec: {  	_ = 	snop;
	(pc) =	sbr.rel @p0 .LBB2_1-.Ltmp6, $1  }
0x2ed: {  	_ =	sdelay $0x3  }
0x2ee: {  	_ =	sfence.sel $0x180000  }
0x2ef: {  	[bflag:$0x0] =	sbarrier.arrive $0xFFFF  }
0x2f0: {  	_ =	strace $0x90000047  }
0x2f1: {  	s0 =	stileid.u32;
	[bflag:$0x2] =	sbarrier.arrive $0xFFFF  }
0x2f2: {  	p0 =	sne.s32 s0, $0x0;
	s0 =	rddreg [dreg:$0x2]  }
0x2f3: {  	s0 =	sadd.s32 @!p0 $0x100000, s0  }
0x2f4: {  	[sflag:s0] =	ssyncadd.tile.s32 @!p0 $0x1;
	_ =	shalt  }
.Lfunc_end2:
_tile_overlayer_lowered:
.L_overlay_start_2:
0x2f5: {  	(tag) =	ssettag $0x2  }
0x2f6: {  	s0 =	rddreg [dreg:$0x0];
	s2 =	stileid.u32  }
0x2f7: {  	s1 =	rddreg [dreg:$0x1];
	p0 =	sne.s32 s2, $0x0  }
0x2f8: {  	s3 =	rddreg [dreg:$0x2];
	[bflag:$0x3] =	sbarrier.arrive $0xFFFF;
	s2 =	simm.s32 @!p0 $0x1C01  }
0x2f9: {  	[timem:s3], [sflag:s2] =	dma.local @!p0 [hbm:s0], s1  }
0x2fa: {  	s0 =	simm.s32 @!p0 $0x1  }
0x2fb: {  	_ =	swait.ge @!p0 [sflag:s0], s1  }
0x2fc: {  	s1 =	ssub.s32 @!p0 $0x0, s1;
	[sflag:s0] =	ssyncset.done @!p0 $0x0  }
0x2fd: {  	[sflag:s0] =	ssyncadd.s32 @!p0 s1  }
0x2fe: {  	[bflag:$0x3] =	sbarrier.arrive $0xFFFF  }
0x2ff: {  	_ =	shalt  }

</sc_bundles>
